<compile_context>
chip_gen: v7x
topology: tpu7x:2x2x1
jax: 0.10.2.dev20260603
libtpu: 0.0.44.dev20260713+nightly
codegen_flags: <defaults>
</compile_context>

<pallas_src>
import functools

import jax
import jax.numpy as jnp
from jax import lax
from jax.experimental import pallas as pl
from jax.experimental.pallas import tpu as pltpu
from jax.experimental.pallas import tpu_sc as plsc

def _lane_gather(x, idx):
    dnums = lax.GatherDimensionNumbers(
        offset_dims=(), collapsed_slice_dims=(0,), start_index_map=(0,))
    return lax.gather(x, idx[:, None], dnums, slice_sizes=(1,),
                      mode=lax.GatherScatterMode.PROMISE_IN_BOUNDS)


_INFO = plsc.get_sparse_core_info()
_NC = _INFO.num_cores
_NS = _INFO.num_subcores
_NW = _NC * _NS


def _prep_body(ec_ref, cnt_ref, g_ref, ec0_ref):
    ec = ec_ref[...]
    cnt = cnt_ref[...]
    cntf = jnp.maximum(cnt.astype(jnp.float32), 1.0)
    g_ref[...] = ec / cntf
    ec0_ref[...] = jnp.where(cnt > 0, 0.0, ec)


def _prep(edge_costs, edge_counter):
    n = edge_costs.shape[0]
    blk = 256000
    grid = n // blk
    return pl.pallas_call(
        _prep_body,
        grid=(grid,),
        in_specs=[pl.BlockSpec((blk,), lambda i: (i,)),
                  pl.BlockSpec((blk,), lambda i: (i,))],
        out_specs=[pl.BlockSpec((blk,), lambda i: (i,)),
                   pl.BlockSpec((blk,), lambda i: (i,))],
        out_shape=[jax.ShapeDtypeStruct((n,), jnp.float32),
                   jax.ShapeDtypeStruct((n,), jnp.float32)],
    )(edge_costs, edge_counter)


def _gather3(g, c12, c13, c23):
    t = c12.shape[0]
    tw = t // _NW
    win = 20000
    nwin = tw // win
    assert nwin * win == tw and tw * _NW == t

    mesh = plsc.VectorSubcoreMesh(core_axis_name="c", subcore_axis_name="s")

    def body(g_hbm, c12_hbm, c13_hbm, c23_hbm, o12, o13, o23,
             idx_v, val_v, sem):
        wid = lax.axis_index("s") * _NC + lax.axis_index("c")
        base = wid * tw

        def step(w, carry):
            off = base + w * win
            for (c_hbm, o_hbm) in ((c12_hbm, o12), (c13_hbm, o13),
                                   (c23_hbm, o23)):
                pltpu.sync_copy(c_hbm.at[pl.ds(off, win)], idx_v)
                pltpu.async_copy(g_hbm.at[idx_v], val_v, sem).wait()
                pltpu.sync_copy(val_v, o_hbm.at[pl.ds(off, win)])
            return carry

        lax.fori_loop(0, nwin, step, 0)

    out_t = [jax.ShapeDtypeStruct((t,), jnp.float32)] * 3
    f = pl.kernel(
        body,
        out_type=out_t,
        mesh=mesh,
        scratch_types=[pltpu.VMEM((win,), jnp.int32),
                       pltpu.VMEM((win,), jnp.float32),
                       pltpu.SemaphoreType.DMA],
    )
    return f(g, c12, c13, c23)


def _mlp_body(w1_ref, b1_ref, w2_ref, b2_ref,
              tc12_ref, tc13_ref, tc23_ref, g12_ref, g13_ref, g23_ref,
              o12, o13, o23, d12, d13, d23):
    t12 = tc12_ref[...] + g12_ref[...]
    t13 = tc13_ref[...] + g13_ref[...]
    t23 = tc23_ref[...] + g23_ref[...]
    o12[...] = t12
    o13[...] = t13
    o23[...] = t23
    d0 = jnp.full_like(t12, b2_ref[0])
    d1 = jnp.full_like(t12, b2_ref[1])
    d2 = jnp.full_like(t12, b2_ref[2])
    for j in range(16):
        hj = jnp.maximum(
            t12 * w1_ref[0, j] + t13 * w1_ref[1, j] + t23 * w1_ref[2, j]
            + b1_ref[j], 0.0)
        d0 = d0 + hj * w2_ref[j, 0]
        d1 = d1 + hj * w2_ref[j, 1]
        d2 = d2 + hj * w2_ref[j, 2]
    d12[...] = d0
    d13[...] = d1
    d23[...] = d2


def _mlp(tc12, tc13, tc23, g12, g13, g23, w1, b1, w2, b2):
    t = tc12.shape[0]
    blk = 128000
    grid = t // blk
    assert grid * blk == t
    smem = pl.BlockSpec(memory_space=pltpu.SMEM)
    dspec = pl.BlockSpec((blk,), lambda i: (i,))
    return pl.pallas_call(
        _mlp_body,
        grid=(grid,),
        in_specs=[smem, smem, smem, smem] + [dspec] * 6,
        out_specs=[dspec] * 6,
        out_shape=[jax.ShapeDtypeStruct((t,), jnp.float32)] * 6,
    )(w1, b1, w2, b2, tc12, tc13, tc23, g12, g13, g23)


def _scatter3(ec0, c12, c13, c23, d12, d13, d23):
    e = ec0.shape[0]
    t3 = c12.shape[0]
    nchunk = 2 * _NC
    ch = e // nchunk
    chs = ch // _NS
    trash = _NS * 128
    tt = t3 // _NS
    win = 10000
    nwin = tt // win
    assert nwin * win == tt
    assert ch * nchunk == e and chs * _NS == ch and chs % win == 0

    mesh = plsc.VectorSubcoreMesh(core_axis_name="c", subcore_axis_name="s")

    def body(ec0_hbm, c12_hbm, c13_hbm, c23_hbm, d12_hbm, d13_hbm, d23_hbm,
             ec_out, acc_sh, idx_v, val_v, oidx_v, sem):
        cid = lax.axis_index("c")
        sid = lax.axis_index("s")
        tbase = sid * tt
        iota = lax.iota(jnp.int32, 16)
        for r in range(nchunk // _NC):
            chunk = r * _NC + cid
            cbase = chunk * ch
            def stage(p, carry):
                pltpu.sync_copy(
                    ec0_hbm.at[pl.ds(cbase + sid * chs + p * win, win)],
                    val_v)
                pltpu.sync_copy(
                    val_v, acc_sh.at[pl.ds(sid * chs + p * win, win)])
                return carry

            lax.fori_loop(0, chs // win, stage, 0)
            plsc.subcore_barrier()

            def step(w, carry):
                off = tbase + w * win
                for (c_hbm, d_hbm) in ((c12_hbm, d12_hbm),
                                       (c13_hbm, d13_hbm),
                                       (c23_hbm, d23_hbm)):
                    pltpu.sync_copy(c_hbm.at[pl.ds(off, win)], idx_v)
                    pltpu.sync_copy(d_hbm.at[pl.ds(off, win)], val_v)

                    def vec(k, c2):
                        idx = idx_v[pl.ds(k * 16, 16)]
                        il = idx - cbase
                        inr = (il >= 0) & (il < ch)
                        tl = ch + sid * 128 + lax.rem(k, 8) * 16 + iota
                        oidx_v[pl.ds(k * 16, 16)] = jnp.where(inr, il, tl)
                        return c2

                    lax.fori_loop(0, win // 16, vec, 0)
                    pltpu.sync_copy(val_v, acc_sh.at[oidx_v], add=True)
                return carry

            lax.fori_loop(0, nwin, step, 0)
            plsc.subcore_barrier()

            def unstage(p, carry):
                pltpu.sync_copy(
                    acc_sh.at[pl.ds(sid * chs + p * win, win)], val_v)
                pltpu.sync_copy(
                    val_v,
                    ec_out.at[pl.ds(cbase + sid * chs + p * win, win)])
                return carry

            lax.fori_loop(0, chs // win, unstage, 0)
            plsc.subcore_barrier()

    f = pl.kernel(
        body,
        out_type=jax.ShapeDtypeStruct((e,), jnp.float32),
        mesh=mesh,
        scratch_types=[pltpu.VMEM_SHARED((ch + trash,), jnp.float32),
                       pltpu.VMEM((win,), jnp.int32),
                       pltpu.VMEM((win,), jnp.float32),
                       pltpu.VMEM((win,), jnp.int32),
                       pltpu.SemaphoreType.DMA],
    )
    return f(ec0, c12, c13, c23, d12, d13, d23)


def kernel(edge_costs, edge_counter, t12_costs, t13_costs, t23_costs,
           tri_corr_12, tri_corr_13, tri_corr_23, W1, b1, W2, b2):
    g, ec0 = _prep(edge_costs, edge_counter)
    g12, g13, g23 = _gather3(g, tri_corr_12, tri_corr_13, tri_corr_23)
    t12, t13, t23, d12, d13, d23 = _mlp(
        t12_costs, t13_costs, t23_costs, g12, g13, g23, W1, b1, W2, b2)
    ec = _scatter3(ec0, tri_corr_12, tri_corr_13, tri_corr_23, d12, d13, d23)
    return (ec, t12, t13, t23)

# --- scband reference (transcript-rebuilt; emitter-appended) ---
"""Pipeline reference for scband-mlpmessage-passing-22411139350835 (READ-ONLY COPY).

The authoritative reference and input builder live on the scoring server;
editing this copy changes nothing except your own understanding.
"""

import jax, jax.numpy as jnp
import numpy as np

E = 6400000
T = 6400000
HID = 16

def setup_inputs(seed: int = 0) -> dict:
    key = jax.random.key(seed)
    ks = jax.random.split(key, 12)
    inp = {}
    inp['edge_costs'] = jax.random.normal(ks[0], (E,), dtype=jnp.float32)
    inp['edge_counter'] = jax.random.randint(ks[1], (E,), 0, 5, dtype=jnp.int32)
    inp['t12_costs'] = jax.random.normal(ks[2], (T,), dtype=jnp.float32)
    inp['t13_costs'] = jax.random.normal(ks[3], (T,), dtype=jnp.float32)
    inp['t23_costs'] = jax.random.normal(ks[4], (T,), dtype=jnp.float32)
    inp['tri_corr_12'] = jax.random.randint(ks[5], (T,), 0, E, dtype=jnp.int32)
    inp['tri_corr_13'] = jax.random.randint(ks[6], (T,), 0, E, dtype=jnp.int32)
    inp['tri_corr_23'] = jax.random.randint(ks[7], (T,), 0, E, dtype=jnp.int32)
    inp['W1'] = jax.random.normal(ks[8], (3, HID), dtype=jnp.float32) * (1.0 / np.sqrt(3.0))
    inp['b1'] = jnp.zeros((HID,), dtype=jnp.float32)
    inp['W2'] = jax.random.normal(ks[9], (HID, 3), dtype=jnp.float32) * (1.0 / np.sqrt(float(HID)))
    inp['b2'] = jnp.zeros((3,), dtype=jnp.float32)
    return inp

def reference(edge_costs, edge_counter, t12_costs, t13_costs, t23_costs, tri_corr_12, tri_corr_13, tri_corr_23, W1, b1, W2, b2):
    # send_messages_to_triplets: gather edge costs / counts into triplet costs
    def step(tcost, corr):
        edge_vals = jnp.take(edge_costs, corr, axis=0)
        counts = jnp.clip(jnp.take(edge_counter, corr, axis=0).astype(jnp.float32), 1.0, None)
        return tcost + edge_vals / counts
    t12 = step(t12_costs, tri_corr_12)
    t13 = step(t13_costs, tri_corr_13)
    t23 = step(t23_costs, tri_corr_23)
    mask = edge_counter > 0
    ec = jnp.where(mask, jnp.float32(0.0), edge_costs)
    # send_messages_to_edges_mlp: MLP on triplet features, scatter-add back to edges
    tri_features = jnp.stack([t12, t13, t23], axis=1)
    h = jnp.maximum(tri_features @ W1 + b1, 0.0)
    delta = h @ W2 + b2
    edge_updates = jnp.zeros_like(ec)
    edge_updates = edge_updates.at[tri_corr_12].add(delta[:, 0])
    edge_updates = edge_updates.at[tri_corr_13].add(delta[:, 1])
    edge_updates = edge_updates.at[tri_corr_23].add(delta[:, 2])
    ec = ec + edge_updates
    return (ec, t12, t13, t23)

if __name__ == "__main__":
    import jax
    _d = setup_inputs()
    print(jax.jit(kernel)(*tuple(_d.values())))

</pallas_src>

<mosaic_0001>
#map = affine_map<(d0, d1) -> (0)>
module attributes {stable_mosaic.version = 14 : i64} {
  func.func @body(%arg0: i32, %arg1: i32, %arg2: memref<6400000xf32, #tpu.memory_space<hbm>>, %arg3: memref<6400000xi32, #tpu.memory_space<hbm>>, %arg4: memref<6400000xi32, #tpu.memory_space<hbm>>, %arg5: memref<6400000xi32, #tpu.memory_space<hbm>>, %arg6: memref<6400000xf32, #tpu.memory_space<hbm>>, %arg7: memref<6400000xf32, #tpu.memory_space<hbm>>, %arg8: memref<6400000xf32, #tpu.memory_space<hbm>>, %arg9: memref<20000xi32, #tpu.memory_space<vmem>>, %arg10: memref<20000xf32, #tpu.memory_space<vmem>>, %arg11: memref<!tpu.dma_semaphore, #tpu.memory_space<semaphore_mem>>) attributes {dimension_semantics = [#tpu.dimension_semantics<core_parallel>, #tpu.dimension_semantics<subcore_parallel>], iteration_bounds = array<i64: 2, 16>, scalar_prefetch = 0 : i64, scratch_operands = 3 : i64, tpu.core_type = #tpu.core_type<sc_vector_subcore>, window_params = [{transform_indices = #map}, {transform_indices = #map}, {transform_indices = #map}, {transform_indices = #map}, {transform_indices = #map}, {transform_indices = #map}, {transform_indices = #map}]} {
    %mul3A = arith.constant 2 : i32
    %mul3A_0 = arith.muli %arg1, %mul3A : i32
    %add3A = arith.addi %mul3A_0, %arg0 : i32
    %mul3A_1 = arith.constant 200000 : i32
    %mul3A_2 = arith.muli %add3A, %mul3A_1 : i32
    %scan3A = arith.constant 0 : i32
    %scan3A_3 = arith.constant 0 : i32
    %scan3A_4 = arith.constant 10 : i32
    %scan3A_5 = arith.addi %scan3A_3, %scan3A_4 : i32
    %scan3A_6 = arith.constant 1 : i32
    scf.for %scan3A_8 = %scan3A_3 to %scan3A_5 step %scan3A_6  : i32 {
      %mul3A_9 = arith.constant 20000 : i32
      %mul3A_10 = arith.muli %scan3A_8, %mul3A_9 : i32
      %add3A_11 = arith.addi %mul3A_2, %mul3A_10 : i32
      "tpu.region"() ({
        %run_scoped3A = tpu.sem_alloc : memref<!tpu.dma_semaphore, #tpu.memory_space<semaphore_mem>>
        %dma_start3A_22 = tpu.memref_slice %arg3[%add3A_11] : memref<6400000xi32, #tpu.memory_space<hbm>> -> memref<20000xi32, #tpu.memory_space<hbm>>
        %dma_start3A_23 = tpu.memref_slice %arg3[%add3A_11] : memref<6400000xi32, #tpu.memory_space<hbm>> -> memref<20000xi32, #tpu.memory_space<hbm>>
        tpu.enqueue_dma source(%dma_start3A_23 : memref<20000xi32, #tpu.memory_space<hbm>>) target(%arg9 : memref<20000xi32, #tpu.memory_space<vmem>>) target_semaphore(%run_scoped3A : memref<!tpu.dma_semaphore, #tpu.memory_space<semaphore_mem>>)
        %dma_wait3A_24 = tpu.memref_slice %arg3[%add3A_11] : memref<6400000xi32, #tpu.memory_space<hbm>> -> memref<20000xi32, #tpu.memory_space<hbm>>
        %dma_wait3A_25 = tpu.memref_slice %arg3[%add3A_11] : memref<6400000xi32, #tpu.memory_space<hbm>> -> memref<20000xi32, #tpu.memory_space<hbm>>
        tpu.wait_dma2 semaphore(%run_scoped3A : memref<!tpu.dma_semaphore, #tpu.memory_space<semaphore_mem>>) src(%dma_wait3A_25 : memref<20000xi32, #tpu.memory_space<hbm>>) dst(%arg9 : memref<20000xi32, #tpu.memory_space<vmem>>)
        tpu.yield
      }) : () -> ()
      %dma_start3A = arith.constant 0 : i32
      %dma_start3A_12 = tpu.memref_slice %arg2[%dma_start3A] : memref<6400000xf32, #tpu.memory_space<hbm>> -> memref<6400000xf32, #tpu.memory_space<hbm>>
      tpu.enqueue_indirect_dma source(%dma_start3A_12 : memref<6400000xf32, #tpu.memory_space<hbm>>) target(%arg10 : memref<20000xf32, #tpu.memory_space<vmem>>) offsets(%arg9 : memref<20000xi32, #tpu.memory_space<vmem>>) semaphore(%arg11 : memref<!tpu.dma_semaphore, #tpu.memory_space<semaphore_mem>>)
      %dma_wait3A = arith.constant 0 : i32
      %dma_wait3A_13 = tpu.memref_slice %arg2[%dma_wait3A] : memref<6400000xf32, #tpu.memory_space<hbm>> -> memref<6400000xf32, #tpu.memory_space<hbm>>
      tpu.wait_indirect_dma semaphore(%arg11 : memref<!tpu.dma_semaphore, #tpu.memory_space<semaphore_mem>>) src(%dma_wait3A_13 : memref<6400000xf32, #tpu.memory_space<hbm>>) dst(%arg10 : memref<20000xf32, #tpu.memory_space<vmem>>)
      "tpu.region"() ({
        %run_scoped3A = tpu.sem_alloc : memref<!tpu.dma_semaphore, #tpu.memory_space<semaphore_mem>>
        %dma_start3A_22 = tpu.memref_slice %arg6[%add3A_11] : memref<6400000xf32, #tpu.memory_space<hbm>> -> memref<20000xf32, #tpu.memory_space<hbm>>
        %dma_start3A_23 = tpu.memref_slice %arg6[%add3A_11] : memref<6400000xf32, #tpu.memory_space<hbm>> -> memref<20000xf32, #tpu.memory_space<hbm>>
        tpu.enqueue_dma source(%arg10 : memref<20000xf32, #tpu.memory_space<vmem>>) target(%dma_start3A_23 : memref<20000xf32, #tpu.memory_space<hbm>>) target_semaphore(%run_scoped3A : memref<!tpu.dma_semaphore, #tpu.memory_space<semaphore_mem>>)
        %dma_wait3A_24 = tpu.memref_slice %arg6[%add3A_11] : memref<6400000xf32, #tpu.memory_space<hbm>> -> memref<20000xf32, #tpu.memory_space<hbm>>
        %dma_wait3A_25 = tpu.memref_slice %arg6[%add3A_11] : memref<6400000xf32, #tpu.memory_space<hbm>> -> memref<20000xf32, #tpu.memory_space<hbm>>
        tpu.wait_dma2 semaphore(%run_scoped3A : memref<!tpu.dma_semaphore, #tpu.memory_space<semaphore_mem>>) src(%arg10 : memref<20000xf32, #tpu.memory_space<vmem>>) dst(%dma_wait3A_25 : memref<20000xf32, #tpu.memory_space<hbm>>)
        tpu.yield
      }) : () -> ()
      "tpu.region"() ({
        %run_scoped3A = tpu.sem_alloc : memref<!tpu.dma_semaphore, #tpu.memory_space<semaphore_mem>>
        %dma_start3A_22 = tpu.memref_slice %arg4[%add3A_11] : memref<6400000xi32, #tpu.memory_space<hbm>> -> memref<20000xi32, #tpu.memory_space<hbm>>
        %dma_start3A_23 = tpu.memref_slice %arg4[%add3A_11] : memref<6400000xi32, #tpu.memory_space<hbm>> -> memref<20000xi32, #tpu.memory_space<hbm>>
        tpu.enqueue_dma source(%dma_start3A_23 : memref<20000xi32, #tpu.memory_space<hbm>>) target(%arg9 : memref<20000xi32, #tpu.memory_space<vmem>>) target_semaphore(%run_scoped3A : memref<!tpu.dma_semaphore, #tpu.memory_space<semaphore_mem>>)
        %dma_wait3A_24 = tpu.memref_slice %arg4[%add3A_11] : memref<6400000xi32, #tpu.memory_space<hbm>> -> memref<20000xi32, #tpu.memory_space<hbm>>
        %dma_wait3A_25 = tpu.memref_slice %arg4[%add3A_11] : memref<6400000xi32, #tpu.memory_space<hbm>> -> memref<20000xi32, #tpu.memory_space<hbm>>
        tpu.wait_dma2 semaphore(%run_scoped3A : memref<!tpu.dma_semaphore, #tpu.memory_space<semaphore_mem>>) src(%dma_wait3A_25 : memref<20000xi32, #tpu.memory_space<hbm>>) dst(%arg9 : memref<20000xi32, #tpu.memory_space<vmem>>)
        tpu.yield
      }) : () -> ()
      %dma_start3A_14 = arith.constant 0 : i32
      %dma_start3A_15 = tpu.memref_slice %arg2[%dma_start3A_14] : memref<6400000xf32, #tpu.memory_space<hbm>> -> memref<6400000xf32, #tpu.memory_space<hbm>>
      tpu.enqueue_indirect_dma source(%dma_start3A_15 : memref<6400000xf32, #tpu.memory_space<hbm>>) target(%arg10 : memref<20000xf32, #tpu.memory_space<vmem>>) offsets(%arg9 : memref<20000xi32, #tpu.memory_space<vmem>>) semaphore(%arg11 : memref<!tpu.dma_semaphore, #tpu.memory_space<semaphore_mem>>)
      %dma_wait3A_16 = arith.constant 0 : i32
      %dma_wait3A_17 = tpu.memref_slice %arg2[%dma_wait3A_16] : memref<6400000xf32, #tpu.memory_space<hbm>> -> memref<6400000xf32, #tpu.memory_space<hbm>>
      tpu.wait_indirect_dma semaphore(%arg11 : memref<!tpu.dma_semaphore, #tpu.memory_space<semaphore_mem>>) src(%dma_wait3A_17 : memref<6400000xf32, #tpu.memory_space<hbm>>) dst(%arg10 : memref<20000xf32, #tpu.memory_space<vmem>>)
      "tpu.region"() ({
        %run_scoped3A = tpu.sem_alloc : memref<!tpu.dma_semaphore, #tpu.memory_space<semaphore_mem>>
        %dma_start3A_22 = tpu.memref_slice %arg7[%add3A_11] : memref<6400000xf32, #tpu.memory_space<hbm>> -> memref<20000xf32, #tpu.memory_space<hbm>>
        %dma_start3A_23 = tpu.memref_slice %arg7[%add3A_11] : memref<6400000xf32, #tpu.memory_space<hbm>> -> memref<20000xf32, #tpu.memory_space<hbm>>
        tpu.enqueue_dma source(%arg10 : memref<20000xf32, #tpu.memory_space<vmem>>) target(%dma_start3A_23 : memref<20000xf32, #tpu.memory_space<hbm>>) target_semaphore(%run_scoped3A : memref<!tpu.dma_semaphore, #tpu.memory_space<semaphore_mem>>)
        %dma_wait3A_24 = tpu.memref_slice %arg7[%add3A_11] : memref<6400000xf32, #tpu.memory_space<hbm>> -> memref<20000xf32, #tpu.memory_space<hbm>>
        %dma_wait3A_25 = tpu.memref_slice %arg7[%add3A_11] : memref<6400000xf32, #tpu.memory_space<hbm>> -> memref<20000xf32, #tpu.memory_space<hbm>>
        tpu.wait_dma2 semaphore(%run_scoped3A : memref<!tpu.dma_semaphore, #tpu.memory_space<semaphore_mem>>) src(%arg10 : memref<20000xf32, #tpu.memory_space<vmem>>) dst(%dma_wait3A_25 : memref<20000xf32, #tpu.memory_space<hbm>>)
        tpu.yield
      }) : () -> ()
      "tpu.region"() ({
        %run_scoped3A = tpu.sem_alloc : memref<!tpu.dma_semaphore, #tpu.memory_space<semaphore_mem>>
        %dma_start3A_22 = tpu.memref_slice %arg5[%add3A_11] : memref<6400000xi32, #tpu.memory_space<hbm>> -> memref<20000xi32, #tpu.memory_space<hbm>>
        %dma_start3A_23 = tpu.memref_slice %arg5[%add3A_11] : memref<6400000xi32, #tpu.memory_space<hbm>> -> memref<20000xi32, #tpu.memory_space<hbm>>
        tpu.enqueue_dma source(%dma_start3A_23 : memref<20000xi32, #tpu.memory_space<hbm>>) target(%arg9 : memref<20000xi32, #tpu.memory_space<vmem>>) target_semaphore(%run_scoped3A : memref<!tpu.dma_semaphore, #tpu.memory_space<semaphore_mem>>)
        %dma_wait3A_24 = tpu.memref_slice %arg5[%add3A_11] : memref<6400000xi32, #tpu.memory_space<hbm>> -> memref<20000xi32, #tpu.memory_space<hbm>>
        %dma_wait3A_25 = tpu.memref_slice %arg5[%add3A_11] : memref<6400000xi32, #tpu.memory_space<hbm>> -> memref<20000xi32, #tpu.memory_space<hbm>>
        tpu.wait_dma2 semaphore(%run_scoped3A : memref<!tpu.dma_semaphore, #tpu.memory_space<semaphore_mem>>) src(%dma_wait3A_25 : memref<20000xi32, #tpu.memory_space<hbm>>) dst(%arg9 : memref<20000xi32, #tpu.memory_space<vmem>>)
        tpu.yield
      }) : () -> ()
      %dma_start3A_18 = arith.constant 0 : i32
      %dma_start3A_19 = tpu.memref_slice %arg2[%dma_start3A_18] : memref<6400000xf32, #tpu.memory_space<hbm>> -> memref<6400000xf32, #tpu.memory_space<hbm>>
      tpu.enqueue_indirect_dma source(%dma_start3A_19 : memref<6400000xf32, #tpu.memory_space<hbm>>) target(%arg10 : memref<20000xf32, #tpu.memory_space<vmem>>) offsets(%arg9 : memref<20000xi32, #tpu.memory_space<vmem>>) semaphore(%arg11 : memref<!tpu.dma_semaphore, #tpu.memory_space<semaphore_mem>>)
      %dma_wait3A_20 = arith.constant 0 : i32
      %dma_wait3A_21 = tpu.memref_slice %arg2[%dma_wait3A_20] : memref<6400000xf32, #tpu.memory_space<hbm>> -> memref<6400000xf32, #tpu.memory_space<hbm>>
      tpu.wait_indirect_dma semaphore(%arg11 : memref<!tpu.dma_semaphore, #tpu.memory_space<semaphore_mem>>) src(%dma_wait3A_21 : memref<6400000xf32, #tpu.memory_space<hbm>>) dst(%arg10 : memref<20000xf32, #tpu.memory_space<vmem>>)
      "tpu.region"() ({
        %run_scoped3A = tpu.sem_alloc : memref<!tpu.dma_semaphore, #tpu.memory_space<semaphore_mem>>
        %dma_start3A_22 = tpu.memref_slice %arg8[%add3A_11] : memref<6400000xf32, #tpu.memory_space<hbm>> -> memref<20000xf32, #tpu.memory_space<hbm>>
        %dma_start3A_23 = tpu.memref_slice %arg8[%add3A_11] : memref<6400000xf32, #tpu.memory_space<hbm>> -> memref<20000xf32, #tpu.memory_space<hbm>>
        tpu.enqueue_dma source(%arg10 : memref<20000xf32, #tpu.memory_space<vmem>>) target(%dma_start3A_23 : memref<20000xf32, #tpu.memory_space<hbm>>) target_semaphore(%run_scoped3A : memref<!tpu.dma_semaphore, #tpu.memory_space<semaphore_mem>>)
        %dma_wait3A_24 = tpu.memref_slice %arg8[%add3A_11] : memref<6400000xf32, #tpu.memory_space<hbm>> -> memref<20000xf32, #tpu.memory_space<hbm>>
        %dma_wait3A_25 = tpu.memref_slice %arg8[%add3A_11] : memref<6400000xf32, #tpu.memory_space<hbm>> -> memref<20000xf32, #tpu.memory_space<hbm>>
        tpu.wait_dma2 semaphore(%run_scoped3A : memref<!tpu.dma_semaphore, #tpu.memory_space<semaphore_mem>>) src(%arg10 : memref<20000xf32, #tpu.memory_space<vmem>>) dst(%dma_wait3A_25 : memref<20000xf32, #tpu.memory_space<hbm>>)
        tpu.yield
      }) : () -> ()
    }
    %scan3A_7 = arith.constant 10 : i32
    return
  }
}

#map = affine_map<(d0, d1) -> (0)>
module attributes {stable_mosaic.version = 14 : i64} {
  func.func @body(%arg0: i32, %arg1: i32, %arg2: memref<6400000xf32, #tpu.memory_space<hbm>>, %arg3: memref<6400000xi32, #tpu.memory_space<hbm>>, %arg4: memref<6400000xi32, #tpu.memory_space<hbm>>, %arg5: memref<6400000xi32, #tpu.memory_space<hbm>>, %arg6: memref<6400000xf32, #tpu.memory_space<hbm>>, %arg7: memref<6400000xf32, #tpu.memory_space<hbm>>, %arg8: memref<6400000xf32, #tpu.memory_space<hbm>>, %arg9: memref<6400000xf32, #tpu.memory_space<hbm>>, %arg10: memref<1602048xf32, #tpu.memory_space<vmem_shared>>, %arg11: memref<10000xi32, #tpu.memory_space<vmem>>, %arg12: memref<10000xf32, #tpu.memory_space<vmem>>, %arg13: memref<10000xi32, #tpu.memory_space<vmem>>, %arg14: memref<!tpu.dma_semaphore, #tpu.memory_space<semaphore_mem>>) attributes {dimension_semantics = [#tpu.dimension_semantics<core_parallel>, #tpu.dimension_semantics<subcore_parallel>], iteration_bounds = array<i64: 2, 16>, scalar_prefetch = 0 : i64, scratch_operands = 5 : i64, tpu.core_type = #tpu.core_type<sc_vector_subcore>, window_params = [{transform_indices = #map}, {transform_indices = #map}, {transform_indices = #map}, {transform_indices = #map}, {transform_indices = #map}, {transform_indices = #map}, {transform_indices = #map}, {transform_indices = #map}]} {
    %mul3A = arith.constant 400000 : i32
    %mul3A_0 = arith.muli %arg1, %mul3A : i32
    %iota3A = tpu.iota {dimensions = array<i32: 0>} : vector<16xi32>
    %add3A = arith.constant 0 : i32
    %add3A_1 = arith.addi %add3A, %arg0 : i32
    %mul3A_2 = arith.constant 1600000 : i32
    %mul3A_3 = arith.muli %add3A_1, %mul3A_2 : i32
    %scan3A = arith.constant 0 : i32
    %scan3A_4 = arith.constant 0 : i32
    %scan3A_5 = arith.constant 10 : i32
    %scan3A_6 = arith.addi %scan3A_4, %scan3A_5 : i32
    %scan3A_7 = arith.constant 1 : i32
    scf.for %scan3A_48 = %scan3A_4 to %scan3A_6 step %scan3A_7  : i32 {
      %mul3A_49 = arith.constant 100000 : i32
      %mul3A_50 = arith.muli %arg1, %mul3A_49 : i32
      %add3A_51 = arith.addi %mul3A_3, %mul3A_50 : i32
      %mul3A_52 = arith.constant 10000 : i32
      %mul3A_53 = arith.muli %scan3A_48, %mul3A_52 : i32
      %add3A_54 = arith.addi %add3A_51, %mul3A_53 : i32
      "tpu.region"() ({
        %run_scoped3A = tpu.sem_alloc : memref<!tpu.dma_semaphore, #tpu.memory_space<semaphore_mem>>
        %dma_start3A = tpu.memref_slice %arg2[%add3A_54] : memref<6400000xf32, #tpu.memory_space<hbm>> -> memref<10000xf32, #tpu.memory_space<hbm>>
        %dma_start3A_60 = tpu.memref_slice %arg2[%add3A_54] : memref<6400000xf32, #tpu.memory_space<hbm>> -> memref<10000xf32, #tpu.memory_space<hbm>>
        tpu.enqueue_dma source(%dma_start3A_60 : memref<10000xf32, #tpu.memory_space<hbm>>) target(%arg12 : memref<10000xf32, #tpu.memory_space<vmem>>) target_semaphore(%run_scoped3A : memref<!tpu.dma_semaphore, #tpu.memory_space<semaphore_mem>>)
        %dma_wait3A = tpu.memref_slice %arg2[%add3A_54] : memref<6400000xf32, #tpu.memory_space<hbm>> -> memref<10000xf32, #tpu.memory_space<hbm>>
        %dma_wait3A_61 = tpu.memref_slice %arg2[%add3A_54] : memref<6400000xf32, #tpu.memory_space<hbm>> -> memref<10000xf32, #tpu.memory_space<hbm>>
        tpu.wait_dma2 semaphore(%run_scoped3A : memref<!tpu.dma_semaphore, #tpu.memory_space<semaphore_mem>>) src(%dma_wait3A_61 : memref<10000xf32, #tpu.memory_space<hbm>>) dst(%arg12 : memref<10000xf32, #tpu.memory_space<vmem>>)
        tpu.yield
      }) : () -> ()
      %mul3A_55 = arith.constant 100000 : i32
      %mul3A_56 = arith.muli %arg1, %mul3A_55 : i32
      %mul3A_57 = arith.constant 10000 : i32
      %mul3A_58 = arith.muli %scan3A_48, %mul3A_57 : i32
      %add3A_59 = arith.addi %mul3A_56, %mul3A_58 : i32
      "tpu.region"() ({
        %run_scoped3A = tpu.sem_alloc : memref<!tpu.dma_semaphore, #tpu.memory_space<semaphore_mem>>
        %dma_start3A = tpu.memref_slice %arg10[%add3A_59] : memref<1602048xf32, #tpu.memory_space<vmem_shared>> -> memref<10000xf32, #tpu.memory_space<vmem_shared>>
        %dma_start3A_60 = tpu.memref_slice %arg10[%add3A_59] : memref<1602048xf32, #tpu.memory_space<vmem_shared>> -> memref<10000xf32, #tpu.memory_space<vmem_shared>>
        tpu.enqueue_dma source(%arg12 : memref<10000xf32, #tpu.memory_space<vmem>>) target(%dma_start3A_60 : memref<10000xf32, #tpu.memory_space<vmem_shared>>) target_semaphore(%run_scoped3A : memref<!tpu.dma_semaphore, #tpu.memory_space<semaphore_mem>>)
        %dma_wait3A = tpu.memref_slice %arg10[%add3A_59] : memref<1602048xf32, #tpu.memory_space<vmem_shared>> -> memref<10000xf32, #tpu.memory_space<vmem_shared>>
        %dma_wait3A_61 = tpu.memref_slice %arg10[%add3A_59] : memref<1602048xf32, #tpu.memory_space<vmem_shared>> -> memref<10000xf32, #tpu.memory_space<vmem_shared>>
        tpu.wait_dma2 semaphore(%run_scoped3A : memref<!tpu.dma_semaphore, #tpu.memory_space<semaphore_mem>>) src(%arg12 : memref<10000xf32, #tpu.memory_space<vmem>>) dst(%dma_wait3A_61 : memref<10000xf32, #tpu.memory_space<vmem_shared>>)
        tpu.yield
      }) : () -> ()
    }
    %scan3A_8 = arith.constant 10 : i32
    %barrier3A = arith.constant 0 : index
    tpu.barrier barrier_id(%barrier3A)
    %scan3A_9 = arith.constant 0 : i32
    %scan3A_10 = arith.constant 0 : i32
    %scan3A_11 = arith.constant 40 : i32
    %scan3A_12 = arith.addi %scan3A_10, %scan3A_11 : i32
    %scan3A_13 = arith.constant 1 : i32
    scf.for %scan3A_48 = %scan3A_10 to %scan3A_12 step %scan3A_13  : i32 {
      %mul3A_49 = arith.constant 10000 : i32
      %mul3A_50 = arith.muli %scan3A_48, %mul3A_49 : i32
      %add3A_51 = arith.addi %mul3A_0, %mul3A_50 : i32
      "tpu.region"() ({
        %run_scoped3A = tpu.sem_alloc : memref<!tpu.dma_semaphore, #tpu.memory_space<semaphore_mem>>
        %dma_start3A = tpu.memref_slice %arg3[%add3A_51] : memref<6400000xi32, #tpu.memory_space<hbm>> -> memref<10000xi32, #tpu.memory_space<hbm>>
        %dma_start3A_70 = tpu.memref_slice %arg3[%add3A_51] : memref<6400000xi32, #tpu.memory_space<hbm>> -> memref<10000xi32, #tpu.memory_space<hbm>>
        tpu.enqueue_dma source(%dma_start3A_70 : memref<10000xi32, #tpu.memory_space<hbm>>) target(%arg11 : memref<10000xi32, #tpu.memory_space<vmem>>) target_semaphore(%run_scoped3A : memref<!tpu.dma_semaphore, #tpu.memory_space<semaphore_mem>>)
        %dma_wait3A = tpu.memref_slice %arg3[%add3A_51] : memref<6400000xi32, #tpu.memory_space<hbm>> -> memref<10000xi32, #tpu.memory_space<hbm>>
        %dma_wait3A_71 = tpu.memref_slice %arg3[%add3A_51] : memref<6400000xi32, #tpu.memory_space<hbm>> -> memref<10000xi32, #tpu.memory_space<hbm>>
        tpu.wait_dma2 semaphore(%run_scoped3A : memref<!tpu.dma_semaphore, #tpu.memory_space<semaphore_mem>>) src(%dma_wait3A_71 : memref<10000xi32, #tpu.memory_space<hbm>>) dst(%arg11 : memref<10000xi32, #tpu.memory_space<vmem>>)
        tpu.yield
      }) : () -> ()
      "tpu.region"() ({
        %run_scoped3A = tpu.sem_alloc : memref<!tpu.dma_semaphore, #tpu.memory_space<semaphore_mem>>
        %dma_start3A = tpu.memref_slice %arg6[%add3A_51] : memref<6400000xf32, #tpu.memory_space<hbm>> -> memref<10000xf32, #tpu.memory_space<hbm>>
        %dma_start3A_70 = tpu.memref_slice %arg6[%add3A_51] : memref<6400000xf32, #tpu.memory_space<hbm>> -> memref<10000xf32, #tpu.memory_space<hbm>>
        tpu.enqueue_dma source(%dma_start3A_70 : memref<10000xf32, #tpu.memory_space<hbm>>) target(%arg12 : memref<10000xf32, #tpu.memory_space<vmem>>) target_semaphore(%run_scoped3A : memref<!tpu.dma_semaphore, #tpu.memory_space<semaphore_mem>>)
        %dma_wait3A = tpu.memref_slice %arg6[%add3A_51] : memref<6400000xf32, #tpu.memory_space<hbm>> -> memref<10000xf32, #tpu.memory_space<hbm>>
        %dma_wait3A_71 = tpu.memref_slice %arg6[%add3A_51] : memref<6400000xf32, #tpu.memory_space<hbm>> -> memref<10000xf32, #tpu.memory_space<hbm>>
        tpu.wait_dma2 semaphore(%run_scoped3A : memref<!tpu.dma_semaphore, #tpu.memory_space<semaphore_mem>>) src(%dma_wait3A_71 : memref<10000xf32, #tpu.memory_space<hbm>>) dst(%arg12 : memref<10000xf32, #tpu.memory_space<vmem>>)
        tpu.yield
      }) : () -> ()
      %scan3A_52 = arith.constant 0 : i32
      %scan3A_53 = arith.constant 0 : i32
      %scan3A_54 = arith.constant 625 : i32
      %scan3A_55 = arith.addi %scan3A_53, %scan3A_54 : i32
      %scan3A_56 = arith.constant 1 : i32
      scf.for %scan3A_70 = %scan3A_53 to %scan3A_55 step %scan3A_56  : i32 {
        %mul3A_71 = arith.constant 16 : i32
        %mul3A_72 = arith.muli %scan3A_70, %mul3A_71 : i32
        %get3A = arith.index_cast %mul3A_72 : i32 to index
        %get3A_73 = tpu.vector_load %arg11[%get3A] {strides = array<i32>} : memref<10000xi32, #tpu.memory_space<vmem>>, vector<16xi32>,
        %get3A_74 = vector.shape_cast %get3A_73 : vector<16xi32> to vector<16xi32>
        %sub3A = vector.broadcast %mul3A_3 : i32 to vector<16xi32>
        %sub3A_75 = arith.subi %get3A_74, %sub3A : vector<16xi32>
        %ge3A = arith.constant 0 : i32
        %ge3A_76 = vector.broadcast %ge3A : i32 to vector<16xi32>
        %ge3A_77 = arith.cmpi sge, %sub3A_75, %ge3A_76 : vector<16xi32>
        %lt3A = arith.constant 1600000 : i32
        %lt3A_78 = vector.broadcast %lt3A : i32 to vector<16xi32>
        %lt3A_79 = arith.cmpi slt, %sub3A_75, %lt3A_78 : vector<16xi32>
        %and3A = arith.andi %ge3A_77, %lt3A_79 : vector<16xi1>
        %mul3A_80 = arith.constant 128 : i32
        %mul3A_81 = arith.muli %arg1, %mul3A_80 : i32
        %add3A_82 = arith.constant 1600000 : i32
        %add3A_83 = arith.addi %add3A_82, %mul3A_81 : i32
        %rem3A = arith.constant 8 : i32
        %rem3A_84 = arith.remsi %scan3A_70, %rem3A : i32
        %mul3A_85 = arith.constant 16 : i32
        %mul3A_86 = arith.muli %rem3A_84, %mul3A_85 : i32
        %add3A_87 = arith.addi %add3A_83, %mul3A_86 : i32
        %add3A_88 = vector.broadcast %add3A_87 : i32 to vector<16xi32>
        %add3A_89 = arith.addi %add3A_88, %iota3A : vector<16xi32>
        %select_n3A = arith.select %and3A, %sub3A_75, %add3A_89 : vector<16xi1>, vector<16xi32>
        %mul3A_90 = arith.constant 16 : i32
        %mul3A_91 = arith.muli %scan3A_70, %mul3A_90 : i32
        %swap3A = arith.index_cast %mul3A_91 : i32 to index
        %swap3A_92 = tpu.vector_load %arg13[%swap3A] {strides = array<i32>} : memref<10000xi32, #tpu.memory_space<vmem>>, vector<16xi32>,
        %swap3A_93 = vector.shape_cast %swap3A_92 : vector<16xi32> to vector<16xi32>
        %swap3A_94 = vector.shape_cast %select_n3A : vector<16xi32> to vector<16xi32>
        tpu.vector_store %arg13[%swap3A], %swap3A_94 {strides = array<i32>} : memref<10000xi32, #tpu.memory_space<vmem>>, vector<16xi32>,
      }
      %scan3A_57 = arith.constant 625 : i32
      "tpu.region"() ({
        %run_scoped3A = tpu.sem_alloc : memref<!tpu.dma_semaphore, #tpu.memory_space<semaphore_mem>>
        %dma_start3A = arith.constant 0 : i32
        %dma_start3A_70 = tpu.memref_slice %arg10[%dma_start3A] : memref<1602048xf32, #tpu.memory_space<vmem_shared>> -> memref<1602048xf32, #tpu.memory_space<vmem_shared>>
        tpu.enqueue_indirect_dma source(%arg12 : memref<10000xf32, #tpu.memory_space<vmem>>) target(%dma_start3A_70 : memref<1602048xf32, #tpu.memory_space<vmem_shared>>) offsets(%arg13 : memref<10000xi32, #tpu.memory_space<vmem>>) semaphore(%run_scoped3A : memref<!tpu.dma_semaphore, #tpu.memory_space<semaphore_mem>>) {add = true}
        %dma_wait3A = arith.constant 0 : i32
        %dma_wait3A_71 = tpu.memref_slice %arg10[%dma_wait3A] : memref<1602048xf32, #tpu.memory_space<vmem_shared>> -> memref<1602048xf32, #tpu.memory_space<vmem_shared>>
        tpu.wait_indirect_dma semaphore(%run_scoped3A : memref<!tpu.dma_semaphore, #tpu.memory_space<semaphore_mem>>) src(%arg12 : memref<10000xf32, #tpu.memory_space<vmem>>) dst(%dma_wait3A_71 : memref<1602048xf32, #tpu.memory_space<vmem_shared>>)
        tpu.yield
      }) : () -> ()
      "tpu.region"() ({
        %run_scoped3A = tpu.sem_alloc : memref<!tpu.dma_semaphore, #tpu.memory_space<semaphore_mem>>
        %dma_start3A = tpu.memref_slice %arg4[%add3A_51] : memref<6400000xi32, #tpu.memory_space<hbm>> -> memref<10000xi32, #tpu.memory_space<hbm>>
        %dma_start3A_70 = tpu.memref_slice %arg4[%add3A_51] : memref<6400000xi32, #tpu.memory_space<hbm>> -> memref<10000xi32, #tpu.memory_space<hbm>>
        tpu.enqueue_dma source(%dma_start3A_70 : memref<10000xi32, #tpu.memory_space<hbm>>) target(%arg11 : memref<10000xi32, #tpu.memory_space<vmem>>) target_semaphore(%run_scoped3A : memref<!tpu.dma_semaphore, #tpu.memory_space<semaphore_mem>>)
        %dma_wait3A = tpu.memref_slice %arg4[%add3A_51] : memref<6400000xi32, #tpu.memory_space<hbm>> -> memref<10000xi32, #tpu.memory_space<hbm>>
        %dma_wait3A_71 = tpu.memref_slice %arg4[%add3A_51] : memref<6400000xi32, #tpu.memory_space<hbm>> -> memref<10000xi32, #tpu.memory_space<hbm>>
        tpu.wait_dma2 semaphore(%run_scoped3A : memref<!tpu.dma_semaphore, #tpu.memory_space<semaphore_mem>>) src(%dma_wait3A_71 : memref<10000xi32, #tpu.memory_space<hbm>>) dst(%arg11 : memref<10000xi32, #tpu.memory_space<vmem>>)
        tpu.yield
      }) : () -> ()
      "tpu.region"() ({
        %run_scoped3A = tpu.sem_alloc : memref<!tpu.dma_semaphore, #tpu.memory_space<semaphore_mem>>
        %dma_start3A = tpu.memref_slice %arg7[%add3A_51] : memref<6400000xf32, #tpu.memory_space<hbm>> -> memref<10000xf32, #tpu.memory_space<hbm>>
        %dma_start3A_70 = tpu.memref_slice %arg7[%add3A_51] : memref<6400000xf32, #tpu.memory_space<hbm>> -> memref<10000xf32, #tpu.memory_space<hbm>>
        tpu.enqueue_dma source(%dma_start3A_70 : memref<10000xf32, #tpu.memory_space<hbm>>) target(%arg12 : memref<10000xf32, #tpu.memory_space<vmem>>) target_semaphore(%run_scoped3A : memref<!tpu.dma_semaphore, #tpu.memory_space<semaphore_mem>>)
        %dma_wait3A = tpu.memref_slice %arg7[%add3A_51] : memref<6400000xf32, #tpu.memory_space<hbm>> -> memref<10000xf32, #tpu.memory_space<hbm>>
        %dma_wait3A_71 = tpu.memref_slice %arg7[%add3A_51] : memref<6400000xf32, #tpu.memory_space<hbm>> -> memref<10000xf32, #tpu.memory_space<hbm>>
        tpu.wait_dma2 semaphore(%run_scoped3A : memref<!tpu.dma_semaphore, #tpu.memory_space<semaphore_mem>>) src(%dma_wait3A_71 : memref<10000xf32, #tpu.memory_space<hbm>>) dst(%arg12 : memref<10000xf32, #tpu.memory_space<vmem>>)
        tpu.yield
      }) : () -> ()
      %scan3A_58 = arith.constant 0 : i32
      %scan3A_59 = arith.constant 0 : i32
      %scan3A_60 = arith.constant 625 : i32
      %scan3A_61 = arith.addi %scan3A_59, %scan3A_60 : i32
      %scan3A_62 = arith.constant 1 : i32
      scf.for %scan3A_70 = %scan3A_59 to %scan3A_61 step %scan3A_62  : i32 {
        %mul3A_71 = arith.constant 16 : i32
        %mul3A_72 = arith.muli %scan3A_70, %mul3A_71 : i32
        %get3A = arith.index_cast %mul3A_72 : i32 to index
        %get3A_73 = tpu.vector_load %arg11[%get3A] {strides = array<i32>} : memref<10000xi32, #tpu.memory_space<vmem>>, vector<16xi32>,
        %get3A_74 = vector.shape_cast %get3A_73 : vector<16xi32> to vector<16xi32>
        %sub3A = vector.broadcast %mul3A_3 : i32 to vector<16xi32>
        %sub3A_75 = arith.subi %get3A_74, %sub3A : vector<16xi32>
        %ge3A = arith.constant 0 : i32
        %ge3A_76 = vector.broadcast %ge3A : i32 to vector<16xi32>
        %ge3A_77 = arith.cmpi sge, %sub3A_75, %ge3A_76 : vector<16xi32>
        %lt3A = arith.constant 1600000 : i32
        %lt3A_78 = vector.broadcast %lt3A : i32 to vector<16xi32>
        %lt3A_79 = arith.cmpi slt, %sub3A_75, %lt3A_78 : vector<16xi32>
        %and3A = arith.andi %ge3A_77, %lt3A_79 : vector<16xi1>
        %mul3A_80 = arith.constant 128 : i32
        %mul3A_81 = arith.muli %arg1, %mul3A_80 : i32
        %add3A_82 = arith.constant 1600000 : i32
        %add3A_83 = arith.addi %add3A_82, %mul3A_81 : i32
        %rem3A = arith.constant 8 : i32
        %rem3A_84 = arith.remsi %scan3A_70, %rem3A : i32
        %mul3A_85 = arith.constant 16 : i32
        %mul3A_86 = arith.muli %rem3A_84, %mul3A_85 : i32
        %add3A_87 = arith.addi %add3A_83, %mul3A_86 : i32
        %add3A_88 = vector.broadcast %add3A_87 : i32 to vector<16xi32>
        %add3A_89 = arith.addi %add3A_88, %iota3A : vector<16xi32>
        %select_n3A = arith.select %and3A, %sub3A_75, %add3A_89 : vector<16xi1>, vector<16xi32>
        %mul3A_90 = arith.constant 16 : i32
        %mul3A_91 = arith.muli %scan3A_70, %mul3A_90 : i32
        %swap3A = arith.index_cast %mul3A_91 : i32 to index
        %swap3A_92 = tpu.vector_load %arg13[%swap3A] {strides = array<i32>} : memref<10000xi32, #tpu.memory_space<vmem>>, vector<16xi32>,
        %swap3A_93 = vector.shape_cast %swap3A_92 : vector<16xi32> to vector<16xi32>
        %swap3A_94 = vector.shape_cast %select_n3A : vector<16xi32> to vector<16xi32>
        tpu.vector_store %arg13[%swap3A], %swap3A_94 {strides = array<i32>} : memref<10000xi32, #tpu.memory_space<vmem>>, vector<16xi32>,
      }
      %scan3A_63 = arith.constant 625 : i32
      "tpu.region"() ({
        %run_scoped3A = tpu.sem_alloc : memref<!tpu.dma_semaphore, #tpu.memory_space<semaphore_mem>>
        %dma_start3A = arith.constant 0 : i32
        %dma_start3A_70 = tpu.memref_slice %arg10[%dma_start3A] : memref<1602048xf32, #tpu.memory_space<vmem_shared>> -> memref<1602048xf32, #tpu.memory_space<vmem_shared>>
        tpu.enqueue_indirect_dma source(%arg12 : memref<10000xf32, #tpu.memory_space<vmem>>) target(%dma_start3A_70 : memref<1602048xf32, #tpu.memory_space<vmem_shared>>) offsets(%arg13 : memref<10000xi32, #tpu.memory_space<vmem>>) semaphore(%run_scoped3A : memref<!tpu.dma_semaphore, #tpu.memory_space<semaphore_mem>>) {add = true}
        %dma_wait3A = arith.constant 0 : i32
        %dma_wait3A_71 = tpu.memref_slice %arg10[%dma_wait3A] : memref<1602048xf32, #tpu.memory_space<vmem_shared>> -> memref<1602048xf32, #tpu.memory_space<vmem_shared>>
        tpu.wait_indirect_dma semaphore(%run_scoped3A : memref<!tpu.dma_semaphore, #tpu.memory_space<semaphore_mem>>) src(%arg12 : memref<10000xf32, #tpu.memory_space<vmem>>) dst(%dma_wait3A_71 : memref<1602048xf32, #tpu.memory_space<vmem_shared>>)
        tpu.yield
      }) : () -> ()
      "tpu.region"() ({
        %run_scoped3A = tpu.sem_alloc : memref<!tpu.dma_semaphore, #tpu.memory_space<semaphore_mem>>
        %dma_start3A = tpu.memref_slice %arg5[%add3A_51] : memref<6400000xi32, #tpu.memory_space<hbm>> -> memref<10000xi32, #tpu.memory_space<hbm>>
        %dma_start3A_70 = tpu.memref_slice %arg5[%add3A_51] : memref<6400000xi32, #tpu.memory_space<hbm>> -> memref<10000xi32, #tpu.memory_space<hbm>>
        tpu.enqueue_dma source(%dma_start3A_70 : memref<10000xi32, #tpu.memory_space<hbm>>) target(%arg11 : memref<10000xi32, #tpu.memory_space<vmem>>) target_semaphore(%run_scoped3A : memref<!tpu.dma_semaphore, #tpu.memory_space<semaphore_mem>>)
        %dma_wait3A = tpu.memref_slice %arg5[%add3A_51] : memref<6400000xi32, #tpu.memory_space<hbm>> -> memref<10000xi32, #tpu.memory_space<hbm>>
        %dma_wait3A_71 = tpu.memref_slice %arg5[%add3A_51] : memref<6400000xi32, #tpu.memory_space<hbm>> -> memref<10000xi32, #tpu.memory_space<hbm>>
        tpu.wait_dma2 semaphore(%run_scoped3A : memref<!tpu.dma_semaphore, #tpu.memory_space<semaphore_mem>>) src(%dma_wait3A_71 : memref<10000xi32, #tpu.memory_space<hbm>>) dst(%arg11 : memref<10000xi32, #tpu.memory_space<vmem>>)
        tpu.yield
      }) : () -> ()
      "tpu.region"() ({
        %run_scoped3A = tpu.sem_alloc : memref<!tpu.dma_semaphore, #tpu.memory_space<semaphore_mem>>
        %dma_start3A = tpu.memref_slice %arg8[%add3A_51] : memref<6400000xf32, #tpu.memory_space<hbm>> -> memref<10000xf32, #tpu.memory_space<hbm>>
        %dma_start3A_70 = tpu.memref_slice %arg8[%add3A_51] : memref<6400000xf32, #tpu.memory_space<hbm>> -> memref<10000xf32, #tpu.memory_space<hbm>>
        tpu.enqueue_dma source(%dma_start3A_70 : memref<10000xf32, #tpu.memory_space<hbm>>) target(%arg12 : memref<10000xf32, #tpu.memory_space<vmem>>) target_semaphore(%run_scoped3A : memref<!tpu.dma_semaphore, #tpu.memory_space<semaphore_mem>>)
        %dma_wait3A = tpu.memref_slice %arg8[%add3A_51] : memref<6400000xf32, #tpu.memory_space<hbm>> -> memref<10000xf32, #tpu.memory_space<hbm>>
        %dma_wait3A_71 = tpu.memref_slice %arg8[%add3A_51] : memref<6400000xf32, #tpu.memory_space<hbm>> -> memref<10000xf32, #tpu.memory_space<hbm>>
        tpu.wait_dma2 semaphore(%run_scoped3A : memref<!tpu.dma_semaphore, #tpu.memory_space<semaphore_mem>>) src(%dma_wait3A_71 : memref<10000xf32, #tpu.memory_space<hbm>>) dst(%arg12 : memref<10000xf32, #tpu.memory_space<vmem>>)
        tpu.yield
      }) : () -> ()
      %scan3A_64 = arith.constant 0 : i32
      %scan3A_65 = arith.constant 0 : i32
      %scan3A_66 = arith.constant 625 : i32
      %scan3A_67 = arith.addi %scan3A_65, %scan3A_66 : i32
      %scan3A_68 = arith.constant 1 : i32
      scf.for %scan3A_70 = %scan3A_65 to %scan3A_67 step %scan3A_68  : i32 {
        %mul3A_71 = arith.constant 16 : i32
        %mul3A_72 = arith.muli %scan3A_70, %mul3A_71 : i32
        %get3A = arith.index_cast %mul3A_72 : i32 to index
        %get3A_73 = tpu.vector_load %arg11[%get3A] {strides = array<i32>} : memref<10000xi32, #tpu.memory_space<vmem>>, vector<16xi32>,
        %get3A_74 = vector.shape_cast %get3A_73 : vector<16xi32> to vector<16xi32>
        %sub3A = vector.broadcast %mul3A_3 : i32 to vector<16xi32>
        %sub3A_75 = arith.subi %get3A_74, %sub3A : vector<16xi32>
        %ge3A = arith.constant 0 : i32
        %ge3A_76 = vector.broadcast %ge3A : i32 to vector<16xi32>
        %ge3A_77 = arith.cmpi sge, %sub3A_75, %ge3A_76 : vector<16xi32>
        %lt3A = arith.constant 1600000 : i32
        %lt3A_78 = vector.broadcast %lt3A : i32 to vector<16xi32>
        %lt3A_79 = arith.cmpi slt, %sub3A_75, %lt3A_78 : vector<16xi32>
        %and3A = arith.andi %ge3A_77, %lt3A_79 : vector<16xi1>
        %mul3A_80 = arith.constant 128 : i32
        %mul3A_81 = arith.muli %arg1, %mul3A_80 : i32
        %add3A_82 = arith.constant 1600000 : i32
        %add3A_83 = arith.addi %add3A_82, %mul3A_81 : i32
        %rem3A = arith.constant 8 : i32
        %rem3A_84 = arith.remsi %scan3A_70, %rem3A : i32
        %mul3A_85 = arith.constant 16 : i32
        %mul3A_86 = arith.muli %rem3A_84, %mul3A_85 : i32
        %add3A_87 = arith.addi %add3A_83, %mul3A_86 : i32
        %add3A_88 = vector.broadcast %add3A_87 : i32 to vector<16xi32>
        %add3A_89 = arith.addi %add3A_88, %iota3A : vector<16xi32>
        %select_n3A = arith.select %and3A, %sub3A_75, %add3A_89 : vector<16xi1>, vector<16xi32>
        %mul3A_90 = arith.constant 16 : i32
        %mul3A_91 = arith.muli %scan3A_70, %mul3A_90 : i32
        %swap3A = arith.index_cast %mul3A_91 : i32 to index
        %swap3A_92 = tpu.vector_load %arg13[%swap3A] {strides = array<i32>} : memref<10000xi32, #tpu.memory_space<vmem>>, vector<16xi32>,
        %swap3A_93 = vector.shape_cast %swap3A_92 : vector<16xi32> to vector<16xi32>
        %swap3A_94 = vector.shape_cast %select_n3A : vector<16xi32> to vector<16xi32>
        tpu.vector_store %arg13[%swap3A], %swap3A_94 {strides = array<i32>} : memref<10000xi32, #tpu.memory_space<vmem>>, vector<16xi32>,
      }
      %scan3A_69 = arith.constant 625 : i32
      "tpu.region"() ({
        %run_scoped3A = tpu.sem_alloc : memref<!tpu.dma_semaphore, #tpu.memory_space<semaphore_mem>>
        %dma_start3A = arith.constant 0 : i32
        %dma_start3A_70 = tpu.memref_slice %arg10[%dma_start3A] : memref<1602048xf32, #tpu.memory_space<vmem_shared>> -> memref<1602048xf32, #tpu.memory_space<vmem_shared>>
        tpu.enqueue_indirect_dma source(%arg12 : memref<10000xf32, #tpu.memory_space<vmem>>) target(%dma_start3A_70 : memref<1602048xf32, #tpu.memory_space<vmem_shared>>) offsets(%arg13 : memref<10000xi32, #tpu.memory_space<vmem>>) semaphore(%run_scoped3A : memref<!tpu.dma_semaphore, #tpu.memory_space<semaphore_mem>>) {add = true}
        %dma_wait3A = arith.constant 0 : i32
        %dma_wait3A_71 = tpu.memref_slice %arg10[%dma_wait3A] : memref<1602048xf32, #tpu.memory_space<vmem_shared>> -> memref<1602048xf32, #tpu.memory_space<vmem_shared>>
        tpu.wait_indirect_dma semaphore(%run_scoped3A : memref<!tpu.dma_semaphore, #tpu.memory_space<semaphore_mem>>) src(%arg12 : memref<10000xf32, #tpu.memory_space<vmem>>) dst(%dma_wait3A_71 : memref<1602048xf32, #tpu.memory_space<vmem_shared>>)
        tpu.yield
      }) : () -> ()
    }
    %scan3A_14 = arith.constant 40 : i32
    %barrier3A_15 = arith.constant 0 : index
    tpu.barrier barrier_id(%barrier3A_15)
    %scan3A_16 = arith.constant 0 : i32
    %scan3A_17 = arith.constant 0 : i32
    %scan3A_18 = arith.constant 10 : i32
    %scan3A_19 = arith.addi %scan3A_17, %scan3A_18 : i32
    %scan3A_20 = arith.constant 1 : i32
    scf.for %scan3A_48 = %scan3A_17 to %scan3A_19 step %scan3A_20  : i32 {
      %mul3A_49 = arith.constant 100000 : i32
      %mul3A_50 = arith.muli %arg1, %mul3A_49 : i32
      %mul3A_51 = arith.constant 10000 : i32
      %mul3A_52 = arith.muli %scan3A_48, %mul3A_51 : i32
      %add3A_53 = arith.addi %mul3A_50, %mul3A_52 : i32
      "tpu.region"() ({
        %run_scoped3A = tpu.sem_alloc : memref<!tpu.dma_semaphore, #tpu.memory_space<semaphore_mem>>
        %dma_start3A = tpu.memref_slice %arg10[%add3A_53] : memref<1602048xf32, #tpu.memory_space<vmem_shared>> -> memref<10000xf32, #tpu.memory_space<vmem_shared>>
        %dma_start3A_60 = tpu.memref_slice %arg10[%add3A_53] : memref<1602048xf32, #tpu.memory_space<vmem_shared>> -> memref<10000xf32, #tpu.memory_space<vmem_shared>>
        tpu.enqueue_dma source(%dma_start3A_60 : memref<10000xf32, #tpu.memory_space<vmem_shared>>) target(%arg12 : memref<10000xf32, #tpu.memory_space<vmem>>) target_semaphore(%run_scoped3A : memref<!tpu.dma_semaphore, #tpu.memory_space<semaphore_mem>>)
        %dma_wait3A = tpu.memref_slice %arg10[%add3A_53] : memref<1602048xf32, #tpu.memory_space<vmem_shared>> -> memref<10000xf32, #tpu.memory_space<vmem_shared>>
        %dma_wait3A_61 = tpu.memref_slice %arg10[%add3A_53] : memref<1602048xf32, #tpu.memory_space<vmem_shared>> -> memref<10000xf32, #tpu.memory_space<vmem_shared>>
        tpu.wait_dma2 semaphore(%run_scoped3A : memref<!tpu.dma_semaphore, #tpu.memory_space<semaphore_mem>>) src(%dma_wait3A_61 : memref<10000xf32, #tpu.memory_space<vmem_shared>>) dst(%arg12 : memref<10000xf32, #tpu.memory_space<vmem>>)
        tpu.yield
      }) : () -> ()
      %mul3A_54 = arith.constant 100000 : i32
      %mul3A_55 = arith.muli %arg1, %mul3A_54 : i32
      %add3A_56 = arith.addi %mul3A_3, %mul3A_55 : i32
      %mul3A_57 = arith.constant 10000 : i32
      %mul3A_58 = arith.muli %scan3A_48, %mul3A_57 : i32
      %add3A_59 = arith.addi %add3A_56, %mul3A_58 : i32
      "tpu.region"() ({
        %run_scoped3A = tpu.sem_alloc : memref<!tpu.dma_semaphore, #tpu.memory_space<semaphore_mem>>
        %dma_start3A = tpu.memref_slice %arg9[%add3A_59] : memref<6400000xf32, #tpu.memory_space<hbm>> -> memref<10000xf32, #tpu.memory_space<hbm>>
        %dma_start3A_60 = tpu.memref_slice %arg9[%add3A_59] : memref<6400000xf32, #tpu.memory_space<hbm>> -> memref<10000xf32, #tpu.memory_space<hbm>>
        tpu.enqueue_dma source(%arg12 : memref<10000xf32, #tpu.memory_space<vmem>>) target(%dma_start3A_60 : memref<10000xf32, #tpu.memory_space<hbm>>) target_semaphore(%run_scoped3A : memref<!tpu.dma_semaphore, #tpu.memory_space<semaphore_mem>>)
        %dma_wait3A = tpu.memref_slice %arg9[%add3A_59] : memref<6400000xf32, #tpu.memory_space<hbm>> -> memref<10000xf32, #tpu.memory_space<hbm>>
        %dma_wait3A_61 = tpu.memref_slice %arg9[%add3A_59] : memref<6400000xf32, #tpu.memory_space<hbm>> -> memref<10000xf32, #tpu.memory_space<hbm>>
        tpu.wait_dma2 semaphore(%run_scoped3A : memref<!tpu.dma_semaphore, #tpu.memory_space<semaphore_mem>>) src(%arg12 : memref<10000xf32, #tpu.memory_space<vmem>>) dst(%dma_wait3A_61 : memref<10000xf32, #tpu.memory_space<hbm>>)
        tpu.yield
      }) : () -> ()
    }
    %scan3A_21 = arith.constant 10 : i32
    %barrier3A_22 = arith.constant 0 : index
    tpu.barrier barrier_id(%barrier3A_22)
    %add3A_23 = arith.constant 2 : i32
    %add3A_24 = arith.addi %add3A_23, %arg0 : i32
    %mul3A_25 = arith.constant 1600000 : i32
    %mul3A_26 = arith.muli %add3A_24, %mul3A_25 : i32
    %scan3A_27 = arith.constant 0 : i32
    %scan3A_28 = arith.constant 0 : i32
    %scan3A_29 = arith.constant 10 : i32
    %scan3A_30 = arith.addi %scan3A_28, %scan3A_29 : i32
    %scan3A_31 = arith.constant 1 : i32
    scf.for %scan3A_48 = %scan3A_28 to %scan3A_30 step %scan3A_31  : i32 {
      %mul3A_49 = arith.constant 100000 : i32
      %mul3A_50 = arith.muli %arg1, %mul3A_49 : i32
      %add3A_51 = arith.addi %mul3A_26, %mul3A_50 : i32
      %mul3A_52 = arith.constant 10000 : i32
      %mul3A_53 = arith.muli %scan3A_48, %mul3A_52 : i32
      %add3A_54 = arith.addi %add3A_51, %mul3A_53 : i32
      "tpu.region"() ({
        %run_scoped3A = tpu.sem_alloc : memref<!tpu.dma_semaphore, #tpu.memory_space<semaphore_mem>>
        %dma_start3A = tpu.memref_slice %arg2[%add3A_54] : memref<6400000xf32, #tpu.memory_space<hbm>> -> memref<10000xf32, #tpu.memory_space<hbm>>
        %dma_start3A_60 = tpu.memref_slice %arg2[%add3A_54] : memref<6400000xf32, #tpu.memory_space<hbm>> -> memref<10000xf32, #tpu.memory_space<hbm>>
        tpu.enqueue_dma source(%dma_start3A_60 : memref<10000xf32, #tpu.memory_space<hbm>>) target(%arg12 : memref<10000xf32, #tpu.memory_space<vmem>>) target_semaphore(%run_scoped3A : memref<!tpu.dma_semaphore, #tpu.memory_space<semaphore_mem>>)
        %dma_wait3A = tpu.memref_slice %arg2[%add3A_54] : memref<6400000xf32, #tpu.memory_space<hbm>> -> memref<10000xf32, #tpu.memory_space<hbm>>
        %dma_wait3A_61 = tpu.memref_slice %arg2[%add3A_54] : memref<6400000xf32, #tpu.memory_space<hbm>> -> memref<10000xf32, #tpu.memory_space<hbm>>
        tpu.wait_dma2 semaphore(%run_scoped3A : memref<!tpu.dma_semaphore, #tpu.memory_space<semaphore_mem>>) src(%dma_wait3A_61 : memref<10000xf32, #tpu.memory_space<hbm>>) dst(%arg12 : memref<10000xf32, #tpu.memory_space<vmem>>)
        tpu.yield
      }) : () -> ()
      %mul3A_55 = arith.constant 100000 : i32
      %mul3A_56 = arith.muli %arg1, %mul3A_55 : i32
      %mul3A_57 = arith.constant 10000 : i32
      %mul3A_58 = arith.muli %scan3A_48, %mul3A_57 : i32
      %add3A_59 = arith.addi %mul3A_56, %mul3A_58 : i32
      "tpu.region"() ({
        %run_scoped3A = tpu.sem_alloc : memref<!tpu.dma_semaphore, #tpu.memory_space<semaphore_mem>>
        %dma_start3A = tpu.memref_slice %arg10[%add3A_59] : memref<1602048xf32, #tpu.memory_space<vmem_shared>> -> memref<10000xf32, #tpu.memory_space<vmem_shared>>
        %dma_start3A_60 = tpu.memref_slice %arg10[%add3A_59] : memref<1602048xf32, #tpu.memory_space<vmem_shared>> -> memref<10000xf32, #tpu.memory_space<vmem_shared>>
        tpu.enqueue_dma source(%arg12 : memref<10000xf32, #tpu.memory_space<vmem>>) target(%dma_start3A_60 : memref<10000xf32, #tpu.memory_space<vmem_shared>>) target_semaphore(%run_scoped3A : memref<!tpu.dma_semaphore, #tpu.memory_space<semaphore_mem>>)
        %dma_wait3A = tpu.memref_slice %arg10[%add3A_59] : memref<1602048xf32, #tpu.memory_space<vmem_shared>> -> memref<10000xf32, #tpu.memory_space<vmem_shared>>
        %dma_wait3A_61 = tpu.memref_slice %arg10[%add3A_59] : memref<1602048xf32, #tpu.memory_space<vmem_shared>> -> memref<10000xf32, #tpu.memory_space<vmem_shared>>
        tpu.wait_dma2 semaphore(%run_scoped3A : memref<!tpu.dma_semaphore, #tpu.memory_space<semaphore_mem>>) src(%arg12 : memref<10000xf32, #tpu.memory_space<vmem>>) dst(%dma_wait3A_61 : memref<10000xf32, #tpu.memory_space<vmem_shared>>)
        tpu.yield
      }) : () -> ()
    }
    %scan3A_32 = arith.constant 10 : i32
    %barrier3A_33 = arith.constant 0 : index
    tpu.barrier barrier_id(%barrier3A_33)
    %scan3A_34 = arith.constant 0 : i32
    %scan3A_35 = arith.constant 0 : i32
    %scan3A_36 = arith.constant 40 : i32
    %scan3A_37 = arith.addi %scan3A_35, %scan3A_36 : i32
    %scan3A_38 = arith.constant 1 : i32
    scf.for %scan3A_48 = %scan3A_35 to %scan3A_37 step %scan3A_38  : i32 {
      %mul3A_49 = arith.constant 10000 : i32
      %mul3A_50 = arith.muli %scan3A_48, %mul3A_49 : i32
      %add3A_51 = arith.addi %mul3A_0, %mul3A_50 : i32
      "tpu.region"() ({
        %run_scoped3A = tpu.sem_alloc : memref<!tpu.dma_semaphore, #tpu.memory_space<semaphore_mem>>
        %dma_start3A = tpu.memref_slice %arg3[%add3A_51] : memref<6400000xi32, #tpu.memory_space<hbm>> -> memref<10000xi32, #tpu.memory_space<hbm>>
        %dma_start3A_70 = tpu.memref_slice %arg3[%add3A_51] : memref<6400000xi32, #tpu.memory_space<hbm>> -> memref<10000xi32, #tpu.memory_space<hbm>>
        tpu.enqueue_dma source(%dma_start3A_70 : memref<10000xi32, #tpu.memory_space<hbm>>) target(%arg11 : memref<10000xi32, #tpu.memory_space<vmem>>) target_semaphore(%run_scoped3A : memref<!tpu.dma_semaphore, #tpu.memory_space<semaphore_mem>>)
        %dma_wait3A = tpu.memref_slice %arg3[%add3A_51] : memref<6400000xi32, #tpu.memory_space<hbm>> -> memref<10000xi32, #tpu.memory_space<hbm>>
        %dma_wait3A_71 = tpu.memref_slice %arg3[%add3A_51] : memref<6400000xi32, #tpu.memory_space<hbm>> -> memref<10000xi32, #tpu.memory_space<hbm>>
        tpu.wait_dma2 semaphore(%run_scoped3A : memref<!tpu.dma_semaphore, #tpu.memory_space<semaphore_mem>>) src(%dma_wait3A_71 : memref<10000xi32, #tpu.memory_space<hbm>>) dst(%arg11 : memref<10000xi32, #tpu.memory_space<vmem>>)
        tpu.yield
      }) : () -> ()
      "tpu.region"() ({
        %run_scoped3A = tpu.sem_alloc : memref<!tpu.dma_semaphore, #tpu.memory_space<semaphore_mem>>
        %dma_start3A = tpu.memref_slice %arg6[%add3A_51] : memref<6400000xf32, #tpu.memory_space<hbm>> -> memref<10000xf32, #tpu.memory_space<hbm>>
        %dma_start3A_70 = tpu.memref_slice %arg6[%add3A_51] : memref<6400000xf32, #tpu.memory_space<hbm>> -> memref<10000xf32, #tpu.memory_space<hbm>>
        tpu.enqueue_dma source(%dma_start3A_70 : memref<10000xf32, #tpu.memory_space<hbm>>) target(%arg12 : memref<10000xf32, #tpu.memory_space<vmem>>) target_semaphore(%run_scoped3A : memref<!tpu.dma_semaphore, #tpu.memory_space<semaphore_mem>>)
        %dma_wait3A = tpu.memref_slice %arg6[%add3A_51] : memref<6400000xf32, #tpu.memory_space<hbm>> -> memref<10000xf32, #tpu.memory_space<hbm>>
        %dma_wait3A_71 = tpu.memref_slice %arg6[%add3A_51] : memref<6400000xf32, #tpu.memory_space<hbm>> -> memref<10000xf32, #tpu.memory_space<hbm>>
        tpu.wait_dma2 semaphore(%run_scoped3A : memref<!tpu.dma_semaphore, #tpu.memory_space<semaphore_mem>>) src(%dma_wait3A_71 : memref<10000xf32, #tpu.memory_space<hbm>>) dst(%arg12 : memref<10000xf32, #tpu.memory_space<vmem>>)
        tpu.yield
      }) : () -> ()
      %scan3A_52 = arith.constant 0 : i32
      %scan3A_53 = arith.constant 0 : i32
      %scan3A_54 = arith.constant 625 : i32
      %scan3A_55 = arith.addi %scan3A_53, %scan3A_54 : i32
      %scan3A_56 = arith.constant 1 : i32
      scf.for %scan3A_70 = %scan3A_53 to %scan3A_55 step %scan3A_56  : i32 {
        %mul3A_71 = arith.constant 16 : i32
        %mul3A_72 = arith.muli %scan3A_70, %mul3A_71 : i32
        %get3A = arith.index_cast %mul3A_72 : i32 to index
        %get3A_73 = tpu.vector_load %arg11[%get3A] {strides = array<i32>} : memref<10000xi32, #tpu.memory_space<vmem>>, vector<16xi32>,
        %get3A_74 = vector.shape_cast %get3A_73 : vector<16xi32> to vector<16xi32>
        %sub3A = vector.broadcast %mul3A_26 : i32 to vector<16xi32>
        %sub3A_75 = arith.subi %get3A_74, %sub3A : vector<16xi32>
        %ge3A = arith.constant 0 : i32
        %ge3A_76 = vector.broadcast %ge3A : i32 to vector<16xi32>
        %ge3A_77 = arith.cmpi sge, %sub3A_75, %ge3A_76 : vector<16xi32>
        %lt3A = arith.constant 1600000 : i32
        %lt3A_78 = vector.broadcast %lt3A : i32 to vector<16xi32>
        %lt3A_79 = arith.cmpi slt, %sub3A_75, %lt3A_78 : vector<16xi32>
        %and3A = arith.andi %ge3A_77, %lt3A_79 : vector<16xi1>
        %mul3A_80 = arith.constant 128 : i32
        %mul3A_81 = arith.muli %arg1, %mul3A_80 : i32
        %add3A_82 = arith.constant 1600000 : i32
        %add3A_83 = arith.addi %add3A_82, %mul3A_81 : i32
        %rem3A = arith.constant 8 : i32
        %rem3A_84 = arith.remsi %scan3A_70, %rem3A : i32
        %mul3A_85 = arith.constant 16 : i32
        %mul3A_86 = arith.muli %rem3A_84, %mul3A_85 : i32
        %add3A_87 = arith.addi %add3A_83, %mul3A_86 : i32
        %add3A_88 = vector.broadcast %add3A_87 : i32 to vector<16xi32>
        %add3A_89 = arith.addi %add3A_88, %iota3A : vector<16xi32>
        %select_n3A = arith.select %and3A, %sub3A_75, %add3A_89 : vector<16xi1>, vector<16xi32>
        %mul3A_90 = arith.constant 16 : i32
        %mul3A_91 = arith.muli %scan3A_70, %mul3A_90 : i32
        %swap3A = arith.index_cast %mul3A_91 : i32 to index
        %swap3A_92 = tpu.vector_load %arg13[%swap3A] {strides = array<i32>} : memref<10000xi32, #tpu.memory_space<vmem>>, vector<16xi32>,
        %swap3A_93 = vector.shape_cast %swap3A_92 : vector<16xi32> to vector<16xi32>
        %swap3A_94 = vector.shape_cast %select_n3A : vector<16xi32> to vector<16xi32>
        tpu.vector_store %arg13[%swap3A], %swap3A_94 {strides = array<i32>} : memref<10000xi32, #tpu.memory_space<vmem>>, vector<16xi32>,
      }
      %scan3A_57 = arith.constant 625 : i32
      "tpu.region"() ({
        %run_scoped3A = tpu.sem_alloc : memref<!tpu.dma_semaphore, #tpu.memory_space<semaphore_mem>>
        %dma_start3A = arith.constant 0 : i32
        %dma_start3A_70 = tpu.memref_slice %arg10[%dma_start3A] : memref<1602048xf32, #tpu.memory_space<vmem_shared>> -> memref<1602048xf32, #tpu.memory_space<vmem_shared>>
        tpu.enqueue_indirect_dma source(%arg12 : memref<10000xf32, #tpu.memory_space<vmem>>) target(%dma_start3A_70 : memref<1602048xf32, #tpu.memory_space<vmem_shared>>) offsets(%arg13 : memref<10000xi32, #tpu.memory_space<vmem>>) semaphore(%run_scoped3A : memref<!tpu.dma_semaphore, #tpu.memory_space<semaphore_mem>>) {add = true}
        %dma_wait3A = arith.constant 0 : i32
        %dma_wait3A_71 = tpu.memref_slice %arg10[%dma_wait3A] : memref<1602048xf32, #tpu.memory_space<vmem_shared>> -> memref<1602048xf32, #tpu.memory_space<vmem_shared>>
        tpu.wait_indirect_dma semaphore(%run_scoped3A : memref<!tpu.dma_semaphore, #tpu.memory_space<semaphore_mem>>) src(%arg12 : memref<10000xf32, #tpu.memory_space<vmem>>) dst(%dma_wait3A_71 : memref<1602048xf32, #tpu.memory_space<vmem_shared>>)
        tpu.yield
      }) : () -> ()
      "tpu.region"() ({
        %run_scoped3A = tpu.sem_alloc : memref<!tpu.dma_semaphore, #tpu.memory_space<semaphore_mem>>
        %dma_start3A = tpu.memref_slice %arg4[%add3A_51] : memref<6400000xi32, #tpu.memory_space<hbm>> -> memref<10000xi32, #tpu.memory_space<hbm>>
        %dma_start3A_70 = tpu.memref_slice %arg4[%add3A_51] : memref<6400000xi32, #tpu.memory_space<hbm>> -> memref<10000xi32, #tpu.memory_space<hbm>>
        tpu.enqueue_dma source(%dma_start3A_70 : memref<10000xi32, #tpu.memory_space<hbm>>) target(%arg11 : memref<10000xi32, #tpu.memory_space<vmem>>) target_semaphore(%run_scoped3A : memref<!tpu.dma_semaphore, #tpu.memory_space<semaphore_mem>>)
        %dma_wait3A = tpu.memref_slice %arg4[%add3A_51] : memref<6400000xi32, #tpu.memory_space<hbm>> -> memref<10000xi32, #tpu.memory_space<hbm>>
        %dma_wait3A_71 = tpu.memref_slice %arg4[%add3A_51] : memref<6400000xi32, #tpu.memory_space<hbm>> -> memref<10000xi32, #tpu.memory_space<hbm>>
        tpu.wait_dma2 semaphore(%run_scoped3A : memref<!tpu.dma_semaphore, #tpu.memory_space<semaphore_mem>>) src(%dma_wait3A_71 : memref<10000xi32, #tpu.memory_space<hbm>>) dst(%arg11 : memref<10000xi32, #tpu.memory_space<vmem>>)
        tpu.yield
      }) : () -> ()
      "tpu.region"() ({
        %run_scoped3A = tpu.sem_alloc : memref<!tpu.dma_semaphore, #tpu.memory_space<semaphore_mem>>
        %dma_start3A = tpu.memref_slice %arg7[%add3A_51] : memref<6400000xf32, #tpu.memory_space<hbm>> -> memref<10000xf32, #tpu.memory_space<hbm>>
        %dma_start3A_70 = tpu.memref_slice %arg7[%add3A_51] : memref<6400000xf32, #tpu.memory_space<hbm>> -> memref<10000xf32, #tpu.memory_space<hbm>>
        tpu.enqueue_dma source(%dma_start3A_70 : memref<10000xf32, #tpu.memory_space<hbm>>) target(%arg12 : memref<10000xf32, #tpu.memory_space<vmem>>) target_semaphore(%run_scoped3A : memref<!tpu.dma_semaphore, #tpu.memory_space<semaphore_mem>>)
        %dma_wait3A = tpu.memref_slice %arg7[%add3A_51] : memref<6400000xf32, #tpu.memory_space<hbm>> -> memref<10000xf32, #tpu.memory_space<hbm>>
        %dma_wait3A_71 = tpu.memref_slice %arg7[%add3A_51] : memref<6400000xf32, #tpu.memory_space<hbm>> -> memref<10000xf32, #tpu.memory_space<hbm>>
        tpu.wait_dma2 semaphore(%run_scoped3A : memref<!tpu.dma_semaphore, #tpu.memory_space<semaphore_mem>>) src(%dma_wait3A_71 : memref<10000xf32, #tpu.memory_space<hbm>>) dst(%arg12 : memref<10000xf32, #tpu.memory_space<vmem>>)
        tpu.yield
      }) : () -> ()
      %scan3A_58 = arith.constant 0 : i32
      %scan3A_59 = arith.constant 0 : i32
      %scan3A_60 = arith.constant 625 : i32
      %scan3A_61 = arith.addi %scan3A_59, %scan3A_60 : i32
      %scan3A_62 = arith.constant 1 : i32
      scf.for %scan3A_70 = %scan3A_59 to %scan3A_61 step %scan3A_62  : i32 {
        %mul3A_71 = arith.constant 16 : i32
        %mul3A_72 = arith.muli %scan3A_70, %mul3A_71 : i32
        %get3A = arith.index_cast %mul3A_72 : i32 to index
        %get3A_73 = tpu.vector_load %arg11[%get3A] {strides = array<i32>} : memref<10000xi32, #tpu.memory_space<vmem>>, vector<16xi32>,
        %get3A_74 = vector.shape_cast %get3A_73 : vector<16xi32> to vector<16xi32>
        %sub3A = vector.broadcast %mul3A_26 : i32 to vector<16xi32>
        %sub3A_75 = arith.subi %get3A_74, %sub3A : vector<16xi32>
        %ge3A = arith.constant 0 : i32
        %ge3A_76 = vector.broadcast %ge3A : i32 to vector<16xi32>
        %ge3A_77 = arith.cmpi sge, %sub3A_75, %ge3A_76 : vector<16xi32>
        %lt3A = arith.constant 1600000 : i32
        %lt3A_78 = vector.broadcast %lt3A : i32 to vector<16xi32>
        %lt3A_79 = arith.cmpi slt, %sub3A_75, %lt3A_78 : vector<16xi32>
        %and3A = arith.andi %ge3A_77, %lt3A_79 : vector<16xi1>
        %mul3A_80 = arith.constant 128 : i32
        %mul3A_81 = arith.muli %arg1, %mul3A_80 : i32
        %add3A_82 = arith.constant 1600000 : i32
        %add3A_83 = arith.addi %add3A_82, %mul3A_81 : i32
        %rem3A = arith.constant 8 : i32
        %rem3A_84 = arith.remsi %scan3A_70, %rem3A : i32
        %mul3A_85 = arith.constant 16 : i32
        %mul3A_86 = arith.muli %rem3A_84, %mul3A_85 : i32
        %add3A_87 = arith.addi %add3A_83, %mul3A_86 : i32
        %add3A_88 = vector.broadcast %add3A_87 : i32 to vector<16xi32>
        %add3A_89 = arith.addi %add3A_88, %iota3A : vector<16xi32>
        %select_n3A = arith.select %and3A, %sub3A_75, %add3A_89 : vector<16xi1>, vector<16xi32>
        %mul3A_90 = arith.constant 16 : i32
        %mul3A_91 = arith.muli %scan3A_70, %mul3A_90 : i32
        %swap3A = arith.index_cast %mul3A_91 : i32 to index
        %swap3A_92 = tpu.vector_load %arg13[%swap3A] {strides = array<i32>} : memref<10000xi32, #tpu.memory_space<vmem>>, vector<16xi32>,
        %swap3A_93 = vector.shape_cast %swap3A_92 : vector<16xi32> to vector<16xi32>
        %swap3A_94 = vector.shape_cast %select_n3A : vector<16xi32> to vector<16xi32>
        tpu.vector_store %arg13[%swap3A], %swap3A_94 {strides = array<i32>} : memref<10000xi32, #tpu.memory_space<vmem>>, vector<16xi32>,
      }
      %scan3A_63 = arith.constant 625 : i32
      "tpu.region"() ({
        %run_scoped3A = tpu.sem_alloc : memref<!tpu.dma_semaphore, #tpu.memory_space<semaphore_mem>>
        %dma_start3A = arith.constant 0 : i32
        %dma_start3A_70 = tpu.memref_slice %arg10[%dma_start3A] : memref<1602048xf32, #tpu.memory_space<vmem_shared>> -> memref<1602048xf32, #tpu.memory_space<vmem_shared>>
        tpu.enqueue_indirect_dma source(%arg12 : memref<10000xf32, #tpu.memory_space<vmem>>) target(%dma_start3A_70 : memref<1602048xf32, #tpu.memory_space<vmem_shared>>) offsets(%arg13 : memref<10000xi32, #tpu.memory_space<vmem>>) semaphore(%run_scoped3A : memref<!tpu.dma_semaphore, #tpu.memory_space<semaphore_mem>>) {add = true}
        %dma_wait3A = arith.constant 0 : i32
        %dma_wait3A_71 = tpu.memref_slice %arg10[%dma_wait3A] : memref<1602048xf32, #tpu.memory_space<vmem_shared>> -> memref<1602048xf32, #tpu.memory_space<vmem_shared>>
        tpu.wait_indirect_dma semaphore(%run_scoped3A : memref<!tpu.dma_semaphore, #tpu.memory_space<semaphore_mem>>) src(%arg12 : memref<10000xf32, #tpu.memory_space<vmem>>) dst(%dma_wait3A_71 : memref<1602048xf32, #tpu.memory_space<vmem_shared>>)
        tpu.yield
      }) : () -> ()
      "tpu.region"() ({
        %run_scoped3A = tpu.sem_alloc : memref<!tpu.dma_semaphore, #tpu.memory_space<semaphore_mem>>
        %dma_start3A = tpu.memref_slice %arg5[%add3A_51] : memref<6400000xi32, #tpu.memory_space<hbm>> -> memref<10000xi32, #tpu.memory_space<hbm>>
        %dma_start3A_70 = tpu.memref_slice %arg5[%add3A_51] : memref<6400000xi32, #tpu.memory_space<hbm>> -> memref<10000xi32, #tpu.memory_space<hbm>>
        tpu.enqueue_dma source(%dma_start3A_70 : memref<10000xi32, #tpu.memory_space<hbm>>) target(%arg11 : memref<10000xi32, #tpu.memory_space<vmem>>) target_semaphore(%run_scoped3A : memref<!tpu.dma_semaphore, #tpu.memory_space<semaphore_mem>>)
        %dma_wait3A = tpu.memref_slice %arg5[%add3A_51] : memref<6400000xi32, #tpu.memory_space<hbm>> -> memref<10000xi32, #tpu.memory_space<hbm>>
        %dma_wait3A_71 = tpu.memref_slice %arg5[%add3A_51] : memref<6400000xi32, #tpu.memory_space<hbm>> -> memref<10000xi32, #tpu.memory_space<hbm>>
        tpu.wait_dma2 semaphore(%run_scoped3A : memref<!tpu.dma_semaphore, #tpu.memory_space<semaphore_mem>>) src(%dma_wait3A_71 : memref<10000xi32, #tpu.memory_space<hbm>>) dst(%arg11 : memref<10000xi32, #tpu.memory_space<vmem>>)
        tpu.yield
      }) : () -> ()
      "tpu.region"() ({
        %run_scoped3A = tpu.sem_alloc : memref<!tpu.dma_semaphore, #tpu.memory_space<semaphore_mem>>
        %dma_start3A = tpu.memref_slice %arg8[%add3A_51] : memref<6400000xf32, #tpu.memory_space<hbm>> -> memref<10000xf32, #tpu.memory_space<hbm>>
        %dma_start3A_70 = tpu.memref_slice %arg8[%add3A_51] : memref<6400000xf32, #tpu.memory_space<hbm>> -> memref<10000xf32, #tpu.memory_space<hbm>>
        tpu.enqueue_dma source(%dma_start3A_70 : memref<10000xf32, #tpu.memory_space<hbm>>) target(%arg12 : memref<10000xf32, #tpu.memory_space<vmem>>) target_semaphore(%run_scoped3A : memref<!tpu.dma_semaphore, #tpu.memory_space<semaphore_mem>>)
        %dma_wait3A = tpu.memref_slice %arg8[%add3A_51] : memref<6400000xf32, #tpu.memory_space<hbm>> -> memref<10000xf32, #tpu.memory_space<hbm>>
        %dma_wait3A_71 = tpu.memref_slice %arg8[%add3A_51] : memref<6400000xf32, #tpu.memory_space<hbm>> -> memref<10000xf32, #tpu.memory_space<hbm>>
        tpu.wait_dma2 semaphore(%run_scoped3A : memref<!tpu.dma_semaphore, #tpu.memory_space<semaphore_mem>>) src(%dma_wait3A_71 : memref<10000xf32, #tpu.memory_space<hbm>>) dst(%arg12 : memref<10000xf32, #tpu.memory_space<vmem>>)
        tpu.yield
      }) : () -> ()
      %scan3A_64 = arith.constant 0 : i32
      %scan3A_65 = arith.constant 0 : i32
      %scan3A_66 = arith.constant 625 : i32
      %scan3A_67 = arith.addi %scan3A_65, %scan3A_66 : i32
      %scan3A_68 = arith.constant 1 : i32
      scf.for %scan3A_70 = %scan3A_65 to %scan3A_67 step %scan3A_68  : i32 {
        %mul3A_71 = arith.constant 16 : i32
        %mul3A_72 = arith.muli %scan3A_70, %mul3A_71 : i32
        %get3A = arith.index_cast %mul3A_72 : i32 to index
        %get3A_73 = tpu.vector_load %arg11[%get3A] {strides = array<i32>} : memref<10000xi32, #tpu.memory_space<vmem>>, vector<16xi32>,
        %get3A_74 = vector.shape_cast %get3A_73 : vector<16xi32> to vector<16xi32>
        %sub3A = vector.broadcast %mul3A_26 : i32 to vector<16xi32>
        %sub3A_75 = arith.subi %get3A_74, %sub3A : vector<16xi32>
        %ge3A = arith.constant 0 : i32
        %ge3A_76 = vector.broadcast %ge3A : i32 to vector<16xi32>
        %ge3A_77 = arith.cmpi sge, %sub3A_75, %ge3A_76 : vector<16xi32>
        %lt3A = arith.constant 1600000 : i32
        %lt3A_78 = vector.broadcast %lt3A : i32 to vector<16xi32>
        %lt3A_79 = arith.cmpi slt, %sub3A_75, %lt3A_78 : vector<16xi32>
        %and3A = arith.andi %ge3A_77, %lt3A_79 : vector<16xi1>
        %mul3A_80 = arith.constant 128 : i32
        %mul3A_81 = arith.muli %arg1, %mul3A_80 : i32
        %add3A_82 = arith.constant 1600000 : i32
        %add3A_83 = arith.addi %add3A_82, %mul3A_81 : i32
        %rem3A = arith.constant 8 : i32
        %rem3A_84 = arith.remsi %scan3A_70, %rem3A : i32
        %mul3A_85 = arith.constant 16 : i32
        %mul3A_86 = arith.muli %rem3A_84, %mul3A_85 : i32
        %add3A_87 = arith.addi %add3A_83, %mul3A_86 : i32
        %add3A_88 = vector.broadcast %add3A_87 : i32 to vector<16xi32>
        %add3A_89 = arith.addi %add3A_88, %iota3A : vector<16xi32>
        %select_n3A = arith.select %and3A, %sub3A_75, %add3A_89 : vector<16xi1>, vector<16xi32>
        %mul3A_90 = arith.constant 16 : i32
        %mul3A_91 = arith.muli %scan3A_70, %mul3A_90 : i32
        %swap3A = arith.index_cast %mul3A_91 : i32 to index
        %swap3A_92 = tpu.vector_load %arg13[%swap3A] {strides = array<i32>} : memref<10000xi32, #tpu.memory_space<vmem>>, vector<16xi32>,
        %swap3A_93 = vector.shape_cast %swap3A_92 : vector<16xi32> to vector<16xi32>
        %swap3A_94 = vector.shape_cast %select_n3A : vector<16xi32> to vector<16xi32>
        tpu.vector_store %arg13[%swap3A], %swap3A_94 {strides = array<i32>} : memref<10000xi32, #tpu.memory_space<vmem>>, vector<16xi32>,
      }
      %scan3A_69 = arith.constant 625 : i32
      "tpu.region"() ({
        %run_scoped3A = tpu.sem_alloc : memref<!tpu.dma_semaphore, #tpu.memory_space<semaphore_mem>>
        %dma_start3A = arith.constant 0 : i32
        %dma_start3A_70 = tpu.memref_slice %arg10[%dma_start3A] : memref<1602048xf32, #tpu.memory_space<vmem_shared>> -> memref<1602048xf32, #tpu.memory_space<vmem_shared>>
        tpu.enqueue_indirect_dma source(%arg12 : memref<10000xf32, #tpu.memory_space<vmem>>) target(%dma_start3A_70 : memref<1602048xf32, #tpu.memory_space<vmem_shared>>) offsets(%arg13 : memref<10000xi32, #tpu.memory_space<vmem>>) semaphore(%run_scoped3A : memref<!tpu.dma_semaphore, #tpu.memory_space<semaphore_mem>>) {add = true}
        %dma_wait3A = arith.constant 0 : i32
        %dma_wait3A_71 = tpu.memref_slice %arg10[%dma_wait3A] : memref<1602048xf32, #tpu.memory_space<vmem_shared>> -> memref<1602048xf32, #tpu.memory_space<vmem_shared>>
        tpu.wait_indirect_dma semaphore(%run_scoped3A : memref<!tpu.dma_semaphore, #tpu.memory_space<semaphore_mem>>) src(%arg12 : memref<10000xf32, #tpu.memory_space<vmem>>) dst(%dma_wait3A_71 : memref<1602048xf32, #tpu.memory_space<vmem_shared>>)
        tpu.yield
      }) : () -> ()
    }
    %scan3A_39 = arith.constant 40 : i32
    %barrier3A_40 = arith.constant 0 : index
    tpu.barrier barrier_id(%barrier3A_40)
    %scan3A_41 = arith.constant 0 : i32
    %scan3A_42 = arith.constant 0 : i32
    %scan3A_43 = arith.constant 10 : i32
    %scan3A_44 = arith.addi %scan3A_42, %scan3A_43 : i32
    %scan3A_45 = arith.constant 1 : i32
    scf.for %scan3A_48 = %scan3A_42 to %scan3A_44 step %scan3A_45  : i32 {
      %mul3A_49 = arith.constant 100000 : i32
      %mul3A_50 = arith.muli %arg1, %mul3A_49 : i32
      %mul3A_51 = arith.constant 10000 : i32
      %mul3A_52 = arith.muli %scan3A_48, %mul3A_51 : i32
      %add3A_53 = arith.addi %mul3A_50, %mul3A_52 : i32
      "tpu.region"() ({
        %run_scoped3A = tpu.sem_alloc : memref<!tpu.dma_semaphore, #tpu.memory_space<semaphore_mem>>
        %dma_start3A = tpu.memref_slice %arg10[%add3A_53] : memref<1602048xf32, #tpu.memory_space<vmem_shared>> -> memref<10000xf32, #tpu.memory_space<vmem_shared>>
        %dma_start3A_60 = tpu.memref_slice %arg10[%add3A_53] : memref<1602048xf32, #tpu.memory_space<vmem_shared>> -> memref<10000xf32, #tpu.memory_space<vmem_shared>>
        tpu.enqueue_dma source(%dma_start3A_60 : memref<10000xf32, #tpu.memory_space<vmem_shared>>) target(%arg12 : memref<10000xf32, #tpu.memory_space<vmem>>) target_semaphore(%run_scoped3A : memref<!tpu.dma_semaphore, #tpu.memory_space<semaphore_mem>>)
        %dma_wait3A = tpu.memref_slice %arg10[%add3A_53] : memref<1602048xf32, #tpu.memory_space<vmem_shared>> -> memref<10000xf32, #tpu.memory_space<vmem_shared>>
        %dma_wait3A_61 = tpu.memref_slice %arg10[%add3A_53] : memref<1602048xf32, #tpu.memory_space<vmem_shared>> -> memref<10000xf32, #tpu.memory_space<vmem_shared>>
        tpu.wait_dma2 semaphore(%run_scoped3A : memref<!tpu.dma_semaphore, #tpu.memory_space<semaphore_mem>>) src(%dma_wait3A_61 : memref<10000xf32, #tpu.memory_space<vmem_shared>>) dst(%arg12 : memref<10000xf32, #tpu.memory_space<vmem>>)
        tpu.yield
      }) : () -> ()
      %mul3A_54 = arith.constant 100000 : i32
      %mul3A_55 = arith.muli %arg1, %mul3A_54 : i32
      %add3A_56 = arith.addi %mul3A_26, %mul3A_55 : i32
      %mul3A_57 = arith.constant 10000 : i32
      %mul3A_58 = arith.muli %scan3A_48, %mul3A_57 : i32
      %add3A_59 = arith.addi %add3A_56, %mul3A_58 : i32
      "tpu.region"() ({
        %run_scoped3A = tpu.sem_alloc : memref<!tpu.dma_semaphore, #tpu.memory_space<semaphore_mem>>
        %dma_start3A = tpu.memref_slice %arg9[%add3A_59] : memref<6400000xf32, #tpu.memory_space<hbm>> -> memref<10000xf32, #tpu.memory_space<hbm>>
        %dma_start3A_60 = tpu.memref_slice %arg9[%add3A_59] : memref<6400000xf32, #tpu.memory_space<hbm>> -> memref<10000xf32, #tpu.memory_space<hbm>>
        tpu.enqueue_dma source(%arg12 : memref<10000xf32, #tpu.memory_space<vmem>>) target(%dma_start3A_60 : memref<10000xf32, #tpu.memory_space<hbm>>) target_semaphore(%run_scoped3A : memref<!tpu.dma_semaphore, #tpu.memory_space<semaphore_mem>>)
        %dma_wait3A = tpu.memref_slice %arg9[%add3A_59] : memref<6400000xf32, #tpu.memory_space<hbm>> -> memref<10000xf32, #tpu.memory_space<hbm>>
        %dma_wait3A_61 = tpu.memref_slice %arg9[%add3A_59] : memref<6400000xf32, #tpu.memory_space<hbm>> -> memref<10000xf32, #tpu.memory_space<hbm>>
        tpu.wait_dma2 semaphore(%run_scoped3A : memref<!tpu.dma_semaphore, #tpu.memory_space<semaphore_mem>>) src(%arg12 : memref<10000xf32, #tpu.memory_space<vmem>>) dst(%dma_wait3A_61 : memref<10000xf32, #tpu.memory_space<hbm>>)
        tpu.yield
      }) : () -> ()
    }
    %scan3A_46 = arith.constant 10 : i32
    %barrier3A_47 = arith.constant 0 : index
    tpu.barrier barrier_id(%barrier3A_47)
    return
  }
}

module attributes {stable_mosaic.version = 14 : i64} {
  func.func @_mlp_body(%arg0: i32, %arg1: memref<3x16xf32, #tpu.memory_space<smem>>, %arg2: memref<16xf32, #tpu.memory_space<smem>>, %arg3: memref<16x3xf32, #tpu.memory_space<smem>>, %arg4: memref<3xf32, #tpu.memory_space<smem>>, %arg5: memref<128000xf32, #tpu.memory_space<vmem>>, %arg6: memref<128000xf32, #tpu.memory_space<vmem>>, %arg7: memref<128000xf32, #tpu.memory_space<vmem>>, %arg8: memref<128000xf32, #tpu.memory_space<vmem>>, %arg9: memref<128000xf32, #tpu.memory_space<vmem>>, %arg10: memref<128000xf32, #tpu.memory_space<vmem>>, %arg11: memref<128000xf32, #tpu.memory_space<vmem>>, %arg12: memref<128000xf32, #tpu.memory_space<vmem>>, %arg13: memref<128000xf32, #tpu.memory_space<vmem>>, %arg14: memref<128000xf32, #tpu.memory_space<vmem>>, %arg15: memref<128000xf32, #tpu.memory_space<vmem>>, %arg16: memref<128000xf32, #tpu.memory_space<vmem>>) attributes {dimension_semantics = [#tpu.dimension_semantics<arbitrary>], iteration_bounds = array<i64: 50>, scalar_prefetch = 0 : i64, scratch_operands = 0 : i64, tpu.core_type = #tpu.core_type<tc>, window_params = [{transform_indices = @transform_0, window_bounds = array<i64: 3, 16>}, {transform_indices = @transform_1, window_bounds = array<i64: 16>}, {transform_indices = @transform_2, window_bounds = array<i64: 16, 3>}, {transform_indices = @transform_3, window_bounds = array<i64: 3>}, {transform_indices = @transform_4, window_bounds = array<i64: 128000>}, {transform_indices = @transform_5, window_bounds = array<i64: 128000>}, {transform_indices = @transform_6, window_bounds = array<i64: 128000>}, {transform_indices = @transform_7, window_bounds = array<i64: 128000>}, {transform_indices = @transform_8, window_bounds = array<i64: 128000>}, {transform_indices = @transform_9, window_bounds = array<i64: 128000>}, {transform_indices = @transform_10, window_bounds = array<i64: 128000>}, {transform_indices = @transform_11, window_bounds = array<i64: 128000>}, {transform_indices = @transform_12, window_bounds = array<i64: 128000>}, {transform_indices = @transform_13, window_bounds = array<i64: 128000>}, {transform_indices = @transform_14, window_bounds = array<i64: 128000>}, {transform_indices = @transform_15, window_bounds = array<i64: 128000>}]} {
    %get3A = arith.constant 0 : index
    %get3A_0 = vector.load %arg5[%get3A] : memref<128000xf32, #tpu.memory_space<vmem>>, vector<128000xf32>
    %get3A_1 = arith.constant 0 : index
    %get3A_2 = vector.load %arg8[%get3A_1] : memref<128000xf32, #tpu.memory_space<vmem>>, vector<128000xf32>
    %add3A = arith.addf %get3A_0, %get3A_2 : vector<128000xf32>
    %get3A_3 = arith.constant 0 : index
    %get3A_4 = vector.load %arg6[%get3A_3] : memref<128000xf32, #tpu.memory_space<vmem>>, vector<128000xf32>
    %get3A_5 = arith.constant 0 : index
    %get3A_6 = vector.load %arg9[%get3A_5] : memref<128000xf32, #tpu.memory_space<vmem>>, vector<128000xf32>
    %add3A_7 = arith.addf %get3A_4, %get3A_6 : vector<128000xf32>
    %get3A_8 = arith.constant 0 : index
    %get3A_9 = vector.load %arg7[%get3A_8] : memref<128000xf32, #tpu.memory_space<vmem>>, vector<128000xf32>
    %get3A_10 = arith.constant 0 : index
    %get3A_11 = vector.load %arg10[%get3A_10] : memref<128000xf32, #tpu.memory_space<vmem>>, vector<128000xf32>
    %add3A_12 = arith.addf %get3A_9, %get3A_11 : vector<128000xf32>
    %swap3A = arith.constant 0 : index
    %swap3A_13 = vector.load %arg11[%swap3A] : memref<128000xf32, #tpu.memory_space<vmem>>, vector<128000xf32>
    tpu.vector_store %arg11[%swap3A], %add3A {strides = array<i32>} : memref<128000xf32, #tpu.memory_space<vmem>>, vector<128000xf32>,
    %swap3A_14 = arith.constant 0 : index
    %swap3A_15 = vector.load %arg12[%swap3A_14] : memref<128000xf32, #tpu.memory_space<vmem>>, vector<128000xf32>
    tpu.vector_store %arg12[%swap3A_14], %add3A_7 {strides = array<i32>} : memref<128000xf32, #tpu.memory_space<vmem>>, vector<128000xf32>,
    %swap3A_16 = arith.constant 0 : index
    %swap3A_17 = vector.load %arg13[%swap3A_16] : memref<128000xf32, #tpu.memory_space<vmem>>, vector<128000xf32>
    tpu.vector_store %arg13[%swap3A_16], %add3A_12 {strides = array<i32>} : memref<128000xf32, #tpu.memory_space<vmem>>, vector<128000xf32>,
    %get3A_18 = arith.constant 0 : index
    %get3A_19 = memref.load %arg4[%get3A_18] : memref<3xf32, #tpu.memory_space<smem>>
    %broadcast_in_dim3A = vector.broadcast %get3A_19 : f32 to vector<128000xf32>
    %get3A_20 = arith.constant 1 : index
    %get3A_21 = memref.load %arg4[%get3A_20] : memref<3xf32, #tpu.memory_space<smem>>
    %broadcast_in_dim3A_22 = vector.broadcast %get3A_21 : f32 to vector<128000xf32>
    %get3A_23 = arith.constant 2 : index
    %get3A_24 = memref.load %arg4[%get3A_23] : memref<3xf32, #tpu.memory_space<smem>>
    %broadcast_in_dim3A_25 = vector.broadcast %get3A_24 : f32 to vector<128000xf32>
    %get3A_26 = arith.constant 0 : index
    %get3A_27 = arith.constant 0 : index
    %get3A_28 = memref.load %arg1[%get3A_26, %get3A_27] : memref<3x16xf32, #tpu.memory_space<smem>>
    %mul3A = vector.broadcast %get3A_28 : f32 to vector<128000xf32>
    %mul3A_29 = arith.mulf %add3A, %mul3A : vector<128000xf32>
    %get3A_30 = arith.constant 1 : index
    %get3A_31 = arith.constant 0 : index
    %get3A_32 = memref.load %arg1[%get3A_30, %get3A_31] : memref<3x16xf32, #tpu.memory_space<smem>>
    %mul3A_33 = vector.broadcast %get3A_32 : f32 to vector<128000xf32>
    %mul3A_34 = arith.mulf %add3A_7, %mul3A_33 : vector<128000xf32>
    %add3A_35 = arith.addf %mul3A_29, %mul3A_34 : vector<128000xf32>
    %get3A_36 = arith.constant 2 : index
    %get3A_37 = arith.constant 0 : index
    %get3A_38 = memref.load %arg1[%get3A_36, %get3A_37] : memref<3x16xf32, #tpu.memory_space<smem>>
    %mul3A_39 = vector.broadcast %get3A_38 : f32 to vector<128000xf32>
    %mul3A_40 = arith.mulf %add3A_12, %mul3A_39 : vector<128000xf32>
    %add3A_41 = arith.addf %add3A_35, %mul3A_40 : vector<128000xf32>
    %get3A_42 = arith.constant 0 : index
    %get3A_43 = memref.load %arg2[%get3A_42] : memref<16xf32, #tpu.memory_space<smem>>
    %add3A_44 = vector.broadcast %get3A_43 : f32 to vector<128000xf32>
    %add3A_45 = arith.addf %add3A_41, %add3A_44 : vector<128000xf32>
    %max3A = arith.constant 0.000000e+00 : f32
    %max3A_46 = vector.broadcast %max3A : f32 to vector<128000xf32>
    %max3A_47 = arith.maximumf %add3A_45, %max3A_46 : vector<128000xf32>
    %get3A_48 = arith.constant 0 : index
    %get3A_49 = arith.constant 0 : index
    %get3A_50 = memref.load %arg3[%get3A_48, %get3A_49] : memref<16x3xf32, #tpu.memory_space<smem>>
    %mul3A_51 = vector.broadcast %get3A_50 : f32 to vector<128000xf32>
    %mul3A_52 = arith.mulf %max3A_47, %mul3A_51 : vector<128000xf32>
    %add3A_53 = arith.addf %broadcast_in_dim3A, %mul3A_52 : vector<128000xf32>
    %get3A_54 = arith.constant 0 : index
    %get3A_55 = arith.constant 1 : index
    %get3A_56 = memref.load %arg3[%get3A_54, %get3A_55] : memref<16x3xf32, #tpu.memory_space<smem>>
    %mul3A_57 = vector.broadcast %get3A_56 : f32 to vector<128000xf32>
    %mul3A_58 = arith.mulf %max3A_47, %mul3A_57 : vector<128000xf32>
    %add3A_59 = arith.addf %broadcast_in_dim3A_22, %mul3A_58 : vector<128000xf32>
    %get3A_60 = arith.constant 0 : index
    %get3A_61 = arith.constant 2 : index
    %get3A_62 = memref.load %arg3[%get3A_60, %get3A_61] : memref<16x3xf32, #tpu.memory_space<smem>>
    %mul3A_63 = vector.broadcast %get3A_62 : f32 to vector<128000xf32>
    %mul3A_64 = arith.mulf %max3A_47, %mul3A_63 : vector<128000xf32>
    %add3A_65 = arith.addf %broadcast_in_dim3A_25, %mul3A_64 : vector<128000xf32>
    %get3A_66 = arith.constant 0 : index
    %get3A_67 = arith.constant 1 : index
    %get3A_68 = memref.load %arg1[%get3A_66, %get3A_67] : memref<3x16xf32, #tpu.memory_space<smem>>
    %mul3A_69 = vector.broadcast %get3A_68 : f32 to vector<128000xf32>
    %mul3A_70 = arith.mulf %add3A, %mul3A_69 : vector<128000xf32>
    %get3A_71 = arith.constant 1 : index
    %get3A_72 = arith.constant 1 : index
    %get3A_73 = memref.load %arg1[%get3A_71, %get3A_72] : memref<3x16xf32, #tpu.memory_space<smem>>
    %mul3A_74 = vector.broadcast %get3A_73 : f32 to vector<128000xf32>
    %mul3A_75 = arith.mulf %add3A_7, %mul3A_74 : vector<128000xf32>
    %add3A_76 = arith.addf %mul3A_70, %mul3A_75 : vector<128000xf32>
    %get3A_77 = arith.constant 2 : index
    %get3A_78 = arith.constant 1 : index
    %get3A_79 = memref.load %arg1[%get3A_77, %get3A_78] : memref<3x16xf32, #tpu.memory_space<smem>>
    %mul3A_80 = vector.broadcast %get3A_79 : f32 to vector<128000xf32>
    %mul3A_81 = arith.mulf %add3A_12, %mul3A_80 : vector<128000xf32>
    %add3A_82 = arith.addf %add3A_76, %mul3A_81 : vector<128000xf32>
    %get3A_83 = arith.constant 1 : index
    %get3A_84 = memref.load %arg2[%get3A_83] : memref<16xf32, #tpu.memory_space<smem>>
    %add3A_85 = vector.broadcast %get3A_84 : f32 to vector<128000xf32>
    %add3A_86 = arith.addf %add3A_82, %add3A_85 : vector<128000xf32>
    %max3A_87 = arith.constant 0.000000e+00 : f32
    %max3A_88 = vector.broadcast %max3A_87 : f32 to vector<128000xf32>
    %max3A_89 = arith.maximumf %add3A_86, %max3A_88 : vector<128000xf32>
    %get3A_90 = arith.constant 1 : index
    %get3A_91 = arith.constant 0 : index
    %get3A_92 = memref.load %arg3[%get3A_90, %get3A_91] : memref<16x3xf32, #tpu.memory_space<smem>>
    %mul3A_93 = vector.broadcast %get3A_92 : f32 to vector<128000xf32>
    %mul3A_94 = arith.mulf %max3A_89, %mul3A_93 : vector<128000xf32>
    %add3A_95 = arith.addf %add3A_53, %mul3A_94 : vector<128000xf32>
    %get3A_96 = arith.constant 1 : index
    %get3A_97 = arith.constant 1 : index
    %get3A_98 = memref.load %arg3[%get3A_96, %get3A_97] : memref<16x3xf32, #tpu.memory_space<smem>>
    %mul3A_99 = vector.broadcast %get3A_98 : f32 to vector<128000xf32>
    %mul3A_100 = arith.mulf %max3A_89, %mul3A_99 : vector<128000xf32>
    %add3A_101 = arith.addf %add3A_59, %mul3A_100 : vector<128000xf32>
    %get3A_102 = arith.constant 1 : index
    %get3A_103 = arith.constant 2 : index
    %get3A_104 = memref.load %arg3[%get3A_102, %get3A_103] : memref<16x3xf32, #tpu.memory_space<smem>>
    %mul3A_105 = vector.broadcast %get3A_104 : f32 to vector<128000xf32>
    %mul3A_106 = arith.mulf %max3A_89, %mul3A_105 : vector<128000xf32>
    %add3A_107 = arith.addf %add3A_65, %mul3A_106 : vector<128000xf32>
    %get3A_108 = arith.constant 0 : index
    %get3A_109 = arith.constant 2 : index
    %get3A_110 = memref.load %arg1[%get3A_108, %get3A_109] : memref<3x16xf32, #tpu.memory_space<smem>>
    %mul3A_111 = vector.broadcast %get3A_110 : f32 to vector<128000xf32>
    %mul3A_112 = arith.mulf %add3A, %mul3A_111 : vector<128000xf32>
    %get3A_113 = arith.constant 1 : index
    %get3A_114 = arith.constant 2 : index
    %get3A_115 = memref.load %arg1[%get3A_113, %get3A_114] : memref<3x16xf32, #tpu.memory_space<smem>>
    %mul3A_116 = vector.broadcast %get3A_115 : f32 to vector<128000xf32>
    %mul3A_117 = arith.mulf %add3A_7, %mul3A_116 : vector<128000xf32>
    %add3A_118 = arith.addf %mul3A_112, %mul3A_117 : vector<128000xf32>
    %get3A_119 = arith.constant 2 : index
    %get3A_120 = arith.constant 2 : index
    %get3A_121 = memref.load %arg1[%get3A_119, %get3A_120] : memref<3x16xf32, #tpu.memory_space<smem>>
    %mul3A_122 = vector.broadcast %get3A_121 : f32 to vector<128000xf32>
    %mul3A_123 = arith.mulf %add3A_12, %mul3A_122 : vector<128000xf32>
    %add3A_124 = arith.addf %add3A_118, %mul3A_123 : vector<128000xf32>
    %get3A_125 = arith.constant 2 : index
    %get3A_126 = memref.load %arg2[%get3A_125] : memref<16xf32, #tpu.memory_space<smem>>
    %add3A_127 = vector.broadcast %get3A_126 : f32 to vector<128000xf32>
    %add3A_128 = arith.addf %add3A_124, %add3A_127 : vector<128000xf32>
    %max3A_129 = arith.constant 0.000000e+00 : f32
    %max3A_130 = vector.broadcast %max3A_129 : f32 to vector<128000xf32>
    %max3A_131 = arith.maximumf %add3A_128, %max3A_130 : vector<128000xf32>
    %get3A_132 = arith.constant 2 : index
    %get3A_133 = arith.constant 0 : index
    %get3A_134 = memref.load %arg3[%get3A_132, %get3A_133] : memref<16x3xf32, #tpu.memory_space<smem>>
    %mul3A_135 = vector.broadcast %get3A_134 : f32 to vector<128000xf32>
    %mul3A_136 = arith.mulf %max3A_131, %mul3A_135 : vector<128000xf32>
    %add3A_137 = arith.addf %add3A_95, %mul3A_136 : vector<128000xf32>
    %get3A_138 = arith.constant 2 : index
    %get3A_139 = arith.constant 1 : index
    %get3A_140 = memref.load %arg3[%get3A_138, %get3A_139] : memref<16x3xf32, #tpu.memory_space<smem>>
    %mul3A_141 = vector.broadcast %get3A_140 : f32 to vector<128000xf32>
    %mul3A_142 = arith.mulf %max3A_131, %mul3A_141 : vector<128000xf32>
    %add3A_143 = arith.addf %add3A_101, %mul3A_142 : vector<128000xf32>
    %get3A_144 = arith.constant 2 : index
    %get3A_145 = arith.constant 2 : index
    %get3A_146 = memref.load %arg3[%get3A_144, %get3A_145] : memref<16x3xf32, #tpu.memory_space<smem>>
    %mul3A_147 = vector.broadcast %get3A_146 : f32 to vector<128000xf32>
    %mul3A_148 = arith.mulf %max3A_131, %mul3A_147 : vector<128000xf32>
    %add3A_149 = arith.addf %add3A_107, %mul3A_148 : vector<128000xf32>
    %get3A_150 = arith.constant 0 : index
    %get3A_151 = arith.constant 3 : index
    %get3A_152 = memref.load %arg1[%get3A_150, %get3A_151] : memref<3x16xf32, #tpu.memory_space<smem>>
    %mul3A_153 = vector.broadcast %get3A_152 : f32 to vector<128000xf32>
    %mul3A_154 = arith.mulf %add3A, %mul3A_153 : vector<128000xf32>
    %get3A_155 = arith.constant 1 : index
    %get3A_156 = arith.constant 3 : index
    %get3A_157 = memref.load %arg1[%get3A_155, %get3A_156] : memref<3x16xf32, #tpu.memory_space<smem>>
    %mul3A_158 = vector.broadcast %get3A_157 : f32 to vector<128000xf32>
    %mul3A_159 = arith.mulf %add3A_7, %mul3A_158 : vector<128000xf32>
    %add3A_160 = arith.addf %mul3A_154, %mul3A_159 : vector<128000xf32>
    %get3A_161 = arith.constant 2 : index
    %get3A_162 = arith.constant 3 : index
    %get3A_163 = memref.load %arg1[%get3A_161, %get3A_162] : memref<3x16xf32, #tpu.memory_space<smem>>
    %mul3A_164 = vector.broadcast %get3A_163 : f32 to vector<128000xf32>
    %mul3A_165 = arith.mulf %add3A_12, %mul3A_164 : vector<128000xf32>
    %add3A_166 = arith.addf %add3A_160, %mul3A_165 : vector<128000xf32>
    %get3A_167 = arith.constant 3 : index
    %get3A_168 = memref.load %arg2[%get3A_167] : memref<16xf32, #tpu.memory_space<smem>>
    %add3A_169 = vector.broadcast %get3A_168 : f32 to vector<128000xf32>
    %add3A_170 = arith.addf %add3A_166, %add3A_169 : vector<128000xf32>
    %max3A_171 = arith.constant 0.000000e+00 : f32
    %max3A_172 = vector.broadcast %max3A_171 : f32 to vector<128000xf32>
    %max3A_173 = arith.maximumf %add3A_170, %max3A_172 : vector<128000xf32>
    %get3A_174 = arith.constant 3 : index
    %get3A_175 = arith.constant 0 : index
    %get3A_176 = memref.load %arg3[%get3A_174, %get3A_175] : memref<16x3xf32, #tpu.memory_space<smem>>
    %mul3A_177 = vector.broadcast %get3A_176 : f32 to vector<128000xf32>
    %mul3A_178 = arith.mulf %max3A_173, %mul3A_177 : vector<128000xf32>
    %add3A_179 = arith.addf %add3A_137, %mul3A_178 : vector<128000xf32>
    %get3A_180 = arith.constant 3 : index
    %get3A_181 = arith.constant 1 : index
    %get3A_182 = memref.load %arg3[%get3A_180, %get3A_181] : memref<16x3xf32, #tpu.memory_space<smem>>
    %mul3A_183 = vector.broadcast %get3A_182 : f32 to vector<128000xf32>
    %mul3A_184 = arith.mulf %max3A_173, %mul3A_183 : vector<128000xf32>
    %add3A_185 = arith.addf %add3A_143, %mul3A_184 : vector<128000xf32>
    %get3A_186 = arith.constant 3 : index
    %get3A_187 = arith.constant 2 : index
    %get3A_188 = memref.load %arg3[%get3A_186, %get3A_187] : memref<16x3xf32, #tpu.memory_space<smem>>
    %mul3A_189 = vector.broadcast %get3A_188 : f32 to vector<128000xf32>
    %mul3A_190 = arith.mulf %max3A_173, %mul3A_189 : vector<128000xf32>
    %add3A_191 = arith.addf %add3A_149, %mul3A_190 : vector<128000xf32>
    %get3A_192 = arith.constant 0 : index
    %get3A_193 = arith.constant 4 : index
    %get3A_194 = memref.load %arg1[%get3A_192, %get3A_193] : memref<3x16xf32, #tpu.memory_space<smem>>
    %mul3A_195 = vector.broadcast %get3A_194 : f32 to vector<128000xf32>
    %mul3A_196 = arith.mulf %add3A, %mul3A_195 : vector<128000xf32>
    %get3A_197 = arith.constant 1 : index
    %get3A_198 = arith.constant 4 : index
    %get3A_199 = memref.load %arg1[%get3A_197, %get3A_198] : memref<3x16xf32, #tpu.memory_space<smem>>
    %mul3A_200 = vector.broadcast %get3A_199 : f32 to vector<128000xf32>
    %mul3A_201 = arith.mulf %add3A_7, %mul3A_200 : vector<128000xf32>
    %add3A_202 = arith.addf %mul3A_196, %mul3A_201 : vector<128000xf32>
    %get3A_203 = arith.constant 2 : index
    %get3A_204 = arith.constant 4 : index
    %get3A_205 = memref.load %arg1[%get3A_203, %get3A_204] : memref<3x16xf32, #tpu.memory_space<smem>>
    %mul3A_206 = vector.broadcast %get3A_205 : f32 to vector<128000xf32>
    %mul3A_207 = arith.mulf %add3A_12, %mul3A_206 : vector<128000xf32>
    %add3A_208 = arith.addf %add3A_202, %mul3A_207 : vector<128000xf32>
    %get3A_209 = arith.constant 4 : index
    %get3A_210 = memref.load %arg2[%get3A_209] : memref<16xf32, #tpu.memory_space<smem>>
    %add3A_211 = vector.broadcast %get3A_210 : f32 to vector<128000xf32>
    %add3A_212 = arith.addf %add3A_208, %add3A_211 : vector<128000xf32>
    %max3A_213 = arith.constant 0.000000e+00 : f32
    %max3A_214 = vector.broadcast %max3A_213 : f32 to vector<128000xf32>
    %max3A_215 = arith.maximumf %add3A_212, %max3A_214 : vector<128000xf32>
    %get3A_216 = arith.constant 4 : index
    %get3A_217 = arith.constant 0 : index
    %get3A_218 = memref.load %arg3[%get3A_216, %get3A_217] : memref<16x3xf32, #tpu.memory_space<smem>>
    %mul3A_219 = vector.broadcast %get3A_218 : f32 to vector<128000xf32>
    %mul3A_220 = arith.mulf %max3A_215, %mul3A_219 : vector<128000xf32>
    %add3A_221 = arith.addf %add3A_179, %mul3A_220 : vector<128000xf32>
    %get3A_222 = arith.constant 4 : index
    %get3A_223 = arith.constant 1 : index
    %get3A_224 = memref.load %arg3[%get3A_222, %get3A_223] : memref<16x3xf32, #tpu.memory_space<smem>>
    %mul3A_225 = vector.broadcast %get3A_224 : f32 to vector<128000xf32>
    %mul3A_226 = arith.mulf %max3A_215, %mul3A_225 : vector<128000xf32>
    %add3A_227 = arith.addf %add3A_185, %mul3A_226 : vector<128000xf32>
    %get3A_228 = arith.constant 4 : index
    %get3A_229 = arith.constant 2 : index
    %get3A_230 = memref.load %arg3[%get3A_228, %get3A_229] : memref<16x3xf32, #tpu.memory_space<smem>>
    %mul3A_231 = vector.broadcast %get3A_230 : f32 to vector<128000xf32>
    %mul3A_232 = arith.mulf %max3A_215, %mul3A_231 : vector<128000xf32>
    %add3A_233 = arith.addf %add3A_191, %mul3A_232 : vector<128000xf32>
    %get3A_234 = arith.constant 0 : index
    %get3A_235 = arith.constant 5 : index
    %get3A_236 = memref.load %arg1[%get3A_234, %get3A_235] : memref<3x16xf32, #tpu.memory_space<smem>>
    %mul3A_237 = vector.broadcast %get3A_236 : f32 to vector<128000xf32>
    %mul3A_238 = arith.mulf %add3A, %mul3A_237 : vector<128000xf32>
    %get3A_239 = arith.constant 1 : index
    %get3A_240 = arith.constant 5 : index
    %get3A_241 = memref.load %arg1[%get3A_239, %get3A_240] : memref<3x16xf32, #tpu.memory_space<smem>>
    %mul3A_242 = vector.broadcast %get3A_241 : f32 to vector<128000xf32>
    %mul3A_243 = arith.mulf %add3A_7, %mul3A_242 : vector<128000xf32>
    %add3A_244 = arith.addf %mul3A_238, %mul3A_243 : vector<128000xf32>
    %get3A_245 = arith.constant 2 : index
    %get3A_246 = arith.constant 5 : index
    %get3A_247 = memref.load %arg1[%get3A_245, %get3A_246] : memref<3x16xf32, #tpu.memory_space<smem>>
    %mul3A_248 = vector.broadcast %get3A_247 : f32 to vector<128000xf32>
    %mul3A_249 = arith.mulf %add3A_12, %mul3A_248 : vector<128000xf32>
    %add3A_250 = arith.addf %add3A_244, %mul3A_249 : vector<128000xf32>
    %get3A_251 = arith.constant 5 : index
    %get3A_252 = memref.load %arg2[%get3A_251] : memref<16xf32, #tpu.memory_space<smem>>
    %add3A_253 = vector.broadcast %get3A_252 : f32 to vector<128000xf32>
    %add3A_254 = arith.addf %add3A_250, %add3A_253 : vector<128000xf32>
    %max3A_255 = arith.constant 0.000000e+00 : f32
    %max3A_256 = vector.broadcast %max3A_255 : f32 to vector<128000xf32>
    %max3A_257 = arith.maximumf %add3A_254, %max3A_256 : vector<128000xf32>
    %get3A_258 = arith.constant 5 : index
    %get3A_259 = arith.constant 0 : index
    %get3A_260 = memref.load %arg3[%get3A_258, %get3A_259] : memref<16x3xf32, #tpu.memory_space<smem>>
    %mul3A_261 = vector.broadcast %get3A_260 : f32 to vector<128000xf32>
    %mul3A_262 = arith.mulf %max3A_257, %mul3A_261 : vector<128000xf32>
    %add3A_263 = arith.addf %add3A_221, %mul3A_262 : vector<128000xf32>
    %get3A_264 = arith.constant 5 : index
    %get3A_265 = arith.constant 1 : index
    %get3A_266 = memref.load %arg3[%get3A_264, %get3A_265] : memref<16x3xf32, #tpu.memory_space<smem>>
    %mul3A_267 = vector.broadcast %get3A_266 : f32 to vector<128000xf32>
    %mul3A_268 = arith.mulf %max3A_257, %mul3A_267 : vector<128000xf32>
    %add3A_269 = arith.addf %add3A_227, %mul3A_268 : vector<128000xf32>
    %get3A_270 = arith.constant 5 : index
    %get3A_271 = arith.constant 2 : index
    %get3A_272 = memref.load %arg3[%get3A_270, %get3A_271] : memref<16x3xf32, #tpu.memory_space<smem>>
    %mul3A_273 = vector.broadcast %get3A_272 : f32 to vector<128000xf32>
    %mul3A_274 = arith.mulf %max3A_257, %mul3A_273 : vector<128000xf32>
    %add3A_275 = arith.addf %add3A_233, %mul3A_274 : vector<128000xf32>
    %get3A_276 = arith.constant 0 : index
    %get3A_277 = arith.constant 6 : index
    %get3A_278 = memref.load %arg1[%get3A_276, %get3A_277] : memref<3x16xf32, #tpu.memory_space<smem>>
    %mul3A_279 = vector.broadcast %get3A_278 : f32 to vector<128000xf32>
    %mul3A_280 = arith.mulf %add3A, %mul3A_279 : vector<128000xf32>
    %get3A_281 = arith.constant 1 : index
    %get3A_282 = arith.constant 6 : index
    %get3A_283 = memref.load %arg1[%get3A_281, %get3A_282] : memref<3x16xf32, #tpu.memory_space<smem>>
    %mul3A_284 = vector.broadcast %get3A_283 : f32 to vector<128000xf32>
    %mul3A_285 = arith.mulf %add3A_7, %mul3A_284 : vector<128000xf32>
    %add3A_286 = arith.addf %mul3A_280, %mul3A_285 : vector<128000xf32>
    %get3A_287 = arith.constant 2 : index
    %get3A_288 = arith.constant 6 : index
    %get3A_289 = memref.load %arg1[%get3A_287, %get3A_288] : memref<3x16xf32, #tpu.memory_space<smem>>
    %mul3A_290 = vector.broadcast %get3A_289 : f32 to vector<128000xf32>
    %mul3A_291 = arith.mulf %add3A_12, %mul3A_290 : vector<128000xf32>
    %add3A_292 = arith.addf %add3A_286, %mul3A_291 : vector<128000xf32>
    %get3A_293 = arith.constant 6 : index
    %get3A_294 = memref.load %arg2[%get3A_293] : memref<16xf32, #tpu.memory_space<smem>>
    %add3A_295 = vector.broadcast %get3A_294 : f32 to vector<128000xf32>
    %add3A_296 = arith.addf %add3A_292, %add3A_295 : vector<128000xf32>
    %max3A_297 = arith.constant 0.000000e+00 : f32
    %max3A_298 = vector.broadcast %max3A_297 : f32 to vector<128000xf32>
    %max3A_299 = arith.maximumf %add3A_296, %max3A_298 : vector<128000xf32>
    %get3A_300 = arith.constant 6 : index
    %get3A_301 = arith.constant 0 : index
    %get3A_302 = memref.load %arg3[%get3A_300, %get3A_301] : memref<16x3xf32, #tpu.memory_space<smem>>
    %mul3A_303 = vector.broadcast %get3A_302 : f32 to vector<128000xf32>
    %mul3A_304 = arith.mulf %max3A_299, %mul3A_303 : vector<128000xf32>
    %add3A_305 = arith.addf %add3A_263, %mul3A_304 : vector<128000xf32>
    %get3A_306 = arith.constant 6 : index
    %get3A_307 = arith.constant 1 : index
    %get3A_308 = memref.load %arg3[%get3A_306, %get3A_307] : memref<16x3xf32, #tpu.memory_space<smem>>
    %mul3A_309 = vector.broadcast %get3A_308 : f32 to vector<128000xf32>
    %mul3A_310 = arith.mulf %max3A_299, %mul3A_309 : vector<128000xf32>
    %add3A_311 = arith.addf %add3A_269, %mul3A_310 : vector<128000xf32>
    %get3A_312 = arith.constant 6 : index
    %get3A_313 = arith.constant 2 : index
    %get3A_314 = memref.load %arg3[%get3A_312, %get3A_313] : memref<16x3xf32, #tpu.memory_space<smem>>
    %mul3A_315 = vector.broadcast %get3A_314 : f32 to vector<128000xf32>
    %mul3A_316 = arith.mulf %max3A_299, %mul3A_315 : vector<128000xf32>
    %add3A_317 = arith.addf %add3A_275, %mul3A_316 : vector<128000xf32>
    %get3A_318 = arith.constant 0 : index
    %get3A_319 = arith.constant 7 : index
    %get3A_320 = memref.load %arg1[%get3A_318, %get3A_319] : memref<3x16xf32, #tpu.memory_space<smem>>
    %mul3A_321 = vector.broadcast %get3A_320 : f32 to vector<128000xf32>
    %mul3A_322 = arith.mulf %add3A, %mul3A_321 : vector<128000xf32>
    %get3A_323 = arith.constant 1 : index
    %get3A_324 = arith.constant 7 : index
    %get3A_325 = memref.load %arg1[%get3A_323, %get3A_324] : memref<3x16xf32, #tpu.memory_space<smem>>
    %mul3A_326 = vector.broadcast %get3A_325 : f32 to vector<128000xf32>
    %mul3A_327 = arith.mulf %add3A_7, %mul3A_326 : vector<128000xf32>
    %add3A_328 = arith.addf %mul3A_322, %mul3A_327 : vector<128000xf32>
    %get3A_329 = arith.constant 2 : index
    %get3A_330 = arith.constant 7 : index
    %get3A_331 = memref.load %arg1[%get3A_329, %get3A_330] : memref<3x16xf32, #tpu.memory_space<smem>>
    %mul3A_332 = vector.broadcast %get3A_331 : f32 to vector<128000xf32>
    %mul3A_333 = arith.mulf %add3A_12, %mul3A_332 : vector<128000xf32>
    %add3A_334 = arith.addf %add3A_328, %mul3A_333 : vector<128000xf32>
    %get3A_335 = arith.constant 7 : index
    %get3A_336 = memref.load %arg2[%get3A_335] : memref<16xf32, #tpu.memory_space<smem>>
    %add3A_337 = vector.broadcast %get3A_336 : f32 to vector<128000xf32>
    %add3A_338 = arith.addf %add3A_334, %add3A_337 : vector<128000xf32>
    %max3A_339 = arith.constant 0.000000e+00 : f32
    %max3A_340 = vector.broadcast %max3A_339 : f32 to vector<128000xf32>
    %max3A_341 = arith.maximumf %add3A_338, %max3A_340 : vector<128000xf32>
    %get3A_342 = arith.constant 7 : index
    %get3A_343 = arith.constant 0 : index
    %get3A_344 = memref.load %arg3[%get3A_342, %get3A_343] : memref<16x3xf32, #tpu.memory_space<smem>>
    %mul3A_345 = vector.broadcast %get3A_344 : f32 to vector<128000xf32>
    %mul3A_346 = arith.mulf %max3A_341, %mul3A_345 : vector<128000xf32>
    %add3A_347 = arith.addf %add3A_305, %mul3A_346 : vector<128000xf32>
    %get3A_348 = arith.constant 7 : index
    %get3A_349 = arith.constant 1 : index
    %get3A_350 = memref.load %arg3[%get3A_348, %get3A_349] : memref<16x3xf32, #tpu.memory_space<smem>>
    %mul3A_351 = vector.broadcast %get3A_350 : f32 to vector<128000xf32>
    %mul3A_352 = arith.mulf %max3A_341, %mul3A_351 : vector<128000xf32>
    %add3A_353 = arith.addf %add3A_311, %mul3A_352 : vector<128000xf32>
    %get3A_354 = arith.constant 7 : index
    %get3A_355 = arith.constant 2 : index
    %get3A_356 = memref.load %arg3[%get3A_354, %get3A_355] : memref<16x3xf32, #tpu.memory_space<smem>>
    %mul3A_357 = vector.broadcast %get3A_356 : f32 to vector<128000xf32>
    %mul3A_358 = arith.mulf %max3A_341, %mul3A_357 : vector<128000xf32>
    %add3A_359 = arith.addf %add3A_317, %mul3A_358 : vector<128000xf32>
    %get3A_360 = arith.constant 0 : index
    %get3A_361 = arith.constant 8 : index
    %get3A_362 = memref.load %arg1[%get3A_360, %get3A_361] : memref<3x16xf32, #tpu.memory_space<smem>>
    %mul3A_363 = vector.broadcast %get3A_362 : f32 to vector<128000xf32>
    %mul3A_364 = arith.mulf %add3A, %mul3A_363 : vector<128000xf32>
    %get3A_365 = arith.constant 1 : index
    %get3A_366 = arith.constant 8 : index
    %get3A_367 = memref.load %arg1[%get3A_365, %get3A_366] : memref<3x16xf32, #tpu.memory_space<smem>>
    %mul3A_368 = vector.broadcast %get3A_367 : f32 to vector<128000xf32>
    %mul3A_369 = arith.mulf %add3A_7, %mul3A_368 : vector<128000xf32>
    %add3A_370 = arith.addf %mul3A_364, %mul3A_369 : vector<128000xf32>
    %get3A_371 = arith.constant 2 : index
    %get3A_372 = arith.constant 8 : index
    %get3A_373 = memref.load %arg1[%get3A_371, %get3A_372] : memref<3x16xf32, #tpu.memory_space<smem>>
    %mul3A_374 = vector.broadcast %get3A_373 : f32 to vector<128000xf32>
    %mul3A_375 = arith.mulf %add3A_12, %mul3A_374 : vector<128000xf32>
    %add3A_376 = arith.addf %add3A_370, %mul3A_375 : vector<128000xf32>
    %get3A_377 = arith.constant 8 : index
    %get3A_378 = memref.load %arg2[%get3A_377] : memref<16xf32, #tpu.memory_space<smem>>
    %add3A_379 = vector.broadcast %get3A_378 : f32 to vector<128000xf32>
    %add3A_380 = arith.addf %add3A_376, %add3A_379 : vector<128000xf32>
    %max3A_381 = arith.constant 0.000000e+00 : f32
    %max3A_382 = vector.broadcast %max3A_381 : f32 to vector<128000xf32>
    %max3A_383 = arith.maximumf %add3A_380, %max3A_382 : vector<128000xf32>
    %get3A_384 = arith.constant 8 : index
    %get3A_385 = arith.constant 0 : index
    %get3A_386 = memref.load %arg3[%get3A_384, %get3A_385] : memref<16x3xf32, #tpu.memory_space<smem>>
    %mul3A_387 = vector.broadcast %get3A_386 : f32 to vector<128000xf32>
    %mul3A_388 = arith.mulf %max3A_383, %mul3A_387 : vector<128000xf32>
    %add3A_389 = arith.addf %add3A_347, %mul3A_388 : vector<128000xf32>
    %get3A_390 = arith.constant 8 : index
    %get3A_391 = arith.constant 1 : index
    %get3A_392 = memref.load %arg3[%get3A_390, %get3A_391] : memref<16x3xf32, #tpu.memory_space<smem>>
    %mul3A_393 = vector.broadcast %get3A_392 : f32 to vector<128000xf32>
    %mul3A_394 = arith.mulf %max3A_383, %mul3A_393 : vector<128000xf32>
    %add3A_395 = arith.addf %add3A_353, %mul3A_394 : vector<128000xf32>
    %get3A_396 = arith.constant 8 : index
    %get3A_397 = arith.constant 2 : index
    %get3A_398 = memref.load %arg3[%get3A_396, %get3A_397] : memref<16x3xf32, #tpu.memory_space<smem>>
    %mul3A_399 = vector.broadcast %get3A_398 : f32 to vector<128000xf32>
    %mul3A_400 = arith.mulf %max3A_383, %mul3A_399 : vector<128000xf32>
    %add3A_401 = arith.addf %add3A_359, %mul3A_400 : vector<128000xf32>
    %get3A_402 = arith.constant 0 : index
    %get3A_403 = arith.constant 9 : index
    %get3A_404 = memref.load %arg1[%get3A_402, %get3A_403] : memref<3x16xf32, #tpu.memory_space<smem>>
    %mul3A_405 = vector.broadcast %get3A_404 : f32 to vector<128000xf32>
    %mul3A_406 = arith.mulf %add3A, %mul3A_405 : vector<128000xf32>
    %get3A_407 = arith.constant 1 : index
    %get3A_408 = arith.constant 9 : index
    %get3A_409 = memref.load %arg1[%get3A_407, %get3A_408] : memref<3x16xf32, #tpu.memory_space<smem>>
    %mul3A_410 = vector.broadcast %get3A_409 : f32 to vector<128000xf32>
    %mul3A_411 = arith.mulf %add3A_7, %mul3A_410 : vector<128000xf32>
    %add3A_412 = arith.addf %mul3A_406, %mul3A_411 : vector<128000xf32>
    %get3A_413 = arith.constant 2 : index
    %get3A_414 = arith.constant 9 : index
    %get3A_415 = memref.load %arg1[%get3A_413, %get3A_414] : memref<3x16xf32, #tpu.memory_space<smem>>
    %mul3A_416 = vector.broadcast %get3A_415 : f32 to vector<128000xf32>
    %mul3A_417 = arith.mulf %add3A_12, %mul3A_416 : vector<128000xf32>
    %add3A_418 = arith.addf %add3A_412, %mul3A_417 : vector<128000xf32>
    %get3A_419 = arith.constant 9 : index
    %get3A_420 = memref.load %arg2[%get3A_419] : memref<16xf32, #tpu.memory_space<smem>>
    %add3A_421 = vector.broadcast %get3A_420 : f32 to vector<128000xf32>
    %add3A_422 = arith.addf %add3A_418, %add3A_421 : vector<128000xf32>
    %max3A_423 = arith.constant 0.000000e+00 : f32
    %max3A_424 = vector.broadcast %max3A_423 : f32 to vector<128000xf32>
    %max3A_425 = arith.maximumf %add3A_422, %max3A_424 : vector<128000xf32>
    %get3A_426 = arith.constant 9 : index
    %get3A_427 = arith.constant 0 : index
    %get3A_428 = memref.load %arg3[%get3A_426, %get3A_427] : memref<16x3xf32, #tpu.memory_space<smem>>
    %mul3A_429 = vector.broadcast %get3A_428 : f32 to vector<128000xf32>
    %mul3A_430 = arith.mulf %max3A_425, %mul3A_429 : vector<128000xf32>
    %add3A_431 = arith.addf %add3A_389, %mul3A_430 : vector<128000xf32>
    %get3A_432 = arith.constant 9 : index
    %get3A_433 = arith.constant 1 : index
    %get3A_434 = memref.load %arg3[%get3A_432, %get3A_433] : memref<16x3xf32, #tpu.memory_space<smem>>
    %mul3A_435 = vector.broadcast %get3A_434 : f32 to vector<128000xf32>
    %mul3A_436 = arith.mulf %max3A_425, %mul3A_435 : vector<128000xf32>
    %add3A_437 = arith.addf %add3A_395, %mul3A_436 : vector<128000xf32>
    %get3A_438 = arith.constant 9 : index
    %get3A_439 = arith.constant 2 : index
    %get3A_440 = memref.load %arg3[%get3A_438, %get3A_439] : memref<16x3xf32, #tpu.memory_space<smem>>
    %mul3A_441 = vector.broadcast %get3A_440 : f32 to vector<128000xf32>
    %mul3A_442 = arith.mulf %max3A_425, %mul3A_441 : vector<128000xf32>
    %add3A_443 = arith.addf %add3A_401, %mul3A_442 : vector<128000xf32>
    %get3A_444 = arith.constant 0 : index
    %get3A_445 = arith.constant 10 : index
    %get3A_446 = memref.load %arg1[%get3A_444, %get3A_445] : memref<3x16xf32, #tpu.memory_space<smem>>
    %mul3A_447 = vector.broadcast %get3A_446 : f32 to vector<128000xf32>
    %mul3A_448 = arith.mulf %add3A, %mul3A_447 : vector<128000xf32>
    %get3A_449 = arith.constant 1 : index
    %get3A_450 = arith.constant 10 : index
    %get3A_451 = memref.load %arg1[%get3A_449, %get3A_450] : memref<3x16xf32, #tpu.memory_space<smem>>
    %mul3A_452 = vector.broadcast %get3A_451 : f32 to vector<128000xf32>
    %mul3A_453 = arith.mulf %add3A_7, %mul3A_452 : vector<128000xf32>
    %add3A_454 = arith.addf %mul3A_448, %mul3A_453 : vector<128000xf32>
    %get3A_455 = arith.constant 2 : index
    %get3A_456 = arith.constant 10 : index
    %get3A_457 = memref.load %arg1[%get3A_455, %get3A_456] : memref<3x16xf32, #tpu.memory_space<smem>>
    %mul3A_458 = vector.broadcast %get3A_457 : f32 to vector<128000xf32>
    %mul3A_459 = arith.mulf %add3A_12, %mul3A_458 : vector<128000xf32>
    %add3A_460 = arith.addf %add3A_454, %mul3A_459 : vector<128000xf32>
    %get3A_461 = arith.constant 10 : index
    %get3A_462 = memref.load %arg2[%get3A_461] : memref<16xf32, #tpu.memory_space<smem>>
    %add3A_463 = vector.broadcast %get3A_462 : f32 to vector<128000xf32>
    %add3A_464 = arith.addf %add3A_460, %add3A_463 : vector<128000xf32>
    %max3A_465 = arith.constant 0.000000e+00 : f32
    %max3A_466 = vector.broadcast %max3A_465 : f32 to vector<128000xf32>
    %max3A_467 = arith.maximumf %add3A_464, %max3A_466 : vector<128000xf32>
    %get3A_468 = arith.constant 10 : index
    %get3A_469 = arith.constant 0 : index
    %get3A_470 = memref.load %arg3[%get3A_468, %get3A_469] : memref<16x3xf32, #tpu.memory_space<smem>>
    %mul3A_471 = vector.broadcast %get3A_470 : f32 to vector<128000xf32>
    %mul3A_472 = arith.mulf %max3A_467, %mul3A_471 : vector<128000xf32>
    %add3A_473 = arith.addf %add3A_431, %mul3A_472 : vector<128000xf32>
    %get3A_474 = arith.constant 10 : index
    %get3A_475 = arith.constant 1 : index
    %get3A_476 = memref.load %arg3[%get3A_474, %get3A_475] : memref<16x3xf32, #tpu.memory_space<smem>>
    %mul3A_477 = vector.broadcast %get3A_476 : f32 to vector<128000xf32>
    %mul3A_478 = arith.mulf %max3A_467, %mul3A_477 : vector<128000xf32>
    %add3A_479 = arith.addf %add3A_437, %mul3A_478 : vector<128000xf32>
    %get3A_480 = arith.constant 10 : index
    %get3A_481 = arith.constant 2 : index
    %get3A_482 = memref.load %arg3[%get3A_480, %get3A_481] : memref<16x3xf32, #tpu.memory_space<smem>>
    %mul3A_483 = vector.broadcast %get3A_482 : f32 to vector<128000xf32>
    %mul3A_484 = arith.mulf %max3A_467, %mul3A_483 : vector<128000xf32>
    %add3A_485 = arith.addf %add3A_443, %mul3A_484 : vector<128000xf32>
    %get3A_486 = arith.constant 0 : index
    %get3A_487 = arith.constant 11 : index
    %get3A_488 = memref.load %arg1[%get3A_486, %get3A_487] : memref<3x16xf32, #tpu.memory_space<smem>>
    %mul3A_489 = vector.broadcast %get3A_488 : f32 to vector<128000xf32>
    %mul3A_490 = arith.mulf %add3A, %mul3A_489 : vector<128000xf32>
    %get3A_491 = arith.constant 1 : index
    %get3A_492 = arith.constant 11 : index
    %get3A_493 = memref.load %arg1[%get3A_491, %get3A_492] : memref<3x16xf32, #tpu.memory_space<smem>>
    %mul3A_494 = vector.broadcast %get3A_493 : f32 to vector<128000xf32>
    %mul3A_495 = arith.mulf %add3A_7, %mul3A_494 : vector<128000xf32>
    %add3A_496 = arith.addf %mul3A_490, %mul3A_495 : vector<128000xf32>
    %get3A_497 = arith.constant 2 : index
    %get3A_498 = arith.constant 11 : index
    %get3A_499 = memref.load %arg1[%get3A_497, %get3A_498] : memref<3x16xf32, #tpu.memory_space<smem>>
    %mul3A_500 = vector.broadcast %get3A_499 : f32 to vector<128000xf32>
    %mul3A_501 = arith.mulf %add3A_12, %mul3A_500 : vector<128000xf32>
    %add3A_502 = arith.addf %add3A_496, %mul3A_501 : vector<128000xf32>
    %get3A_503 = arith.constant 11 : index
    %get3A_504 = memref.load %arg2[%get3A_503] : memref<16xf32, #tpu.memory_space<smem>>
    %add3A_505 = vector.broadcast %get3A_504 : f32 to vector<128000xf32>
    %add3A_506 = arith.addf %add3A_502, %add3A_505 : vector<128000xf32>
    %max3A_507 = arith.constant 0.000000e+00 : f32
    %max3A_508 = vector.broadcast %max3A_507 : f32 to vector<128000xf32>
    %max3A_509 = arith.maximumf %add3A_506, %max3A_508 : vector<128000xf32>
    %get3A_510 = arith.constant 11 : index
    %get3A_511 = arith.constant 0 : index
    %get3A_512 = memref.load %arg3[%get3A_510, %get3A_511] : memref<16x3xf32, #tpu.memory_space<smem>>
    %mul3A_513 = vector.broadcast %get3A_512 : f32 to vector<128000xf32>
    %mul3A_514 = arith.mulf %max3A_509, %mul3A_513 : vector<128000xf32>
    %add3A_515 = arith.addf %add3A_473, %mul3A_514 : vector<128000xf32>
    %get3A_516 = arith.constant 11 : index
    %get3A_517 = arith.constant 1 : index
    %get3A_518 = memref.load %arg3[%get3A_516, %get3A_517] : memref<16x3xf32, #tpu.memory_space<smem>>
    %mul3A_519 = vector.broadcast %get3A_518 : f32 to vector<128000xf32>
    %mul3A_520 = arith.mulf %max3A_509, %mul3A_519 : vector<128000xf32>
    %add3A_521 = arith.addf %add3A_479, %mul3A_520 : vector<128000xf32>
    %get3A_522 = arith.constant 11 : index
    %get3A_523 = arith.constant 2 : index
    %get3A_524 = memref.load %arg3[%get3A_522, %get3A_523] : memref<16x3xf32, #tpu.memory_space<smem>>
    %mul3A_525 = vector.broadcast %get3A_524 : f32 to vector<128000xf32>
    %mul3A_526 = arith.mulf %max3A_509, %mul3A_525 : vector<128000xf32>
    %add3A_527 = arith.addf %add3A_485, %mul3A_526 : vector<128000xf32>
    %get3A_528 = arith.constant 0 : index
    %get3A_529 = arith.constant 12 : index
    %get3A_530 = memref.load %arg1[%get3A_528, %get3A_529] : memref<3x16xf32, #tpu.memory_space<smem>>
    %mul3A_531 = vector.broadcast %get3A_530 : f32 to vector<128000xf32>
    %mul3A_532 = arith.mulf %add3A, %mul3A_531 : vector<128000xf32>
    %get3A_533 = arith.constant 1 : index
    %get3A_534 = arith.constant 12 : index
    %get3A_535 = memref.load %arg1[%get3A_533, %get3A_534] : memref<3x16xf32, #tpu.memory_space<smem>>
    %mul3A_536 = vector.broadcast %get3A_535 : f32 to vector<128000xf32>
    %mul3A_537 = arith.mulf %add3A_7, %mul3A_536 : vector<128000xf32>
    %add3A_538 = arith.addf %mul3A_532, %mul3A_537 : vector<128000xf32>
    %get3A_539 = arith.constant 2 : index
    %get3A_540 = arith.constant 12 : index
    %get3A_541 = memref.load %arg1[%get3A_539, %get3A_540] : memref<3x16xf32, #tpu.memory_space<smem>>
    %mul3A_542 = vector.broadcast %get3A_541 : f32 to vector<128000xf32>
    %mul3A_543 = arith.mulf %add3A_12, %mul3A_542 : vector<128000xf32>
    %add3A_544 = arith.addf %add3A_538, %mul3A_543 : vector<128000xf32>
    %get3A_545 = arith.constant 12 : index
    %get3A_546 = memref.load %arg2[%get3A_545] : memref<16xf32, #tpu.memory_space<smem>>
    %add3A_547 = vector.broadcast %get3A_546 : f32 to vector<128000xf32>
    %add3A_548 = arith.addf %add3A_544, %add3A_547 : vector<128000xf32>
    %max3A_549 = arith.constant 0.000000e+00 : f32
    %max3A_550 = vector.broadcast %max3A_549 : f32 to vector<128000xf32>
    %max3A_551 = arith.maximumf %add3A_548, %max3A_550 : vector<128000xf32>
    %get3A_552 = arith.constant 12 : index
    %get3A_553 = arith.constant 0 : index
    %get3A_554 = memref.load %arg3[%get3A_552, %get3A_553] : memref<16x3xf32, #tpu.memory_space<smem>>
    %mul3A_555 = vector.broadcast %get3A_554 : f32 to vector<128000xf32>
    %mul3A_556 = arith.mulf %max3A_551, %mul3A_555 : vector<128000xf32>
    %add3A_557 = arith.addf %add3A_515, %mul3A_556 : vector<128000xf32>
    %get3A_558 = arith.constant 12 : index
    %get3A_559 = arith.constant 1 : index
    %get3A_560 = memref.load %arg3[%get3A_558, %get3A_559] : memref<16x3xf32, #tpu.memory_space<smem>>
    %mul3A_561 = vector.broadcast %get3A_560 : f32 to vector<128000xf32>
    %mul3A_562 = arith.mulf %max3A_551, %mul3A_561 : vector<128000xf32>
    %add3A_563 = arith.addf %add3A_521, %mul3A_562 : vector<128000xf32>
    %get3A_564 = arith.constant 12 : index
    %get3A_565 = arith.constant 2 : index
    %get3A_566 = memref.load %arg3[%get3A_564, %get3A_565] : memref<16x3xf32, #tpu.memory_space<smem>>
    %mul3A_567 = vector.broadcast %get3A_566 : f32 to vector<128000xf32>
    %mul3A_568 = arith.mulf %max3A_551, %mul3A_567 : vector<128000xf32>
    %add3A_569 = arith.addf %add3A_527, %mul3A_568 : vector<128000xf32>
    %get3A_570 = arith.constant 0 : index
    %get3A_571 = arith.constant 13 : index
    %get3A_572 = memref.load %arg1[%get3A_570, %get3A_571] : memref<3x16xf32, #tpu.memory_space<smem>>
    %mul3A_573 = vector.broadcast %get3A_572 : f32 to vector<128000xf32>
    %mul3A_574 = arith.mulf %add3A, %mul3A_573 : vector<128000xf32>
    %get3A_575 = arith.constant 1 : index
    %get3A_576 = arith.constant 13 : index
    %get3A_577 = memref.load %arg1[%get3A_575, %get3A_576] : memref<3x16xf32, #tpu.memory_space<smem>>
    %mul3A_578 = vector.broadcast %get3A_577 : f32 to vector<128000xf32>
    %mul3A_579 = arith.mulf %add3A_7, %mul3A_578 : vector<128000xf32>
    %add3A_580 = arith.addf %mul3A_574, %mul3A_579 : vector<128000xf32>
    %get3A_581 = arith.constant 2 : index
    %get3A_582 = arith.constant 13 : index
    %get3A_583 = memref.load %arg1[%get3A_581, %get3A_582] : memref<3x16xf32, #tpu.memory_space<smem>>
    %mul3A_584 = vector.broadcast %get3A_583 : f32 to vector<128000xf32>
    %mul3A_585 = arith.mulf %add3A_12, %mul3A_584 : vector<128000xf32>
    %add3A_586 = arith.addf %add3A_580, %mul3A_585 : vector<128000xf32>
    %get3A_587 = arith.constant 13 : index
    %get3A_588 = memref.load %arg2[%get3A_587] : memref<16xf32, #tpu.memory_space<smem>>
    %add3A_589 = vector.broadcast %get3A_588 : f32 to vector<128000xf32>
    %add3A_590 = arith.addf %add3A_586, %add3A_589 : vector<128000xf32>
    %max3A_591 = arith.constant 0.000000e+00 : f32
    %max3A_592 = vector.broadcast %max3A_591 : f32 to vector<128000xf32>
    %max3A_593 = arith.maximumf %add3A_590, %max3A_592 : vector<128000xf32>
    %get3A_594 = arith.constant 13 : index
    %get3A_595 = arith.constant 0 : index
    %get3A_596 = memref.load %arg3[%get3A_594, %get3A_595] : memref<16x3xf32, #tpu.memory_space<smem>>
    %mul3A_597 = vector.broadcast %get3A_596 : f32 to vector<128000xf32>
    %mul3A_598 = arith.mulf %max3A_593, %mul3A_597 : vector<128000xf32>
    %add3A_599 = arith.addf %add3A_557, %mul3A_598 : vector<128000xf32>
    %get3A_600 = arith.constant 13 : index
    %get3A_601 = arith.constant 1 : index
    %get3A_602 = memref.load %arg3[%get3A_600, %get3A_601] : memref<16x3xf32, #tpu.memory_space<smem>>
    %mul3A_603 = vector.broadcast %get3A_602 : f32 to vector<128000xf32>
    %mul3A_604 = arith.mulf %max3A_593, %mul3A_603 : vector<128000xf32>
    %add3A_605 = arith.addf %add3A_563, %mul3A_604 : vector<128000xf32>
    %get3A_606 = arith.constant 13 : index
    %get3A_607 = arith.constant 2 : index
    %get3A_608 = memref.load %arg3[%get3A_606, %get3A_607] : memref<16x3xf32, #tpu.memory_space<smem>>
    %mul3A_609 = vector.broadcast %get3A_608 : f32 to vector<128000xf32>
    %mul3A_610 = arith.mulf %max3A_593, %mul3A_609 : vector<128000xf32>
    %add3A_611 = arith.addf %add3A_569, %mul3A_610 : vector<128000xf32>
    %get3A_612 = arith.constant 0 : index
    %get3A_613 = arith.constant 14 : index
    %get3A_614 = memref.load %arg1[%get3A_612, %get3A_613] : memref<3x16xf32, #tpu.memory_space<smem>>
    %mul3A_615 = vector.broadcast %get3A_614 : f32 to vector<128000xf32>
    %mul3A_616 = arith.mulf %add3A, %mul3A_615 : vector<128000xf32>
    %get3A_617 = arith.constant 1 : index
    %get3A_618 = arith.constant 14 : index
    %get3A_619 = memref.load %arg1[%get3A_617, %get3A_618] : memref<3x16xf32, #tpu.memory_space<smem>>
    %mul3A_620 = vector.broadcast %get3A_619 : f32 to vector<128000xf32>
    %mul3A_621 = arith.mulf %add3A_7, %mul3A_620 : vector<128000xf32>
    %add3A_622 = arith.addf %mul3A_616, %mul3A_621 : vector<128000xf32>
    %get3A_623 = arith.constant 2 : index
    %get3A_624 = arith.constant 14 : index
    %get3A_625 = memref.load %arg1[%get3A_623, %get3A_624] : memref<3x16xf32, #tpu.memory_space<smem>>
    %mul3A_626 = vector.broadcast %get3A_625 : f32 to vector<128000xf32>
    %mul3A_627 = arith.mulf %add3A_12, %mul3A_626 : vector<128000xf32>
    %add3A_628 = arith.addf %add3A_622, %mul3A_627 : vector<128000xf32>
    %get3A_629 = arith.constant 14 : index
    %get3A_630 = memref.load %arg2[%get3A_629] : memref<16xf32, #tpu.memory_space<smem>>
    %add3A_631 = vector.broadcast %get3A_630 : f32 to vector<128000xf32>
    %add3A_632 = arith.addf %add3A_628, %add3A_631 : vector<128000xf32>
    %max3A_633 = arith.constant 0.000000e+00 : f32
    %max3A_634 = vector.broadcast %max3A_633 : f32 to vector<128000xf32>
    %max3A_635 = arith.maximumf %add3A_632, %max3A_634 : vector<128000xf32>
    %get3A_636 = arith.constant 14 : index
    %get3A_637 = arith.constant 0 : index
    %get3A_638 = memref.load %arg3[%get3A_636, %get3A_637] : memref<16x3xf32, #tpu.memory_space<smem>>
    %mul3A_639 = vector.broadcast %get3A_638 : f32 to vector<128000xf32>
    %mul3A_640 = arith.mulf %max3A_635, %mul3A_639 : vector<128000xf32>
    %add3A_641 = arith.addf %add3A_599, %mul3A_640 : vector<128000xf32>
    %get3A_642 = arith.constant 14 : index
    %get3A_643 = arith.constant 1 : index
    %get3A_644 = memref.load %arg3[%get3A_642, %get3A_643] : memref<16x3xf32, #tpu.memory_space<smem>>
    %mul3A_645 = vector.broadcast %get3A_644 : f32 to vector<128000xf32>
    %mul3A_646 = arith.mulf %max3A_635, %mul3A_645 : vector<128000xf32>
    %add3A_647 = arith.addf %add3A_605, %mul3A_646 : vector<128000xf32>
    %get3A_648 = arith.constant 14 : index
    %get3A_649 = arith.constant 2 : index
    %get3A_650 = memref.load %arg3[%get3A_648, %get3A_649] : memref<16x3xf32, #tpu.memory_space<smem>>
    %mul3A_651 = vector.broadcast %get3A_650 : f32 to vector<128000xf32>
    %mul3A_652 = arith.mulf %max3A_635, %mul3A_651 : vector<128000xf32>
    %add3A_653 = arith.addf %add3A_611, %mul3A_652 : vector<128000xf32>
    %get3A_654 = arith.constant 0 : index
    %get3A_655 = arith.constant 15 : index
    %get3A_656 = memref.load %arg1[%get3A_654, %get3A_655] : memref<3x16xf32, #tpu.memory_space<smem>>
    %mul3A_657 = vector.broadcast %get3A_656 : f32 to vector<128000xf32>
    %mul3A_658 = arith.mulf %add3A, %mul3A_657 : vector<128000xf32>
    %get3A_659 = arith.constant 1 : index
    %get3A_660 = arith.constant 15 : index
    %get3A_661 = memref.load %arg1[%get3A_659, %get3A_660] : memref<3x16xf32, #tpu.memory_space<smem>>
    %mul3A_662 = vector.broadcast %get3A_661 : f32 to vector<128000xf32>
    %mul3A_663 = arith.mulf %add3A_7, %mul3A_662 : vector<128000xf32>
    %add3A_664 = arith.addf %mul3A_658, %mul3A_663 : vector<128000xf32>
    %get3A_665 = arith.constant 2 : index
    %get3A_666 = arith.constant 15 : index
    %get3A_667 = memref.load %arg1[%get3A_665, %get3A_666] : memref<3x16xf32, #tpu.memory_space<smem>>
    %mul3A_668 = vector.broadcast %get3A_667 : f32 to vector<128000xf32>
    %mul3A_669 = arith.mulf %add3A_12, %mul3A_668 : vector<128000xf32>
    %add3A_670 = arith.addf %add3A_664, %mul3A_669 : vector<128000xf32>
    %get3A_671 = arith.constant 15 : index
    %get3A_672 = memref.load %arg2[%get3A_671] : memref<16xf32, #tpu.memory_space<smem>>
    %add3A_673 = vector.broadcast %get3A_672 : f32 to vector<128000xf32>
    %add3A_674 = arith.addf %add3A_670, %add3A_673 : vector<128000xf32>
    %max3A_675 = arith.constant 0.000000e+00 : f32
    %max3A_676 = vector.broadcast %max3A_675 : f32 to vector<128000xf32>
    %max3A_677 = arith.maximumf %add3A_674, %max3A_676 : vector<128000xf32>
    %get3A_678 = arith.constant 15 : index
    %get3A_679 = arith.constant 0 : index
    %get3A_680 = memref.load %arg3[%get3A_678, %get3A_679] : memref<16x3xf32, #tpu.memory_space<smem>>
    %mul3A_681 = vector.broadcast %get3A_680 : f32 to vector<128000xf32>
    %mul3A_682 = arith.mulf %max3A_677, %mul3A_681 : vector<128000xf32>
    %add3A_683 = arith.addf %add3A_641, %mul3A_682 : vector<128000xf32>
    %get3A_684 = arith.constant 15 : index
    %get3A_685 = arith.constant 1 : index
    %get3A_686 = memref.load %arg3[%get3A_684, %get3A_685] : memref<16x3xf32, #tpu.memory_space<smem>>
    %mul3A_687 = vector.broadcast %get3A_686 : f32 to vector<128000xf32>
    %mul3A_688 = arith.mulf %max3A_677, %mul3A_687 : vector<128000xf32>
    %add3A_689 = arith.addf %add3A_647, %mul3A_688 : vector<128000xf32>
    %get3A_690 = arith.constant 15 : index
    %get3A_691 = arith.constant 2 : index
    %get3A_692 = memref.load %arg3[%get3A_690, %get3A_691] : memref<16x3xf32, #tpu.memory_space<smem>>
    %mul3A_693 = vector.broadcast %get3A_692 : f32 to vector<128000xf32>
    %mul3A_694 = arith.mulf %max3A_677, %mul3A_693 : vector<128000xf32>
    %add3A_695 = arith.addf %add3A_653, %mul3A_694 : vector<128000xf32>
    %swap3A_696 = arith.constant 0 : index
    %swap3A_697 = vector.load %arg14[%swap3A_696] : memref<128000xf32, #tpu.memory_space<vmem>>, vector<128000xf32>
    tpu.vector_store %arg14[%swap3A_696], %add3A_683 {strides = array<i32>} : memref<128000xf32, #tpu.memory_space<vmem>>, vector<128000xf32>,
    %swap3A_698 = arith.constant 0 : index
    %swap3A_699 = vector.load %arg15[%swap3A_698] : memref<128000xf32, #tpu.memory_space<vmem>>, vector<128000xf32>
    tpu.vector_store %arg15[%swap3A_698], %add3A_689 {strides = array<i32>} : memref<128000xf32, #tpu.memory_space<vmem>>, vector<128000xf32>,
    %swap3A_700 = arith.constant 0 : index
    %swap3A_701 = vector.load %arg16[%swap3A_700] : memref<128000xf32, #tpu.memory_space<vmem>>, vector<128000xf32>
    tpu.vector_store %arg16[%swap3A_700], %add3A_695 {strides = array<i32>} : memref<128000xf32, #tpu.memory_space<vmem>>, vector<128000xf32>,
    return
  }
  func.func @transform_0(%arg0: i32) -> (i32, i32) {
    %c0_i32 = arith.constant 0 : i32
    %c0_i32_0 = arith.constant 0 : i32
    %c0_i32_1 = arith.constant 0 : i32
    return %c0_i32, %c0_i32_0 : i32, i32
  }
  func.func @transform_1(%arg0: i32) -> i32 {
    %c0_i32 = arith.constant 0 : i32
    %c0_i32_0 = arith.constant 0 : i32
    return %c0_i32 : i32
  }
  func.func @transform_2(%arg0: i32) -> (i32, i32) {
    %c0_i32 = arith.constant 0 : i32
    %c0_i32_0 = arith.constant 0 : i32
    %c0_i32_1 = arith.constant 0 : i32
    return %c0_i32, %c0_i32_0 : i32, i32
  }
  func.func @transform_3(%arg0: i32) -> i32 {
    %c0_i32 = arith.constant 0 : i32
    %c0_i32_0 = arith.constant 0 : i32
    return %c0_i32 : i32
  }
  func.func @transform_4(%arg0: i32) -> i32 {
    %c0_i32 = arith.constant 0 : i32
    return %arg0 : i32
  }
  func.func @transform_5(%arg0: i32) -> i32 {
    %c0_i32 = arith.constant 0 : i32
    return %arg0 : i32
  }
  func.func @transform_6(%arg0: i32) -> i32 {
    %c0_i32 = arith.constant 0 : i32
    return %arg0 : i32
  }
  func.func @transform_7(%arg0: i32) -> i32 {
    %c0_i32 = arith.constant 0 : i32
    return %arg0 : i32
  }
  func.func @transform_8(%arg0: i32) -> i32 {
    %c0_i32 = arith.constant 0 : i32
    return %arg0 : i32
  }
  func.func @transform_9(%arg0: i32) -> i32 {
    %c0_i32 = arith.constant 0 : i32
    return %arg0 : i32
  }
  func.func @transform_10(%arg0: i32) -> i32 {
    %c0_i32 = arith.constant 0 : i32
    return %arg0 : i32
  }
  func.func @transform_11(%arg0: i32) -> i32 {
    %c0_i32 = arith.constant 0 : i32
    return %arg0 : i32
  }
  func.func @transform_12(%arg0: i32) -> i32 {
    %c0_i32 = arith.constant 0 : i32
    return %arg0 : i32
  }
  func.func @transform_13(%arg0: i32) -> i32 {
    %c0_i32 = arith.constant 0 : i32
    return %arg0 : i32
  }
  func.func @transform_14(%arg0: i32) -> i32 {
    %c0_i32 = arith.constant 0 : i32
    return %arg0 : i32
  }
  func.func @transform_15(%arg0: i32) -> i32 {
    %c0_i32 = arith.constant 0 : i32
    return %arg0 : i32
  }
}

module attributes {stable_mosaic.version = 14 : i64} {
  func.func @_prep_body(%arg0: i32, %arg1: memref<256000xf32, #tpu.memory_space<vmem>>, %arg2: memref<256000xi32, #tpu.memory_space<vmem>>, %arg3: memref<256000xf32, #tpu.memory_space<vmem>>, %arg4: memref<256000xf32, #tpu.memory_space<vmem>>) attributes {dimension_semantics = [#tpu.dimension_semantics<arbitrary>], iteration_bounds = array<i64: 25>, scalar_prefetch = 0 : i64, scratch_operands = 0 : i64, tpu.core_type = #tpu.core_type<tc>, window_params = [{transform_indices = @transform_0, window_bounds = array<i64: 256000>}, {transform_indices = @transform_1, window_bounds = array<i64: 256000>}, {transform_indices = @transform_2, window_bounds = array<i64: 256000>}, {transform_indices = @transform_3, window_bounds = array<i64: 256000>}]} {
    %get3A = arith.constant 0 : index
    %get3A_0 = vector.load %arg1[%get3A] : memref<256000xf32, #tpu.memory_space<vmem>>, vector<256000xf32>
    %get3A_1 = arith.constant 0 : index
    %get3A_2 = vector.load %arg2[%get3A_1] : memref<256000xi32, #tpu.memory_space<vmem>>, vector<256000xi32>
    %convert_element_type3A = arith.sitofp %get3A_2 : vector<256000xi32> to vector<256000xf32>
    %max3A = arith.constant 1.000000e+00 : f32
    %max3A_3 = vector.broadcast %max3A : f32 to vector<256000xf32>
    %max3A_4 = arith.maximumf %convert_element_type3A, %max3A_3 : vector<256000xf32>
    %div3A = arith.divf %get3A_0, %max3A_4 : vector<256000xf32>
    %swap3A = arith.constant 0 : index
    %swap3A_5 = vector.load %arg3[%swap3A] : memref<256000xf32, #tpu.memory_space<vmem>>, vector<256000xf32>
    tpu.vector_store %arg3[%swap3A], %div3A {strides = array<i32>} : memref<256000xf32, #tpu.memory_space<vmem>>, vector<256000xf32>,
    %gt3A = arith.constant 0 : i32
    %gt3A_6 = vector.broadcast %gt3A : i32 to vector<256000xi32>
    %gt3A_7 = arith.cmpi sgt, %get3A_2, %gt3A_6 : vector<256000xi32>
    %jit3A = arith.constant 0.000000e+00 : f32
    %broadcast_in_dim3A = vector.broadcast %jit3A : f32 to vector<256000xf32>
    %select_n3A = arith.select %gt3A_7, %broadcast_in_dim3A, %get3A_0 : vector<256000xi1>, vector<256000xf32>
    %swap3A_8 = arith.constant 0 : index
    %swap3A_9 = vector.load %arg4[%swap3A_8] : memref<256000xf32, #tpu.memory_space<vmem>>, vector<256000xf32>
    tpu.vector_store %arg4[%swap3A_8], %select_n3A {strides = array<i32>} : memref<256000xf32, #tpu.memory_space<vmem>>, vector<256000xf32>,
    return
  }
  func.func @transform_0(%arg0: i32) -> i32 {
    %c0_i32 = arith.constant 0 : i32
    return %arg0 : i32
  }
  func.func @transform_1(%arg0: i32) -> i32 {
    %c0_i32 = arith.constant 0 : i32
    return %arg0 : i32
  }
  func.func @transform_2(%arg0: i32) -> i32 {
    %c0_i32 = arith.constant 0 : i32
    return %arg0 : i32
  }
  func.func @transform_3(%arg0: i32) -> i32 {
    %c0_i32 = arith.constant 0 : i32
    return %arg0 : i32
  }
}

</mosaic_0001>

<sc_bundles>
// kernel: kernel.6.cloned.1.call-start
scs
__scs_entry_jumppad:
0x0: {  	(pc) =	sbr.rel $0x88, $3  }
0x1: {  	(tag) =	ssettag $0x0;
	lr =	simm.s32 $0x1  }
0x2: {  	[smem:$0x3F95] =	sst lr;
	_ =	strace $0xD0000000  }
0x3: {  	_ = 	snop  }
0x4: {  	_ = 	snop  }
0x5: {  	_ = 	snop  }
0x6: {  	_ = 	snop  }
0x7: {  	_ = 	snop  }
__scs_overlays_trampoline_lowered:
0x8: {  	[smem:$0x3FA4] =	sst s0  }
0x9: {  	[smem:$0x3FA5] =	sst s1  }
0xa: {  	[smem:$0x3FA6] =	sst s2  }
0xb: {  	[smem:$0x3FA7] =	sst s3  }
0xc: {  	[smem:$0x3FA8] =	sst s4  }
0xd: {  	[smem:$0x3FA9] =	sst s5  }
0xe: {  	[smem:$0x3FAA] =	sst s6  }
0xf: {  	[smem:$0x3FAB] =	sst s7  }
0x10: {  	[smem:$0x3FAC] =	sst s8  }
0x11: {  	[smem:$0x3FAD] =	sst s9;
	s0 =	simm.s32 @!p0 $0x0  }
0x12: {  	s1 =	sld [smem:$0x3F93];
	s0 =	simm.s32 @p0 $0x1  }
0x13: {  	[smem:$0x3FAE] =	sst s0;
	s0 =	simm.s32 @!p1 $0x0  }
0x14: {  	s2 =	sld [smem:$0x3F92];
	s0 =	simm.s32 @p1 $0x1  }
0x15: {  	[smem:$0x3FAF] =	sst s0;
	s0 =	simm.s32 @!p2 $0x0  }
0x16: {  	s3 =	sld [smem:$0x3FDB];
	s0 =	simm.s32 @p2 $0x1  }
0x17: {  	s4 =	simm.s32 $0x1BF5;
	[smem:$0x3FB1] =	sst s0  }
0x18: {  	s0 =	sld [smem:$0x3F94];
	_ =	swait.ge [sflag:s4], $0x0  }
0x19: {  	s7 =	sld [smem:$0x3F95]  }
0x1a: {  	s8 =	sadd.s32 $0xFFFFE003, lr  }
0x1b: {  	s9 =	sadd.s32 $0xFFFFFEF7, lr;
	s5 =	simm.s32 $0xFFFFFFFF;
	p2 =	slt.u32 s8, $0xFFFFF086  }
0x1c: {  	p1 =	slt.u32 s9, $0xF7A;
	s5 =	simm.s32 @!p2 $0x0  }
0x1d: {  	s5 =	simm.s32 @p1 $0x1;
	p0 =	seq.s32 s7, s2  }
0x1e: {  	s7 =	smul.u32 @!p0 $0xF7A, s2;
	p2 =	seq.s32 @!p0 s5, $0x0  }
0x1f: {  	s9 =	smul.u32 $0xF7A, s1;
	s8 =	simm.s32 @!p0 $0x1BF5;
	p2 =	por !p2, p0  }
0x20: {  	[sflag:s8] =	ssyncset.s32 @!p0 $0xFFFFF086;
	s6 =	sadd.s32 @!p0 s3, s7;
	s7 =	simm.s32 @!p0 $0x108  }
0x21: {  	s3 =	sadd.s32 s3, s9;
	s6 =	sadd.s32 @!p0 $0x88, s6;
	s7 =	simm.s32 @p2 $0x1082  }
0x22: {  	[simem:s7], [sflag:s8] =	dma.local @!p0 [hbm:s6], $0xF7A  }
0x23: {  	s9 =	sor.u32 $0xD0000000, s2;
	s6 =	simm.s32 $0x108;
	_ =	swait.ge @!p0 [sflag:s8], $0x0  }
0x24: {  	s3 =	sadd.s32 $0x88, s3;
	s6 =	simm.s32 @!p1 $0x1082;
	[sflag:s4] =	ssyncset.s32 $0xFFFFF086  }
0x25: {  	[simem:s6], [sflag:s4] =	dma.local [hbm:s3], $0xF7A  }
0x26: {  	[smem:$0x3F95] =	sst s1;
	(tag) =	ssettag s2;
	_ =	strace s9  }
0x27: {  	s1 =	sld [smem:$0x3FA5]  }
0x28: {  	s2 =	sld [smem:$0x3FA6]  }
0x29: {  	s4 =	sld [smem:$0x3FA8]  }
0x2a: {  	p0 =	seq.s32 s5, $0x0;
	s5 =	sld [smem:$0x3FA9]  }
0x2b: {  	s6 =	sld [smem:$0x3FAA]  }
0x2c: {  	s7 =	sld [smem:$0x3FAB]  }
0x2d: {  	s3 =	simm.s32 $0x108;
	s8 =	sld [smem:$0x3FAC]  }
0x2e: {  	s3 =	simm.s32 @!p0 $0x1082;
	s9 =	sld [smem:$0x3FAD]  }
0x2f: {  	lr =	sadd.s32 s0, s3;
	s0 =	sld [smem:$0x3FA4]  }
0x30: {  	s3 =	sld [smem:$0x3FA7]  }
0x31: {  	[smem:$0x3FB0] =	sst s10  }
0x32: {  	s10 =	sld [smem:$0x3FAE];
	_ =	sdelay $0x3  }
0x33: {  	p0 =	seq.s32 s10, $0x1;
	s10 =	sld [smem:$0x3FB0];
	_ =	sdelay $0x3  }
0x34: {  	[smem:$0x3FB0] =	sst s10  }
0x35: {  	s10 =	sld [smem:$0x3FAF];
	_ =	sdelay $0x3  }
0x36: {  	p1 =	seq.s32 s10, $0x1;
	s10 =	sld [smem:$0x3FB0];
	_ =	sdelay $0x3  }
0x37: {  	[smem:$0x3FB0] =	sst s10  }
0x38: {  	s10 =	sld [smem:$0x3FB1]  }
0x39: {  	_ = 	snop;
	(pc) =	sbr.ind lr, $3  }
0x3a: {  	_ = 	snop  }
0x3b: {  	_ = 	snop  }
0x3c: {  	p2 =	seq.s32 s10, $0x1;
	s10 =	sld [smem:$0x3FB0]  }
0x3d: {  	_ =	shalt  }
0x3e: {  	_ =	shalt  }
0x3f: {  	_ =	shalt  }
0x40: {  	_ =	shalt  }
0x41: {  	_ =	shalt  }
0x42: {  	_ =	shalt  }
0x43: {  	_ =	shalt  }
0x44: {  	_ =	shalt  }
0x45: {  	_ =	shalt  }
0x46: {  	_ =	shalt  }
0x47: {  	_ =	shalt  }
0x48: {  	_ =	shalt  }
0x49: {  	_ =	shalt  }
0x4a: {  	_ =	shalt  }
0x4b: {  	_ =	shalt  }
0x4c: {  	_ =	shalt  }
0x4d: {  	_ =	shalt  }
0x4e: {  	_ =	shalt  }
0x4f: {  	_ =	shalt  }
0x50: {  	_ =	shalt  }
0x51: {  	_ =	shalt  }
0x52: {  	_ =	shalt  }
0x53: {  	_ =	shalt  }
0x54: {  	_ =	shalt  }
0x55: {  	_ =	shalt  }
0x56: {  	_ =	shalt  }
0x57: {  	_ =	shalt  }
0x58: {  	_ =	shalt  }
0x59: {  	_ =	shalt  }
0x5a: {  	_ =	shalt  }
0x5b: {  	_ =	shalt  }
0x5c: {  	_ =	shalt  }
0x5d: {  	_ =	shalt  }
0x5e: {  	_ =	shalt  }
0x5f: {  	_ =	shalt  }
0x60: {  	_ =	shalt  }
0x61: {  	_ =	shalt  }
0x62: {  	_ =	shalt  }
0x63: {  	_ =	shalt  }
0x64: {  	_ =	shalt  }
0x65: {  	_ =	shalt  }
0x66: {  	_ =	shalt  }
0x67: {  	_ =	shalt  }
0x68: {  	_ =	shalt  }
0x69: {  	_ =	shalt  }
0x6a: {  	_ =	shalt  }
0x6b: {  	_ =	shalt  }
0x6c: {  	_ =	shalt  }
0x6d: {  	_ =	shalt  }
0x6e: {  	_ =	shalt  }
0x6f: {  	_ =	shalt  }
0x70: {  	_ =	shalt  }
0x71: {  	_ =	shalt  }
0x72: {  	_ =	shalt  }
0x73: {  	_ =	shalt  }
0x74: {  	_ =	shalt  }
0x75: {  	_ =	shalt  }
0x76: {  	_ =	shalt  }
0x77: {  	_ =	shalt  }
0x78: {  	_ =	shalt  }
0x79: {  	_ =	shalt  }
0x7a: {  	_ =	shalt  }
0x7b: {  	_ =	shalt  }
0x7c: {  	_ =	shalt  }
0x7d: {  	_ =	shalt  }
0x7e: {  	_ =	shalt  }
0x7f: {  	_ =	shalt  }
0x80: {  	_ =	shalt  }
0x81: {  	_ =	shalt  }
0x82: {  	_ =	shalt  }
0x83: {  	_ =	shalt  }
0x84: {  	_ =	shalt  }
0x85: {  	_ =	shalt  }
0x86: {  	_ =	shalt  }
0x87: {  	_ =	shalt  }
.Lfunc_end0:
.L_simem_size_0:
called_computation_lowered:
.L_overlay_start_0:
0x88: {  	s2 =	sld [smem:$0x3FD9]  }
0x89: {  	s3 =	sld [smem:$0x3FFE];
	_ =	sdelay $0x1  }
0x8a: {  	s1 =	srdreg.scid  }
0x8b: {  	s0 =	sand.u32 $0x1, s1  }
0x8c: {  	s14 =	sshll.u32 s0, $0xA;
	s2 =	sadd.s32 s3, s2  }
0x8d: {  	s2 =	sadd.s32 s2, s14  }
0x8e: {  	[smem:$0x3FBC] =	sst s2  }
0x8f: {  	_ = 	snop  }
0x90: {  	s2 =	sld [smem:$0x3FD0]  }
0x91: {  	s15 =	sld [smem:$0x3FC4]  }
0x92: {  	s4 =	sld [smem:$0x3FC3]  }
0x93: {  	s6 =	simm.s32 $0xA;
	s7 =	simm.s32 $0x10;
	s5 =	sld [smem:$0x3FC2]  }
0x94: {  	[smem:s7], [sflag:s6] =	dma.local [hbm:s2], $0x1  }
0x95: {  	_ =	swait.eq [sflag:s6], $0x1  }
0x96: {  	[sflag:s6] =	ssyncset.done $0x0  }
0x97: {  	[sflag:s6] =	ssyncadd.s32 $0xFFFFFFFF  }
0x98: {  	s16 =	sld [smem:$0x10];
	(tm) =	ssettm $0x1  }
0x99: {  	s17 =	sld [smem:$0x3FFB];
	_ =	sdelay $0x3  }
0x9a: {  	_ =	strace s17  }
0x9b: {  	s6 =	sld [smem:$0x3FFC];
	_ =	sdelay $0x3  }
0x9c: {  	_ =	strace s6  }
0x9d: {  	s6 =	sld [smem:$0x3FFD];
	_ =	sdelay $0x3  }
0x9e: {  	_ =	strace s6  }
0x9f: {  	_ =	strace $0x8FFFFFFF  }
0xa0: {  	s18 =	sld [smem:$0x3FDB];
	_ =	sdelay $0x1  }
0xa1: {  	s19 =	simm.s32 $_scs_section_size  }
0xa2: {  	s8 =	simm.s32 $_size__tile_overlayer_lowered;
	s9 =	simm.s32 $_tile_overlayer_lowered  }
0xa3: {  	s22 =	simm.s32 $0x1BFF;
	s21 =	sshll.u32 s9, $0x1;
	s6 =	sadd.s32 s19, s18  }
0xa4: {  	s10 =	simm.s32 $0x0;
	s20 =	sshll.u32 s8, $0x1;
	s8 =	sadd.s32 s21, s6  }
0xa5: {  	[timem:s10], [sflag:s22] =	dma.local [hbm:s8], s20  }
0xa6: {  	_ =	swait.ge [sflag:s22], s20  }
0xa7: {  	s7 =	ssub.s32 $0x0, s20;
	[sflag:s22] =	ssyncset.done $0x0  }
0xa8: {  	[sflag:s22] =	ssyncadd.s32 s7;
	_ =	sdelay $0x1  }
0xa9: {  	s23 =	simm.s32 $0x1B8B  }
0xaa: {  	_ =	swait.ge [sflag:s23], $0x1  }
0xab: {  	[sflag:s23] =	ssyncset.done $0x0  }
0xac: {  	s25 =	simm.s32 $0x1B8E;
	s24 =	sld [smem:$0x3FFE];
	[sflag:s23] =	ssyncadd.s32 $0xFFFFFFFF  }
0xad: {  	s26 =	simm.s32 $execute0_lowered;
	[smem:$0x3FD2] =	sst s25  }
0xae: {  	s8 =	sshll.u32 s26, $0x1;
	_ =	strace $0x80000046;
	[dreg:$0x1] =	wrdreg $0xFFFFFFFF  }
0xaf: {  	s28 =	simm.s32 $_size_execute0_lowered;
	s6 =	sadd.s32 s6, s8;
	[dreg:$0x0] =	wrdreg $0x0  }
0xb0: {  	s8 =	sshll.u32 s28, $0x1;
	[dreg:$0x2] =	wrdreg s6  }
0xb1: {  	[dreg:$0x3] =	wrdreg s8  }
0xb2: {  	[dreg:$0x4] =	wrdreg $0xC0  }
0xb3: {  	_ =	task [dreg:s10], $0x5FFFF  }
0xb4: {  	[dreg:$0x1] =	wrdreg $0xFFFFFFFF  }
0xb5: {  	[dreg:$0x0] =	wrdreg $0x60  }
0xb6: {  	[dreg:$0x2] =	wrdreg s16  }
0xb7: {  	[dreg:$0x3] =	wrdreg s15  }
0xb8: {  	[dreg:$0x4] =	wrdreg s4  }
0xb9: {  	[dreg:$0x5] =	wrdreg s5  }
0xba: {  	[dreg:$0x6] =	wrdreg s24  }
0xbb: {  	[dreg:$0x7] =	wrdreg $0x9  }
0xbc: {  	_ =	task.clear_ibuf [dreg:s10], $0x8FFFF;
	_ =	strace $0x90000046  }
0xbd: {  	s29 =	simm.s32 $0x9;
	_ =	strace $0x80000048  }
0xbe: {  	_ =	swait.ge [sflag:s29], $0x1  }
0xbf: {  	[sflag:s29] =	ssyncadd.s32 $0xFFFFFFFF  }
0xc0: {  	_ =	strace $0x90000048  }
0xc1: {  	_ =	sfence  }
0xc2: {  	s30 =	sld [smem:$0x0];
	_ =	sdelay $0x2  }
0xc3: {  	s31 =	sshll.u32 s1, $0xD;
	s1 =	sshrl.u32 s1, $0x2  }
0xc4: {  	s3 =	sand.u32 $0x4000, s31;
	s1 =	sadd.s32 s1, s30  }
0xc5: {  	s0 =	sor.u32 s3, s0;
	s1 =	sshll.u32 s1, $0x11  }
0xc6: {  	s0 =	sor.u32 s1, s0  }
0xc7: {  	s0 =	sadd.s32 $0x8F2B, s0  }
0xc8: {  	[sflag:s0] =	ssyncadd.remote.s32 $0x1  }
0xc9: {  	_ =	sfence.sel $0xFFFF  }
0xca: {  	[dreg:$0x0] =	wrdreg $0xFFFFFFFF;
	(pc) =	sbr.abs _section_cstart, $3  }
0xcb: {  	[dreg:$0x1] =	wrdreg $0xFFFFFFFF  }
0xcc: {  	_ =	task.clear_ibuf [dreg:s10], $0x2FFFF;
	_ =	strace $0x9FFFFFFF  }
0xcd: {  	(tm) =	ssettm $0x7FFFFFFF  }
tec
execute0_lowered:
.L_overlay_start_1:
0x0: {  	(tag) =	ssettag $0x1  }
0x1: {  	s1 =	rddreg [dreg:$0x0]  }
0x2: {  	s10 =	rddreg [dreg:$0x1]  }
0x3: {  	s8 =	rddreg [dreg:$0x2]  }
0x4: {  	s2 =	srdreg.scid;
	s6 =	rddreg [dreg:$0x3]  }
0x5: {  	s0 =	stileid.u32;
	s7 =	rddreg [dreg:$0x4];
	s3 =	simm.s32 $0x0  }
0x6: {  	s12 =	simm.s32 $0x4E20;
	s4 =	sand.u32 $0x1, s2;
	s5 =	smul.u32 $0x61A80, s0  }
0x7: {  	s13 =	simm.s32 $0x4E80;
	s14 =	simm.s32 $0x1;
	s9 =	smul.u32 $0x30D40, s4  }
0x8: {  	s15 =	simm.s32 $0x0;
	s2 =	rddreg [dreg:$0x5];
	s4 =	ssub.s32 $0x2, s4  }
0x9: {  	[smem:$0x7FF] =	sst s3;
	s30 =	sshrl.u32 s4, $0x1;
	s5 =	sadd.s32 s9, s5  }
0xa: {  	_ =	strace $0x80000047;
	s4 =	ssub.s32 s4, s30;
	s11 =	sshrl.u32 s5, $0x3  }
0xb: {  	s4 =	smax.u32 s4, $0x1;
	s31 =	sadd.s32 s11, s7;
	s6 =	sadd.s32 s11, s6  }
0xc: {  	s8 =	sadd.s32 s11, s8;
	s10 =	sadd.s32 s11, s10;
	s5 =	sadd.s32 $0x24BA00, s31  }
0xd: {  	s11 =	simm.s32 $0x2;
	s7 =	sadd.s32 $0x188400, s31;
	s9 =	sadd.s32 $0xC4E00, s31  }
.LBB2_1:
0xe: {  	s16 =	sadd.s32 $0x0, s10  }
0xf: {  	[tilespmem:s3], [sflag:$0x2] =	stream.linear.gather [hbm4b:s16+s3], $0x4E20, $0x38;
	[tilespmem:$0x9D00] =	vst v63  }
0x10: {  	_ =	swait.ge [sflag:s11], $0x4E20  }
0x11: {  	[sflag:s11] =	ssyncset.done $0x0  }
0x12: {  	[sflag:s11] =	ssyncadd.s32 $0xFFFFB1E0  }
0x13: {  	[tilespmem:s13], [sflag:$0x1] =	stream.indirect.gather [hbm4b:s1+s12], $0x1, s3, s12, $0xb8;
	[tilespmem:$0x9D00] =	vst v63  }
0x14: {  	_ =	swait.ge [sflag:s14], $0x4E20  }
0x15: {  	[sflag:s14] =	ssyncset.done $0x0  }
0x16: {  	s26 =	sadd.s32 $0x0, s9;
	[sflag:s14] =	ssyncadd.s32 $0xFFFFB1E0  }
0x17: {  	[hbm4b:s26+s3] =	stream.linear.scatter [tilespmem:s13], [sflag:$0x2], $0x4E20, $0x38;
	[tilespmem:$0x9D00] =	vst v63  }
0x18: {  	_ =	swait.ge [sflag:s11], $0x4E20  }
0x19: {  	[sflag:s11] =	ssyncset.done $0x0  }
0x1a: {  	s28 =	sadd.s32 $0x0, s8;
	[sflag:s11] =	ssyncadd.s32 $0xFFFFB1E0  }
0x1b: {  	[tilespmem:s3], [sflag:$0x2] =	stream.linear.gather [hbm4b:s28+s3], $0x4E20, $0x38;
	[tilespmem:$0x9D00] =	vst v63  }
0x1c: {  	_ =	swait.ge [sflag:s11], $0x4E20  }
0x1d: {  	[sflag:s11] =	ssyncset.done $0x0  }
0x1e: {  	[sflag:s11] =	ssyncadd.s32 $0xFFFFB1E0  }
0x1f: {  	[tilespmem:s13], [sflag:$0x1] =	stream.indirect.gather [hbm4b:s1+s12], $0x1, s3, s12, $0xb8;
	[tilespmem:$0x9D00] =	vst v63  }
0x20: {  	_ =	swait.ge [sflag:s14], $0x4E20  }
0x21: {  	[sflag:s14] =	ssyncset.done $0x0  }
0x22: {  	s29 =	sadd.s32 $0x0, s7;
	[sflag:s14] =	ssyncadd.s32 $0xFFFFB1E0  }
0x23: {  	[hbm4b:s29+s3] =	stream.linear.scatter [tilespmem:s13], [sflag:$0x2], $0x4E20, $0x38;
	[tilespmem:$0x9D00] =	vst v63  }
0x24: {  	_ =	swait.ge [sflag:s11], $0x4E20  }
0x25: {  	[sflag:s11] =	ssyncset.done $0x0  }
0x26: {  	s30 =	sadd.s32 $0x0, s6;
	[sflag:s11] =	ssyncadd.s32 $0xFFFFB1E0  }
0x27: {  	[tilespmem:s3], [sflag:$0x2] =	stream.linear.gather [hbm4b:s30+s3], $0x4E20, $0x38;
	[tilespmem:$0x9D00] =	vst v63  }
0x28: {  	_ =	swait.ge [sflag:s11], $0x4E20  }
0x29: {  	[sflag:s11] =	ssyncset.done $0x0  }
0x2a: {  	[sflag:s11] =	ssyncadd.s32 $0xFFFFB1E0  }
0x2b: {  	[tilespmem:s13], [sflag:$0x1] =	stream.indirect.gather [hbm4b:s1+s12], $0x1, s3, s12, $0xb8;
	[tilespmem:$0x9D00] =	vst v63  }
0x2c: {  	_ =	swait.ge [sflag:s14], $0x4E20  }
0x2d: {  	[sflag:s14] =	ssyncset.done $0x0  }
0x2e: {  	s31 =	sadd.s32 $0x0, s5;
	[sflag:s14] =	ssyncadd.s32 $0xFFFFB1E0  }
0x2f: {  	[hbm4b:s31+s3] =	stream.linear.scatter [tilespmem:s13], [sflag:$0x2], $0x4E20, $0x38;
	[tilespmem:$0x9D00] =	vst v63  }
0x30: {  	_ =	swait.ge [sflag:s11], $0x4E20  }
0x31: {  	s19 =	simm.s32 $0x1388;
	s16 =	simm.s32 $0x9C4;
	[sflag:s11] =	ssyncset.done $0x0  }
.LBB2_2:
0x32: {  	s20 =	sadd.s32 s16, s10  }
0x33: {  	[sflag:s11] =	ssyncadd.s32 $0xFFFFB1E0;
	s18 =	smov.u32 s19;
	s17 =	sadd.s32 $0x9C4, s19  }
0x34: {  	[tilespmem:s3], [sflag:$0x2] =	stream.linear.gather [hbm4b:s20+s3], $0x4E20, $0x38;
	[tilespmem:$0x9D00] =	vst v63  }
0x35: {  	p0 =	sne.s32 s19, $0x57E4;
	_ =	swait.ge [sflag:s11], $0x4E20  }
0x36: {  	[sflag:s11] =	ssyncset.done $0x0  }
0x37: {  	[sflag:s11] =	ssyncadd.s32 $0xFFFFB1E0  }
0x38: {  	[tilespmem:s13], [sflag:$0x1] =	stream.indirect.gather [hbm4b:s1+s12], $0x1, s3, s12, $0xb8;
	[tilespmem:$0x9D00] =	vst v63  }
0x39: {  	_ =	swait.ge [sflag:s14], $0x4E20  }
0x3a: {  	[sflag:s14] =	ssyncset.done $0x0  }
0x3b: {  	s19 =	sadd.s32 s16, s9;
	[sflag:s14] =	ssyncadd.s32 $0xFFFFB1E0  }
0x3c: {  	[hbm4b:s19+s3] =	stream.linear.scatter [tilespmem:s13], [sflag:$0x2], $0x4E20, $0x38;
	[tilespmem:$0x9D00] =	vst v63  }
0x3d: {  	_ =	swait.ge [sflag:s11], $0x4E20  }
0x3e: {  	[sflag:s11] =	ssyncset.done $0x0  }
0x3f: {  	s19 =	sadd.s32 s16, s8;
	[sflag:s11] =	ssyncadd.s32 $0xFFFFB1E0  }
0x40: {  	[tilespmem:s3], [sflag:$0x2] =	stream.linear.gather [hbm4b:s19+s3], $0x4E20, $0x38;
	[tilespmem:$0x9D00] =	vst v63  }
0x41: {  	_ =	swait.ge [sflag:s11], $0x4E20  }
0x42: {  	[sflag:s11] =	ssyncset.done $0x0  }
0x43: {  	[sflag:s11] =	ssyncadd.s32 $0xFFFFB1E0  }
0x44: {  	[tilespmem:s13], [sflag:$0x1] =	stream.indirect.gather [hbm4b:s1+s12], $0x1, s3, s12, $0xb8;
	[tilespmem:$0x9D00] =	vst v63  }
0x45: {  	_ =	swait.ge [sflag:s14], $0x4E20  }
0x46: {  	[sflag:s14] =	ssyncset.done $0x0  }
0x47: {  	s19 =	sadd.s32 s16, s7;
	[sflag:s14] =	ssyncadd.s32 $0xFFFFB1E0  }
0x48: {  	[hbm4b:s19+s3] =	stream.linear.scatter [tilespmem:s13], [sflag:$0x2], $0x4E20, $0x38;
	[tilespmem:$0x9D00] =	vst v63  }
0x49: {  	_ =	swait.ge [sflag:s11], $0x4E20  }
0x4a: {  	[sflag:s11] =	ssyncset.done $0x0  }
0x4b: {  	s19 =	sadd.s32 s16, s6;
	[sflag:s11] =	ssyncadd.s32 $0xFFFFB1E0  }
0x4c: {  	[tilespmem:s3], [sflag:$0x2] =	stream.linear.gather [hbm4b:s19+s3], $0x4E20, $0x38;
	[tilespmem:$0x9D00] =	vst v63  }
0x4d: {  	_ =	swait.ge [sflag:s11], $0x4E20  }
0x4e: {  	[sflag:s11] =	ssyncset.done $0x0  }
0x4f: {  	[sflag:s11] =	ssyncadd.s32 $0xFFFFB1E0  }
0x50: {  	[tilespmem:s13], [sflag:$0x1] =	stream.indirect.gather [hbm4b:s1+s12], $0x1, s3, s12, $0xb8;
	[tilespmem:$0x9D00] =	vst v63  }
0x51: {  	_ =	swait.ge [sflag:s14], $0x4E20  }
.Ltmp0:
0x52: {  	[sflag:s14] =	ssyncset.done $0x0;
	(pc) =	sbr.rel @p0 .LBB2_2-.Ltmp0, $4  }
0x53: {  	s19 =	sadd.s32 s16, s5;
	s16 =	smov.u32 s18;
	[sflag:s14] =	ssyncadd.s32 $0xFFFFB1E0  }
0x54: {  	[hbm4b:s19+s3] =	stream.linear.scatter [tilespmem:s13], [sflag:$0x2], $0x4E20, $0x38;
	[tilespmem:$0x9D00] =	vst v63  }
0x55: {  	_ =	swait.ge [sflag:s11], $0x4E20  }
0x56: {  	s19 =	smov.u32 s17;
	[sflag:s11] =	ssyncset.done $0x0  }
0x57: {  	s17 =	sadd.s32 s16, s10;
	[sflag:s11] =	ssyncadd.s32 $0xFFFFB1E0  }
0x58: {  	[tilespmem:s3], [sflag:$0x2] =	stream.linear.gather [hbm4b:s17+s3], $0x4E20, $0x38;
	[tilespmem:$0x9D00] =	vst v63  }
0x59: {  	_ =	swait.ge [sflag:s11], $0x4E20  }
0x5a: {  	[sflag:s11] =	ssyncset.done $0x0  }
0x5b: {  	[sflag:s11] =	ssyncadd.s32 $0xFFFFB1E0  }
0x5c: {  	[tilespmem:s13], [sflag:$0x1] =	stream.indirect.gather [hbm4b:s1+s12], $0x1, s3, s12, $0xb8;
	[tilespmem:$0x9D00] =	vst v63  }
0x5d: {  	_ =	swait.ge [sflag:s14], $0x4E20  }
0x5e: {  	[sflag:s14] =	ssyncset.done $0x0  }
0x5f: {  	s26 =	sadd.s32 s16, s9;
	[sflag:s14] =	ssyncadd.s32 $0xFFFFB1E0  }
0x60: {  	[hbm4b:s26+s3] =	stream.linear.scatter [tilespmem:s13], [sflag:$0x2], $0x4E20, $0x38;
	[tilespmem:$0x9D00] =	vst v63  }
0x61: {  	_ =	swait.ge [sflag:s11], $0x4E20  }
0x62: {  	[sflag:s11] =	ssyncset.done $0x0  }
0x63: {  	s28 =	sadd.s32 s16, s8;
	[sflag:s11] =	ssyncadd.s32 $0xFFFFB1E0  }
0x64: {  	[tilespmem:s3], [sflag:$0x2] =	stream.linear.gather [hbm4b:s28+s3], $0x4E20, $0x38;
	[tilespmem:$0x9D00] =	vst v63  }
0x65: {  	_ =	swait.ge [sflag:s11], $0x4E20  }
0x66: {  	[sflag:s11] =	ssyncset.done $0x0  }
0x67: {  	[sflag:s11] =	ssyncadd.s32 $0xFFFFB1E0  }
0x68: {  	[tilespmem:s13], [sflag:$0x1] =	stream.indirect.gather [hbm4b:s1+s12], $0x1, s3, s12, $0xb8;
	[tilespmem:$0x9D00] =	vst v63  }
0x69: {  	_ =	swait.ge [sflag:s14], $0x4E20  }
0x6a: {  	[sflag:s14] =	ssyncset.done $0x0  }
0x6b: {  	s29 =	sadd.s32 s16, s7;
	[sflag:s14] =	ssyncadd.s32 $0xFFFFB1E0  }
0x6c: {  	[hbm4b:s29+s3] =	stream.linear.scatter [tilespmem:s13], [sflag:$0x2], $0x4E20, $0x38;
	[tilespmem:$0x9D00] =	vst v63  }
0x6d: {  	_ =	swait.ge [sflag:s11], $0x4E20  }
0x6e: {  	[sflag:s11] =	ssyncset.done $0x0  }
0x6f: {  	s30 =	sadd.s32 s16, s6;
	[sflag:s11] =	ssyncadd.s32 $0xFFFFB1E0  }
0x70: {  	[tilespmem:s3], [sflag:$0x2] =	stream.linear.gather [hbm4b:s30+s3], $0x4E20, $0x38;
	[tilespmem:$0x9D00] =	vst v63  }
0x71: {  	_ =	swait.ge [sflag:s11], $0x4E20  }
0x72: {  	[sflag:s11] =	ssyncset.done $0x0  }
0x73: {  	[sflag:s11] =	ssyncadd.s32 $0xFFFFB1E0  }
0x74: {  	[tilespmem:s13], [sflag:$0x1] =	stream.indirect.gather [hbm4b:s1+s12], $0x1, s3, s12, $0xb8;
	[tilespmem:$0x9D00] =	vst v63  }
0x75: {  	s15 =	sadd.s32 $0x1, s15;
	_ =	swait.ge [sflag:s14], $0x4E20  }
0x76: {  	p0 =	sne.s32 s15, s4;
	[sflag:s14] =	ssyncset.done $0x0  }
.Ltmp1:
0x77: {  	s31 =	sadd.s32 s16, s5;
	[sflag:s14] =	ssyncadd.s32 $0xFFFFB1E0;
	(pc) =	sbr.rel @p0 .LBB2_1-.Ltmp1, $4  }
0x78: {  	[hbm4b:s31+s3] =	stream.linear.scatter [tilespmem:s13], [sflag:$0x2], $0x4E20, $0x38;
	[tilespmem:$0x9D00] =	vst v63  }
0x79: {  	_ =	swait.ge [sflag:s11], $0x4E20  }
0x7a: {  	[sflag:s11] =	ssyncset.done $0x0  }
0x7b: {  	[sflag:s11] =	ssyncadd.s32 $0xFFFFB1E0  }
0x7c: {  	_ =	sfence.sel $0x180000  }
0x7d: {  	[bflag:$0x0] =	sbarrier.arrive $0xFFFF  }
0x7e: {  	p0 =	sne.s32 s0, $0x0;
	_ =	strace $0x90000047  }
0x7f: {  	s0 =	sadd.s32 @!p0 $0x100000, s2;
	[bflag:$0x2] =	sbarrier.arrive $0xFFFF  }
0x80: {  	[sflag:s0] =	ssyncadd.tile.s32 @!p0 $0x1;
	_ =	shalt  }
.Lfunc_end2:
_tile_overlayer_lowered:
.L_overlay_start_2:
0x81: {  	(tag) =	ssettag $0x2  }
0x82: {  	s0 =	rddreg [dreg:$0x0];
	s2 =	stileid.u32  }
0x83: {  	s1 =	rddreg [dreg:$0x1];
	p0 =	sne.s32 s2, $0x0  }
0x84: {  	s3 =	rddreg [dreg:$0x2];
	[bflag:$0x3] =	sbarrier.arrive $0xFFFF;
	s2 =	simm.s32 @!p0 $0x1C02  }
0x85: {  	[timem:s3], [sflag:s2] =	dma.local @!p0 [hbm:s0], s1  }
0x86: {  	s0 =	simm.s32 @!p0 $0x2  }
0x87: {  	_ =	swait.ge @!p0 [sflag:s0], s1  }
0x88: {  	s1 =	ssub.s32 @!p0 $0x0, s1;
	[sflag:s0] =	ssyncset.done @!p0 $0x0  }
0x89: {  	[sflag:s0] =	ssyncadd.s32 @!p0 s1  }
0x8a: {  	[bflag:$0x3] =	sbarrier.arrive $0xFFFF  }
0x8b: {  	_ =	shalt  }

// kernel: kernel.9.cloned.1.call-start
scs
__scs_entry_jumppad:
0x0: {  	(pc) =	sbr.rel $0x88, $3  }
0x1: {  	(tag) =	ssettag $0x0;
	lr =	simm.s32 $0x1  }
0x2: {  	[smem:$0x3F95] =	sst lr;
	_ =	strace $0xD0000000  }
0x3: {  	_ = 	snop  }
0x4: {  	_ = 	snop  }
0x5: {  	_ = 	snop  }
0x6: {  	_ = 	snop  }
0x7: {  	_ = 	snop  }
__scs_overlays_trampoline_lowered:
0x8: {  	[smem:$0x3FA4] =	sst s0  }
0x9: {  	[smem:$0x3FA5] =	sst s1  }
0xa: {  	[smem:$0x3FA6] =	sst s2  }
0xb: {  	[smem:$0x3FA7] =	sst s3  }
0xc: {  	[smem:$0x3FA8] =	sst s4  }
0xd: {  	[smem:$0x3FA9] =	sst s5  }
0xe: {  	[smem:$0x3FAA] =	sst s6  }
0xf: {  	[smem:$0x3FAB] =	sst s7  }
0x10: {  	[smem:$0x3FAC] =	sst s8  }
0x11: {  	[smem:$0x3FAD] =	sst s9;
	s0 =	simm.s32 @!p0 $0x0  }
0x12: {  	s1 =	sld [smem:$0x3F93];
	s0 =	simm.s32 @p0 $0x1  }
0x13: {  	[smem:$0x3FAE] =	sst s0;
	s0 =	simm.s32 @!p1 $0x0  }
0x14: {  	s2 =	sld [smem:$0x3F92];
	s0 =	simm.s32 @p1 $0x1  }
0x15: {  	[smem:$0x3FAF] =	sst s0;
	s0 =	simm.s32 @!p2 $0x0  }
0x16: {  	s3 =	sld [smem:$0x3FDB];
	s0 =	simm.s32 @p2 $0x1  }
0x17: {  	s4 =	simm.s32 $0x1BF5;
	[smem:$0x3FB1] =	sst s0  }
0x18: {  	s0 =	sld [smem:$0x3F94];
	_ =	swait.ge [sflag:s4], $0x0  }
0x19: {  	s7 =	sld [smem:$0x3F95]  }
0x1a: {  	s8 =	sadd.s32 $0xFFFFE003, lr  }
0x1b: {  	s9 =	sadd.s32 $0xFFFFFEF7, lr;
	s5 =	simm.s32 $0xFFFFFFFF;
	p2 =	slt.u32 s8, $0xFFFFF086  }
0x1c: {  	p1 =	slt.u32 s9, $0xF7A;
	s5 =	simm.s32 @!p2 $0x0  }
0x1d: {  	s5 =	simm.s32 @p1 $0x1;
	p0 =	seq.s32 s7, s2  }
0x1e: {  	s7 =	smul.u32 @!p0 $0xF7A, s2;
	p2 =	seq.s32 @!p0 s5, $0x0  }
0x1f: {  	s9 =	smul.u32 $0xF7A, s1;
	s8 =	simm.s32 @!p0 $0x1BF5;
	p2 =	por !p2, p0  }
0x20: {  	[sflag:s8] =	ssyncset.s32 @!p0 $0xFFFFF086;
	s6 =	sadd.s32 @!p0 s3, s7;
	s7 =	simm.s32 @!p0 $0x108  }
0x21: {  	s3 =	sadd.s32 s3, s9;
	s6 =	sadd.s32 @!p0 $0x88, s6;
	s7 =	simm.s32 @p2 $0x1082  }
0x22: {  	[simem:s7], [sflag:s8] =	dma.local @!p0 [hbm:s6], $0xF7A  }
0x23: {  	s9 =	sor.u32 $0xD0000000, s2;
	s6 =	simm.s32 $0x108;
	_ =	swait.ge @!p0 [sflag:s8], $0x0  }
0x24: {  	s3 =	sadd.s32 $0x88, s3;
	s6 =	simm.s32 @!p1 $0x1082;
	[sflag:s4] =	ssyncset.s32 $0xFFFFF086  }
0x25: {  	[simem:s6], [sflag:s4] =	dma.local [hbm:s3], $0xF7A  }
0x26: {  	[smem:$0x3F95] =	sst s1;
	(tag) =	ssettag s2;
	_ =	strace s9  }
0x27: {  	s1 =	sld [smem:$0x3FA5]  }
0x28: {  	s2 =	sld [smem:$0x3FA6]  }
0x29: {  	s4 =	sld [smem:$0x3FA8]  }
0x2a: {  	p0 =	seq.s32 s5, $0x0;
	s5 =	sld [smem:$0x3FA9]  }
0x2b: {  	s6 =	sld [smem:$0x3FAA]  }
0x2c: {  	s7 =	sld [smem:$0x3FAB]  }
0x2d: {  	s3 =	simm.s32 $0x108;
	s8 =	sld [smem:$0x3FAC]  }
0x2e: {  	s3 =	simm.s32 @!p0 $0x1082;
	s9 =	sld [smem:$0x3FAD]  }
0x2f: {  	lr =	sadd.s32 s0, s3;
	s0 =	sld [smem:$0x3FA4]  }
0x30: {  	s3 =	sld [smem:$0x3FA7]  }
0x31: {  	[smem:$0x3FB0] =	sst s10  }
0x32: {  	s10 =	sld [smem:$0x3FAE];
	_ =	sdelay $0x3  }
0x33: {  	p0 =	seq.s32 s10, $0x1;
	s10 =	sld [smem:$0x3FB0];
	_ =	sdelay $0x3  }
0x34: {  	[smem:$0x3FB0] =	sst s10  }
0x35: {  	s10 =	sld [smem:$0x3FAF];
	_ =	sdelay $0x3  }
0x36: {  	p1 =	seq.s32 s10, $0x1;
	s10 =	sld [smem:$0x3FB0];
	_ =	sdelay $0x3  }
0x37: {  	[smem:$0x3FB0] =	sst s10  }
0x38: {  	s10 =	sld [smem:$0x3FB1]  }
0x39: {  	_ = 	snop;
	(pc) =	sbr.ind lr, $3  }
0x3a: {  	_ = 	snop  }
0x3b: {  	_ = 	snop  }
0x3c: {  	p2 =	seq.s32 s10, $0x1;
	s10 =	sld [smem:$0x3FB0]  }
0x3d: {  	_ =	shalt  }
0x3e: {  	_ =	shalt  }
0x3f: {  	_ =	shalt  }
0x40: {  	_ =	shalt  }
0x41: {  	_ =	shalt  }
0x42: {  	_ =	shalt  }
0x43: {  	_ =	shalt  }
0x44: {  	_ =	shalt  }
0x45: {  	_ =	shalt  }
0x46: {  	_ =	shalt  }
0x47: {  	_ =	shalt  }
0x48: {  	_ =	shalt  }
0x49: {  	_ =	shalt  }
0x4a: {  	_ =	shalt  }
0x4b: {  	_ =	shalt  }
0x4c: {  	_ =	shalt  }
0x4d: {  	_ =	shalt  }
0x4e: {  	_ =	shalt  }
0x4f: {  	_ =	shalt  }
0x50: {  	_ =	shalt  }
0x51: {  	_ =	shalt  }
0x52: {  	_ =	shalt  }
0x53: {  	_ =	shalt  }
0x54: {  	_ =	shalt  }
0x55: {  	_ =	shalt  }
0x56: {  	_ =	shalt  }
0x57: {  	_ =	shalt  }
0x58: {  	_ =	shalt  }
0x59: {  	_ =	shalt  }
0x5a: {  	_ =	shalt  }
0x5b: {  	_ =	shalt  }
0x5c: {  	_ =	shalt  }
0x5d: {  	_ =	shalt  }
0x5e: {  	_ =	shalt  }
0x5f: {  	_ =	shalt  }
0x60: {  	_ =	shalt  }
0x61: {  	_ =	shalt  }
0x62: {  	_ =	shalt  }
0x63: {  	_ =	shalt  }
0x64: {  	_ =	shalt  }
0x65: {  	_ =	shalt  }
0x66: {  	_ =	shalt  }
0x67: {  	_ =	shalt  }
0x68: {  	_ =	shalt  }
0x69: {  	_ =	shalt  }
0x6a: {  	_ =	shalt  }
0x6b: {  	_ =	shalt  }
0x6c: {  	_ =	shalt  }
0x6d: {  	_ =	shalt  }
0x6e: {  	_ =	shalt  }
0x6f: {  	_ =	shalt  }
0x70: {  	_ =	shalt  }
0x71: {  	_ =	shalt  }
0x72: {  	_ =	shalt  }
0x73: {  	_ =	shalt  }
0x74: {  	_ =	shalt  }
0x75: {  	_ =	shalt  }
0x76: {  	_ =	shalt  }
0x77: {  	_ =	shalt  }
0x78: {  	_ =	shalt  }
0x79: {  	_ =	shalt  }
0x7a: {  	_ =	shalt  }
0x7b: {  	_ =	shalt  }
0x7c: {  	_ =	shalt  }
0x7d: {  	_ =	shalt  }
0x7e: {  	_ =	shalt  }
0x7f: {  	_ =	shalt  }
0x80: {  	_ =	shalt  }
0x81: {  	_ =	shalt  }
0x82: {  	_ =	shalt  }
0x83: {  	_ =	shalt  }
0x84: {  	_ =	shalt  }
0x85: {  	_ =	shalt  }
0x86: {  	_ =	shalt  }
0x87: {  	_ =	shalt  }
.Lfunc_end0:
.L_simem_size_0:
called_computation.1_lowered:
.L_overlay_start_0:
0x88: {  	s2 =	sld [smem:$0x3FD9]  }
0x89: {  	s3 =	sld [smem:$0x3FFE];
	_ =	sdelay $0x1  }
0x8a: {  	s1 =	srdreg.scid  }
0x8b: {  	s0 =	sand.u32 $0x1, s1  }
0x8c: {  	s14 =	sshll.u32 s0, $0xA;
	s2 =	sadd.s32 s3, s2  }
0x8d: {  	s2 =	sadd.s32 s2, s14  }
0x8e: {  	[smem:$0x3FBC] =	sst s2  }
0x8f: {  	_ = 	snop  }
0x90: {  	s2 =	sld [smem:$0x3FD0]  }
0x91: {  	s15 =	sld [smem:$0x3FC4]  }
0x92: {  	s4 =	sld [smem:$0x3FC3]  }
0x93: {  	s6 =	simm.s32 $0xA;
	s7 =	simm.s32 $0x10;
	s5 =	sld [smem:$0x3FC2]  }
0x94: {  	[smem:s7], [sflag:s6] =	dma.local [hbm:s2], $0x1  }
0x95: {  	_ =	swait.eq [sflag:s6], $0x1  }
0x96: {  	[sflag:s6] =	ssyncset.done $0x0  }
0x97: {  	[sflag:s6] =	ssyncadd.s32 $0xFFFFFFFF  }
0x98: {  	s16 =	sld [smem:$0x10];
	(tm) =	ssettm $0x1  }
0x99: {  	s17 =	sld [smem:$0x3FFB];
	_ =	sdelay $0x3  }
0x9a: {  	_ =	strace s17  }
0x9b: {  	s6 =	sld [smem:$0x3FFC];
	_ =	sdelay $0x3  }
0x9c: {  	_ =	strace s6  }
0x9d: {  	s6 =	sld [smem:$0x3FFD];
	_ =	sdelay $0x3  }
0x9e: {  	_ =	strace s6  }
0x9f: {  	_ =	strace $0x8FFFFFFF  }
0xa0: {  	s18 =	sld [smem:$0x3FDB];
	_ =	sdelay $0x1  }
0xa1: {  	s19 =	simm.s32 $_scs_section_size  }
0xa2: {  	s8 =	simm.s32 $_size__tile_overlayer_lowered;
	s9 =	simm.s32 $_tile_overlayer_lowered  }
0xa3: {  	s22 =	simm.s32 $0x1BFF;
	s21 =	sshll.u32 s9, $0x1;
	s6 =	sadd.s32 s19, s18  }
0xa4: {  	s10 =	simm.s32 $0x0;
	s20 =	sshll.u32 s8, $0x1;
	s8 =	sadd.s32 s21, s6  }
0xa5: {  	[timem:s10], [sflag:s22] =	dma.local [hbm:s8], s20  }
0xa6: {  	_ =	swait.ge [sflag:s22], s20  }
0xa7: {  	s7 =	ssub.s32 $0x0, s20;
	[sflag:s22] =	ssyncset.done $0x0  }
0xa8: {  	[sflag:s22] =	ssyncadd.s32 s7;
	_ =	sdelay $0x1  }
0xa9: {  	s23 =	simm.s32 $0x1B8B  }
0xaa: {  	_ =	swait.ge [sflag:s23], $0x1  }
0xab: {  	[sflag:s23] =	ssyncset.done $0x0  }
0xac: {  	s25 =	simm.s32 $0x1B8E;
	s24 =	sld [smem:$0x3FFE];
	[sflag:s23] =	ssyncadd.s32 $0xFFFFFFFF  }
0xad: {  	s26 =	simm.s32 $execute0_lowered;
	[smem:$0x3FD2] =	sst s25  }
0xae: {  	s8 =	sshll.u32 s26, $0x1;
	_ =	strace $0x80000049;
	[dreg:$0x1] =	wrdreg $0xFFFFFFFF  }
0xaf: {  	s28 =	simm.s32 $_size_execute0_lowered;
	s6 =	sadd.s32 s6, s8;
	[dreg:$0x0] =	wrdreg $0x0  }
0xb0: {  	s8 =	sshll.u32 s28, $0x1;
	[dreg:$0x2] =	wrdreg s6  }
0xb1: {  	[dreg:$0x3] =	wrdreg s8  }
0xb2: {  	[dreg:$0x4] =	wrdreg $0xC0  }
0xb3: {  	_ =	task [dreg:s10], $0x5FFFF  }
0xb4: {  	[dreg:$0x1] =	wrdreg $0xFFFFFFFF  }
0xb5: {  	[dreg:$0x0] =	wrdreg $0x60  }
0xb6: {  	[dreg:$0x2] =	wrdreg s24  }
0xb7: {  	[dreg:$0x3] =	wrdreg s15  }
0xb8: {  	[dreg:$0x4] =	wrdreg s4  }
0xb9: {  	[dreg:$0x5] =	wrdreg s5  }
0xba: {  	[dreg:$0x6] =	wrdreg s16  }
0xbb: {  	[dreg:$0x7] =	wrdreg $0x0  }
0xbc: {  	[dreg:$0x8] =	wrdreg $0x9  }
0xbd: {  	_ =	task.clear_ibuf [dreg:s10], $0x9FFFF;
	_ =	strace $0x90000049  }
0xbe: {  	s29 =	simm.s32 $0x9;
	_ =	strace $0x8000004B  }
0xbf: {  	_ =	swait.ge [sflag:s29], $0x1  }
0xc0: {  	[sflag:s29] =	ssyncadd.s32 $0xFFFFFFFF  }
0xc1: {  	_ =	strace $0x9000004B  }
0xc2: {  	_ =	sfence  }
0xc3: {  	s30 =	sld [smem:$0x0];
	_ =	sdelay $0x2  }
0xc4: {  	s31 =	sshll.u32 s1, $0xD;
	s1 =	sshrl.u32 s1, $0x2  }
0xc5: {  	s3 =	sand.u32 $0x4000, s31;
	s1 =	sadd.s32 s1, s30  }
0xc6: {  	s0 =	sor.u32 s3, s0;
	s1 =	sshll.u32 s1, $0x11  }
0xc7: {  	s0 =	sor.u32 s1, s0  }
0xc8: {  	s0 =	sadd.s32 $0x8F2B, s0  }
0xc9: {  	[sflag:s0] =	ssyncadd.remote.s32 $0x1  }
0xca: {  	_ =	sfence.sel $0xFFFF  }
0xcb: {  	[dreg:$0x0] =	wrdreg $0xFFFFFFFF;
	(pc) =	sbr.abs _section_cstart, $3  }
0xcc: {  	[dreg:$0x1] =	wrdreg $0xFFFFFFFF  }
0xcd: {  	_ =	task.clear_ibuf [dreg:s10], $0x2FFFF;
	_ =	strace $0x9FFFFFFF  }
0xce: {  	(tm) =	ssettm $0x7FFFFFFF  }
0xcf: {  	_ =	shalt  }
tec
execute0_lowered:
.L_overlay_start_1:
0x0: {  	(tag) =	ssettag $0x1  }
0x1: {  	s0 =	srdreg.scid;
	s21 =	stileid.u32  }
0x2: {  	s3 =	sand.u32 $0x1, s0;
	s0 =	smul.u32 $0x186A0, s21  }
0x3: {  	s5 =	smul.u32 $0x186A00, s3  }
0x4: {  	s2 =	rddreg [dreg:$0x0]  }
0x5: {  	s4 =	rddreg [dreg:$0x4];
	s1 =	simm.s32 $0x0;
	s6 =	sadd.s32 s0, s5  }
0x6: {  	[smem:$0x7FF] =	sst s1;
	s8 =	sadd.s32 $0x1800, s2;
	s6 =	sshrl.u32 s6, $0x3  }
0x7: {  	s17 =	sadd.s32 s8, s6;
	s18 =	sadd.s32 $0x4E2, s6;
	s19 =	sadd.s32 $0x9C4, s6  }
0x8: {  	s10 =	sadd.s32 $0xEA6, s6;
	s22 =	sadd.s32 $0x1388, s6;
	s23 =	sadd.s32 $0x186A, s6  }
0x9: {  	s13 =	sadd.s32 $0x1D4C, s6;
	s25 =	sadd.s32 $0x222E, s6;
	s26 =	sadd.s32 $0x2710, s6  }
0xa: {  	s16 =	sadd.s32 $0x2BF2, s6;
	s6 =	sadd.s32 s4, s6;
	[dreg:$0x7] =	wrdreg s17  }
0xb: {  	s9 =	sadd.s32 s8, s18;
	[dreg:$0xf] =	wrdreg s6  }
0xc: {  	s11 =	sadd.s32 s8, s19;
	[dreg:$0x8] =	wrdreg s9  }
0xd: {  	s20 =	sadd.s32 s8, s10;
	[dreg:$0x9] =	wrdreg s11  }
0xe: {  	s12 =	sadd.s32 s8, s22;
	[dreg:$0xa] =	wrdreg s20  }
0xf: {  	s14 =	sadd.s32 s8, s23;
	[dreg:$0xb] =	wrdreg s12  }
0x10: {  	s3 =	ssub.s32 $0x2, s3;
	s24 =	sadd.s32 s8, s13;
	[dreg:$0xc] =	wrdreg s14  }
0x11: {  	s7 =	sshrl.u32 s3, $0x1;
	s15 =	sadd.s32 s8, s25;
	[dreg:$0xd] =	wrdreg s24  }
0x12: {  	s7 =	ssub.s32 s3, s7;
	s3 =	sadd.s32 s4, s18;
	[dreg:$0xe] =	wrdreg s15  }
0x13: {  	s10 =	sadd.s32 s4, s10;
	[dreg:$0x10] =	wrdreg s3  }
0x14: {  	s17 =	sadd.s32 s4, s13;
	[dreg:$0x12] =	wrdreg s10  }
0x15: {  	s18 =	sadd.s32 s4, s25;
	[dreg:$0x15] =	wrdreg s17  }
0x16: {  	s9 =	sadd.s32 s4, s19;
	[dreg:$0x16] =	wrdreg s18  }
0x17: {  	s11 =	sadd.s32 s4, s22;
	[dreg:$0x11] =	wrdreg s9  }
0x18: {  	s12 =	sadd.s32 s4, s23;
	[dreg:$0x13] =	wrdreg s11  }
0x19: {  	s19 =	sadd.s32 s8, s26;
	[dreg:$0x14] =	wrdreg s12  }
0x1a: {  	s10 =	sadd.s32 $0x30D400, s5;
	s20 =	sadd.s32 s4, s26;
	[dreg:$0x17] =	wrdreg s19  }
0x1b: {  	s23 =	sadd.s32 s8, s16;
	[dreg:$0x18] =	wrdreg s20;
	s22 =	sadd.s32 s0, s10  }
0x1c: {  	s24 =	sadd.s32 s4, s16;
	[dreg:$0x19] =	wrdreg s23;
	s3 =	sshrl.u32 s22, $0x3  }
0x1d: {  	[dreg:$0x1a] =	wrdreg s24;
	s25 =	sadd.s32 s8, s3;
	s6 =	sadd.s32 $0x4E2, s3  }
0x1e: {  	s9 =	sadd.s32 $0x9C4, s3;
	[dreg:$0x1b] =	wrdreg s25;
	s26 =	sadd.s32 s8, s6  }
0x1f: {  	s13 =	sadd.s32 $0xEA6, s3;
	s12 =	sadd.s32 s8, s9;
	[dreg:$0x1c] =	wrdreg s26  }
0x20: {  	s20 =	sadd.s32 $0x186A, s3;
	s18 =	sadd.s32 s8, s13;
	[dreg:$0x1d] =	wrdreg s12  }
0x21: {  	s16 =	sadd.s32 $0x1D4C, s3;
	s15 =	sadd.s32 s8, s20;
	[dreg:$0x1e] =	wrdreg s18  }
0x22: {  	s23 =	sadd.s32 $0x222E, s3;
	s22 =	sadd.s32 s8, s16;
	[smem:$0x7EC] =	sst s15  }
0x23: {  	s24 =	sadd.s32 $0x2710, s3;
	s17 =	sadd.s32 s8, s23;
	[smem:$0x7ED] =	sst s22  }
0x24: {  	s25 =	sadd.s32 s8, s24;
	[smem:$0x7EE] =	sst s17  }
0x25: {  	s6 =	sadd.s32 s4, s6;
	[smem:$0x7EF] =	sst s25  }
0x26: {  	s9 =	sadd.s32 s4, s9;
	[smem:$0x7F2] =	sst s6  }
0x27: {  	[smem:$0x7F3] =	sst s9  }
0x28: {  	s6 =	rddreg [dreg:$0x2]  }
0x29: {  	s20 =	sadd.s32 s4, s20;
	s9 =	rddreg [dreg:$0x3]  }
0x2a: {  	[smem:$0x7F6] =	sst s20  }
0x2b: {  	v0 =	vmov s5;
	s5 =	simm.s32 $0x2710;
	s23 =	sadd.s32 s4, s23;
	s12 =	rddreg [dreg:$0x5]  }
0x2c: {  	s19 =	sadd.s32 $0x1388, s3;
	s24 =	sadd.s32 s4, s24;
	[smem:$0x7F8] =	sst s23  }
0x2d: {  	s26 =	sadd.s32 s8, s19;
	s18 =	sadd.s32 s4, s13;
	[smem:$0x7F9] =	sst s24  }
0x2e: {  	s19 =	sadd.s32 s4, s19;
	s22 =	sadd.s32 s4, s16;
	[dreg:$0x1f] =	wrdreg s26  }
0x2f: {  	s16 =	sadd.s32 $0x30F000, s2;
	s17 =	sadd.s32 $0x3D2600, s2;
	[smem:$0x7F4] =	sst s18  }
0x30: {  	s25 =	sshll.u32 s21, $0x7;
	s26 =	sadd.s32 $0x2BF2, s3;
	[smem:$0x7F5] =	sst s19  }
0x31: {  	s3 =	sadd.s32 s4, s3;
	[smem:$0x7F7] =	sst s22;
	s18 =	sadd.s32 $0x495C00, s2  }
0x32: {  	s19 =	sadd.s32 s0, s12;
	s20 =	sadd.s32 $0x186A00, s25;
	s22 =	smul.u32 $0x61A80, s21  }
0x33: {  	s2 =	simm.s32 $0x1AEA0;
	s8 =	sadd.s32 s8, s26;
	[smem:$0x7F1] =	sst s3  }
0x34: {  	s3 =	rddreg [dreg:$0x1];
	s4 =	sadd.s32 s4, s26;
	s26 =	smax.u32 s7, $0x1  }
0x35: {  	s11 =	sadd.s32 $0x2710, s19;
	s13 =	sadd.s32 $0x4E20, s19;
	s25 =	sadd.s32 $0x7530, s19  }
0x36: {  	s28 =	sadd.s32 $0xC350, s19;
	s29 =	sadd.s32 $0xEA60, s19;
	[smem:$0x7F0] =	sst s8  }
0x37: {  	s30 =	sadd.s32 $0x11170, s19;
	s31 =	sadd.s32 $0x13880, s19;
	[smem:$0x7FA] =	sst s4  }
0x38: {  	s0 =	sadd.s32 $0x15F90, s19;
	_ =	strace $0x8000004A;
	[smem:$0x7FB] =	sst s26  }
0x39: {  	s7 =	simm.s32 $0x1D620;
	s4 =	simm.s32 $0x1;
	[smem:$0x7FC] =	sst s11  }
0x3a: {  	v2 =	vlaneseq.u32;
	v1 =	vmov s10;
	s8 =	simm.s32 $0x0;
	s26 =	sadd.s32 $0x9C40, s19;
	[smem:$0x7FD] =	sst s13  }
.LBB2_1:
0x3b: {  	s10 =	rddreg [dreg:$0x7]  }
0x3c: {  	[tilespmem:s2], [sflag:$0x1] =	stream.linear.gather [hbm4b:s10+s1], $0x2710, $0x38;
	[tilespmem:$0x1FDA0] =	vst v63  }
0x3d: {  	_ =	swait.ge [sflag:s4], $0x2710  }
0x3e: {  	[sflag:s4] =	ssyncset.done $0x0  }
0x3f: {  	[sflag:s4] =	ssyncadd.s32 $0xFFFFD8F0  }
0x40: {  	[spmem:s19] =	stream.linear.scatter [tilespmem:s2], [sflag:$0x1], $0x2710, $0x38;
	[tilespmem:$0x1FDA0] =	vst v63  }
0x41: {  	_ =	swait.ge [sflag:s4], $0x2710  }
0x42: {  	[sflag:s4] =	ssyncset.done $0x0  }
0x43: {  	s23 =	rddreg [dreg:$0x8];
	[sflag:s4] =	ssyncadd.s32 $0xFFFFD8F0  }
0x44: {  	[tilespmem:s2], [sflag:$0x1] =	stream.linear.gather [hbm4b:s23+s1], $0x2710, $0x38;
	[tilespmem:$0x1FDA0] =	vst v63  }
0x45: {  	_ =	swait.ge [sflag:s4], $0x2710  }
0x46: {  	[sflag:s4] =	ssyncset.done $0x0  }
0x47: {  	[sflag:s4] =	ssyncadd.s32 $0xFFFFD8F0  }
0x48: {  	[spmem:s11] =	stream.linear.scatter [tilespmem:s2], [sflag:$0x1], $0x2710, $0x38;
	[tilespmem:$0x1FDA0] =	vst v63  }
0x49: {  	_ =	swait.ge [sflag:s4], $0x2710  }
0x4a: {  	[sflag:s4] =	ssyncset.done $0x0  }
0x4b: {  	s24 =	rddreg [dreg:$0x9];
	[sflag:s4] =	ssyncadd.s32 $0xFFFFD8F0  }
0x4c: {  	[tilespmem:s2], [sflag:$0x1] =	stream.linear.gather [hbm4b:s24+s1], $0x2710, $0x38;
	[tilespmem:$0x1FDA0] =	vst v63  }
0x4d: {  	_ =	swait.ge [sflag:s4], $0x2710  }
0x4e: {  	[sflag:s4] =	ssyncset.done $0x0  }
0x4f: {  	[sflag:s4] =	ssyncadd.s32 $0xFFFFD8F0  }
0x50: {  	[spmem:s13] =	stream.linear.scatter [tilespmem:s2], [sflag:$0x1], $0x2710, $0x38;
	[tilespmem:$0x1FDA0] =	vst v63  }
0x51: {  	_ =	swait.ge [sflag:s4], $0x2710  }
0x52: {  	[sflag:s4] =	ssyncset.done $0x0  }
0x53: {  	s11 =	rddreg [dreg:$0xa];
	[sflag:s4] =	ssyncadd.s32 $0xFFFFD8F0  }
0x54: {  	[tilespmem:s2], [sflag:$0x1] =	stream.linear.gather [hbm4b:s11+s1], $0x2710, $0x38;
	[tilespmem:$0x1FDA0] =	vst v63  }
0x55: {  	_ =	swait.ge [sflag:s4], $0x2710  }
0x56: {  	[sflag:s4] =	ssyncset.done $0x0  }
0x57: {  	[sflag:s4] =	ssyncadd.s32 $0xFFFFD8F0  }
0x58: {  	[spmem:s25] =	stream.linear.scatter [tilespmem:s2], [sflag:$0x1], $0x2710, $0x38;
	[tilespmem:$0x1FDA0] =	vst v63  }
0x59: {  	_ =	swait.ge [sflag:s4], $0x2710  }
0x5a: {  	[sflag:s4] =	ssyncset.done $0x0  }
0x5b: {  	s13 =	rddreg [dreg:$0xb];
	[sflag:s4] =	ssyncadd.s32 $0xFFFFD8F0  }
0x5c: {  	[tilespmem:s2], [sflag:$0x1] =	stream.linear.gather [hbm4b:s13+s1], $0x2710, $0x38;
	[tilespmem:$0x1FDA0] =	vst v63  }
0x5d: {  	_ =	swait.ge [sflag:s4], $0x2710  }
0x5e: {  	[sflag:s4] =	ssyncset.done $0x0  }
0x5f: {  	[sflag:s4] =	ssyncadd.s32 $0xFFFFD8F0  }
0x60: {  	[spmem:s26] =	stream.linear.scatter [tilespmem:s2], [sflag:$0x1], $0x2710, $0x38;
	[tilespmem:$0x1FDA0] =	vst v63  }
0x61: {  	_ =	swait.ge [sflag:s4], $0x2710  }
0x62: {  	[sflag:s4] =	ssyncset.done $0x0  }
0x63: {  	s14 =	rddreg [dreg:$0xc];
	[sflag:s4] =	ssyncadd.s32 $0xFFFFD8F0  }
0x64: {  	[tilespmem:s2], [sflag:$0x1] =	stream.linear.gather [hbm4b:s14+s1], $0x2710, $0x38;
	[tilespmem:$0x1FDA0] =	vst v63  }
0x65: {  	_ =	swait.ge [sflag:s4], $0x2710  }
0x66: {  	[sflag:s4] =	ssyncset.done $0x0  }
0x67: {  	[sflag:s4] =	ssyncadd.s32 $0xFFFFD8F0  }
0x68: {  	[spmem:s28] =	stream.linear.scatter [tilespmem:s2], [sflag:$0x1], $0x2710, $0x38;
	[tilespmem:$0x1FDA0] =	vst v63  }
0x69: {  	_ =	swait.ge [sflag:s4], $0x2710  }
0x6a: {  	[sflag:s4] =	ssyncset.done $0x0  }
0x6b: {  	s15 =	rddreg [dreg:$0xd];
	[sflag:s4] =	ssyncadd.s32 $0xFFFFD8F0  }
0x6c: {  	[tilespmem:s2], [sflag:$0x1] =	stream.linear.gather [hbm4b:s15+s1], $0x2710, $0x38;
	[tilespmem:$0x1FDA0] =	vst v63  }
0x6d: {  	_ =	swait.ge [sflag:s4], $0x2710  }
0x6e: {  	[sflag:s4] =	ssyncset.done $0x0  }
0x6f: {  	[sflag:s4] =	ssyncadd.s32 $0xFFFFD8F0  }
0x70: {  	[spmem:s29] =	stream.linear.scatter [tilespmem:s2], [sflag:$0x1], $0x2710, $0x38;
	[tilespmem:$0x1FDA0] =	vst v63  }
0x71: {  	_ =	swait.ge [sflag:s4], $0x2710  }
0x72: {  	[sflag:s4] =	ssyncset.done $0x0  }
0x73: {  	s21 =	rddreg [dreg:$0xe];
	[sflag:s4] =	ssyncadd.s32 $0xFFFFD8F0  }
0x74: {  	[tilespmem:s2], [sflag:$0x1] =	stream.linear.gather [hbm4b:s21+s1], $0x2710, $0x38;
	[tilespmem:$0x1FDA0] =	vst v63  }
0x75: {  	_ =	swait.ge [sflag:s4], $0x2710  }
0x76: {  	[sflag:s4] =	ssyncset.done $0x0  }
0x77: {  	[sflag:s4] =	ssyncadd.s32 $0xFFFFD8F0  }
0x78: {  	[spmem:s30] =	stream.linear.scatter [tilespmem:s2], [sflag:$0x1], $0x2710, $0x38;
	[tilespmem:$0x1FDA0] =	vst v63  }
0x79: {  	_ =	swait.ge [sflag:s4], $0x2710  }
0x7a: {  	[sflag:s4] =	ssyncset.done $0x0  }
0x7b: {  	s23 =	rddreg [dreg:$0x17];
	[sflag:s4] =	ssyncadd.s32 $0xFFFFD8F0  }
0x7c: {  	[tilespmem:s2], [sflag:$0x1] =	stream.linear.gather [hbm4b:s23+s1], $0x2710, $0x38;
	[tilespmem:$0x1FDA0] =	vst v63  }
0x7d: {  	_ =	swait.ge [sflag:s4], $0x2710  }
0x7e: {  	[sflag:s4] =	ssyncset.done $0x0  }
0x7f: {  	[sflag:s4] =	ssyncadd.s32 $0xFFFFD8F0  }
0x80: {  	[spmem:s31] =	stream.linear.scatter [tilespmem:s2], [sflag:$0x1], $0x2710, $0x38;
	[tilespmem:$0x1FDA0] =	vst v63  }
0x81: {  	_ =	swait.ge [sflag:s4], $0x2710  }
0x82: {  	[sflag:s4] =	ssyncset.done $0x0  }
0x83: {  	s24 =	rddreg [dreg:$0x19];
	[sflag:s4] =	ssyncadd.s32 $0xFFFFD8F0  }
0x84: {  	[tilespmem:s2], [sflag:$0x1] =	stream.linear.gather [hbm4b:s24+s1], $0x2710, $0x38;
	[tilespmem:$0x1FDA0] =	vst v63  }
0x85: {  	_ =	swait.ge [sflag:s4], $0x2710  }
0x86: {  	[sflag:s4] =	ssyncset.done $0x0  }
0x87: {  	[sflag:s4] =	ssyncadd.s32 $0xFFFFD8F0  }
0x88: {  	[spmem:s0] =	stream.linear.scatter [tilespmem:s2], [sflag:$0x1], $0x2710, $0x38;
	[tilespmem:$0x1FDA0] =	vst v63  }
0x89: {  	_ =	swait.ge [sflag:s4], $0x2710  }
0x8a: {  	[sflag:s4] =	ssyncset.done $0x0  }
0x8b: {  	[sflag:s4] =	ssyncadd.s32 $0xFFFFD8F0  }
0x8c: {  	s10 =	simm.s32 $0x0;
	[bflag:$0x0] =	sbarrier.arrive $0xFFFF  }
.LBB2_2:
0x8d: {  	s11 =	smul.u32 $0x2710, s10;
	_ =	sdelay $0x1  }
0x8e: {  	s11 =	sadd.s32 s22, s11  }
0x8f: {  	s11 =	sshrl.u32 s11, $0x3  }
0x90: {  	s14 =	simm.s32 $0x0;
	s15 =	simm.s32 $0x18720;
	s13 =	sadd.s32 s3, s11  }
0x91: {  	[tilespmem:s15], [sflag:$0x1] =	stream.linear.gather [hbm4b:s13+s14], $0x2710, $0x38;
	[tilespmem:$0x1FDA0] =	vst v63  }
0x92: {  	_ =	swait.ge [sflag:s4], $0x2710  }
0x93: {  	[sflag:s4] =	ssyncset.done $0x0  }
0x94: {  	s23 =	sadd.s32 s16, s11;
	[sflag:s4] =	ssyncadd.s32 $0xFFFFD8F0  }
0x95: {  	[tilespmem:s2], [sflag:$0x1] =	stream.linear.gather [hbm4b:s23+s14], $0x2710, $0x38;
	[tilespmem:$0x1FDA0] =	vst v63  }
0x96: {  	_ =	swait.ge [sflag:s4], $0x2710  }
0x97: {  	[sflag:s4] =	ssyncset.done $0x0  }
0x98: {  	[sflag:s4] =	ssyncadd.s32 $0xFFFFD8F0  }
0x99: {  	v3 =	vld [tilespmem:s15+$0x0];
	_ =	sdelay $0x3  }
0x9a: {  	s24 =	sand.u32 $0x70, s14  }
0x9b: {  	s13 =	sor.u32 s20, s24;
	v3 =	vsub.s32 v3, v0  }
0x9c: {  	v4 =	vor.u32 s13, v2;
	vm0 =	vlt.u32 v3, $0x186A00  }
0x9d: {  	s13 =	simm.s32 $0x1D620;
	v3 =	vsel vm0, v3, v4  }
0x9e: {  	s14 =	simm.s32 $0x18730;
	[tilespmem:s13+$0x0] =	vst v3  }
0x9f: {  	s21 =	simm.s32 $0x20;
	s15 =	simm.s32 $0x10;
	v3 =	vld [tilespmem:s14+$0x0]  }
.LBB2_3:
0xa0: {  	p0 =	sne.s32 s21, $0x2700;
	_ =	sdelay $0x2  }
0xa1: {  	s23 =	sand.u32 $0x70, s15;
	s15 =	smov.u32 s21  }
.Ltmp0:
0xa2: {  	s23 =	sor.u32 s20, s23;
	v3 =	vsub.s32 v3, v0;
	(pc) =	sbr.rel @p0 .LBB2_3-.Ltmp0, $4  }
0xa3: {  	v4 =	vor.u32 s23, v2;
	vm0 =	vlt.u32 v3, $0x186A00  }
0xa4: {  	s13 =	sadd.s32 $0x10, s13;
	v3 =	vsel vm0, v3, v4  }
0xa5: {  	s14 =	sadd.s32 $0x10, s14;
	[tilespmem:s13+$0x0] =	vst v3  }
0xa6: {  	s21 =	sadd.s32 $0x10, s21;
	v3 =	vld [tilespmem:s14+$0x0]  }
0xa7: {  	_ =	sdelay $0x2  }
0xa8: {  	s14 =	sand.u32 $0x70, s15  }
0xa9: {  	s14 =	sor.u32 s20, s14;
	v3 =	vsub.s32 v3, v0  }
0xaa: {  	v4 =	vor.u32 s14, v2;
	vm0 =	vlt.u32 v3, $0x186A00  }
0xab: {  	s13 =	sadd.s32 $0x10, s13;
	v3 =	vsel vm0, v3, v4  }
0xac: {  	[tilespmem:s13+$0x0] =	vst v3;
	s13 =	simm.s32 $0x1D620  }
0xad: {  	[spmem:s12] =	stream.indirect.scatter.add.f32 [tilespmem:s2], [sflag:$0x1], $0x1, s13, s5, $0xb8;
	[tilespmem:$0x1FDA0] =	vst v63  }
0xae: {  	_ =	swait.ge [sflag:s4], $0x2710  }
0xaf: {  	s23 =	sadd.s32 s6, s11;
	[sflag:s4] =	ssyncset.done $0x0  }
0xb0: {  	s24 =	simm.s32 $0x0;
	s21 =	simm.s32 $0x18720;
	[sflag:s4] =	ssyncadd.s32 $0xFFFFD8F0  }
0xb1: {  	[tilespmem:s21], [sflag:$0x1] =	stream.linear.gather [hbm4b:s23+s24], $0x2710, $0x38;
	[tilespmem:$0x1FDA0] =	vst v63  }
0xb2: {  	_ =	swait.ge [sflag:s4], $0x2710  }
0xb3: {  	[sflag:s4] =	ssyncset.done $0x0  }
0xb4: {  	s23 =	sadd.s32 s17, s11;
	[sflag:s4] =	ssyncadd.s32 $0xFFFFD8F0  }
0xb5: {  	[tilespmem:s2], [sflag:$0x1] =	stream.linear.gather [hbm4b:s23+s24], $0x2710, $0x38;
	[tilespmem:$0x1FDA0] =	vst v63  }
0xb6: {  	_ =	swait.ge [sflag:s4], $0x2710  }
0xb7: {  	[sflag:s4] =	ssyncset.done $0x0  }
0xb8: {  	[sflag:s4] =	ssyncadd.s32 $0xFFFFD8F0  }
0xb9: {  	v3 =	vld [tilespmem:s21+$0x0];
	_ =	sdelay $0x3  }
0xba: {  	s24 =	sand.u32 $0x70, s24  }
0xbb: {  	s14 =	sor.u32 s20, s24;
	v3 =	vsub.s32 v3, v0  }
0xbc: {  	v4 =	vor.u32 s14, v2;
	vm15 =	vlt.u32 v3, $0x186A00  }
0xbd: {  	v3 =	vsel vm15, v3, v4  }
0xbe: {  	s14 =	simm.s32 $0x18730;
	[tilespmem:s13+$0x0] =	vst v3  }
0xbf: {  	s15 =	simm.s32 $0x10;
	s21 =	simm.s32 $0x20;
	v3 =	vld [tilespmem:s14+$0x0]  }
.LBB2_5:
0xc0: {  	p0 =	sne.s32 s21, $0x2700;
	_ =	sdelay $0x2  }
0xc1: {  	s23 =	sand.u32 $0x70, s15;
	s15 =	smov.u32 s21  }
.Ltmp1:
0xc2: {  	s23 =	sor.u32 s20, s23;
	v3 =	vsub.s32 v3, v0;
	(pc) =	sbr.rel @p0 .LBB2_5-.Ltmp1, $4  }
0xc3: {  	v4 =	vor.u32 s23, v2;
	vm0 =	vlt.u32 v3, $0x186A00  }
0xc4: {  	s13 =	sadd.s32 $0x10, s13;
	v3 =	vsel vm0, v3, v4  }
0xc5: {  	s14 =	sadd.s32 $0x10, s14;
	[tilespmem:s13+$0x0] =	vst v3  }
0xc6: {  	s21 =	sadd.s32 $0x10, s21;
	v3 =	vld [tilespmem:s14+$0x0]  }
0xc7: {  	_ =	sdelay $0x2  }
0xc8: {  	s14 =	sand.u32 $0x70, s15  }
0xc9: {  	s14 =	sor.u32 s20, s14;
	v3 =	vsub.s32 v3, v0  }
0xca: {  	v4 =	vor.u32 s14, v2;
	vm0 =	vlt.u32 v3, $0x186A00  }
0xcb: {  	s13 =	sadd.s32 $0x10, s13;
	v3 =	vsel vm0, v3, v4  }
0xcc: {  	[tilespmem:s13+$0x0] =	vst v3;
	s13 =	simm.s32 $0x1D620  }
0xcd: {  	[spmem:s12] =	stream.indirect.scatter.add.f32 [tilespmem:s2], [sflag:$0x1], $0x1, s13, s5, $0xb8;
	[tilespmem:$0x1FDA0] =	vst v63  }
0xce: {  	_ =	swait.ge [sflag:s4], $0x2710  }
0xcf: {  	s23 =	sadd.s32 s9, s11;
	[sflag:s4] =	ssyncset.done $0x0  }
0xd0: {  	s24 =	simm.s32 $0x0;
	s21 =	simm.s32 $0x18720;
	[sflag:s4] =	ssyncadd.s32 $0xFFFFD8F0  }
0xd1: {  	[tilespmem:s21], [sflag:$0x1] =	stream.linear.gather [hbm4b:s23+s24], $0x2710, $0x38;
	[tilespmem:$0x1FDA0] =	vst v63  }
0xd2: {  	_ =	swait.ge [sflag:s4], $0x2710  }
0xd3: {  	[sflag:s4] =	ssyncset.done $0x0  }
0xd4: {  	s23 =	sadd.s32 s18, s11;
	[sflag:s4] =	ssyncadd.s32 $0xFFFFD8F0  }
0xd5: {  	[tilespmem:s2], [sflag:$0x1] =	stream.linear.gather [hbm4b:s23+s24], $0x2710, $0x38;
	[tilespmem:$0x1FDA0] =	vst v63  }
0xd6: {  	_ =	swait.ge [sflag:s4], $0x2710  }
0xd7: {  	[sflag:s4] =	ssyncset.done $0x0  }
0xd8: {  	[sflag:s4] =	ssyncadd.s32 $0xFFFFD8F0  }
0xd9: {  	v3 =	vld [tilespmem:s21+$0x0];
	_ =	sdelay $0x3  }
0xda: {  	s24 =	sand.u32 $0x70, s24  }
0xdb: {  	s11 =	sor.u32 s20, s24;
	v3 =	vsub.s32 v3, v0  }
0xdc: {  	v4 =	vor.u32 s11, v2;
	vm15 =	vlt.u32 v3, $0x186A00  }
0xdd: {  	v3 =	vsel vm15, v3, v4  }
0xde: {  	s11 =	simm.s32 $0x18730;
	[tilespmem:s13+$0x0] =	vst v3  }
0xdf: {  	s15 =	simm.s32 $0x20;
	s14 =	simm.s32 $0x10;
	v3 =	vld [tilespmem:s11+$0x0]  }
.LBB2_7:
0xe0: {  	p0 =	sne.s32 s15, $0x2700;
	_ =	sdelay $0x2  }
0xe1: {  	s21 =	sand.u32 $0x70, s14;
	s14 =	smov.u32 s15  }
.Ltmp2:
0xe2: {  	s21 =	sor.u32 s20, s21;
	v3 =	vsub.s32 v3, v0;
	(pc) =	sbr.rel @p0 .LBB2_7-.Ltmp2, $4  }
0xe3: {  	v4 =	vor.u32 s21, v2;
	vm0 =	vlt.u32 v3, $0x186A00  }
0xe4: {  	s13 =	sadd.s32 $0x10, s13;
	v3 =	vsel vm0, v3, v4  }
0xe5: {  	s11 =	sadd.s32 $0x10, s11;
	[tilespmem:s13+$0x0] =	vst v3  }
0xe6: {  	s15 =	sadd.s32 $0x10, s15;
	v3 =	vld [tilespmem:s11+$0x0]  }
0xe7: {  	_ =	sdelay $0x2  }
0xe8: {  	s11 =	sand.u32 $0x70, s14  }
0xe9: {  	s11 =	sor.u32 s20, s11;
	v3 =	vsub.s32 v3, v0  }
0xea: {  	s10 =	sadd.s32 $0x1, s10;
	v4 =	vor.u32 s11, v2;
	vm0 =	vlt.u32 v3, $0x186A00  }
0xeb: {  	s24 =	sadd.s32 $0x10, s13;
	p0 =	sne.s32 s10, $0x28;
	v3 =	vsel vm0, v3, v4  }
.Ltmp3:
0xec: {  	[tilespmem:s24+$0x0] =	vst v3;
	(pc) =	sbr.rel @p0 .LBB2_2-.Ltmp3, $4  }
0xed: {  	[spmem:s12] =	stream.indirect.scatter.add.f32 [tilespmem:s2], [sflag:$0x1], $0x1, s7, s5, $0xb8;
	[tilespmem:$0x1FDA0] =	vst v63  }
0xee: {  	_ =	swait.ge [sflag:s4], $0x2710  }
0xef: {  	[sflag:s4] =	ssyncset.done $0x0  }
0xf0: {  	[sflag:s4] =	ssyncadd.s32 $0xFFFFD8F0  }
0xf1: {  	[bflag:$0x0] =	sbarrier.arrive $0xFFFF  }
0xf2: {  	[tilespmem:s2], [sflag:$0x1] =	stream.linear.gather [spmem:s19], $0x2710, $0x38;
	[tilespmem:$0x1FDA0] =	vst v63  }
0xf3: {  	_ =	swait.ge [sflag:s4], $0x2710  }
0xf4: {  	[sflag:s4] =	ssyncset.done $0x0  }
0xf5: {  	s10 =	simm.s32 $0x0;
	s11 =	rddreg [dreg:$0xf];
	[sflag:s4] =	ssyncadd.s32 $0xFFFFD8F0  }
0xf6: {  	[hbm4b:s11+s10] =	stream.linear.scatter [tilespmem:s2], [sflag:$0x1], $0x2710, $0x38;
	[tilespmem:$0x1FDA0] =	vst v63  }
0xf7: {  	_ =	swait.ge [sflag:s4], $0x2710  }
0xf8: {  	s13 =	sld [smem:$0x7FC]  }
0xf9: {  	[sflag:s4] =	ssyncset.done $0x0  }
0xfa: {  	[sflag:s4] =	ssyncadd.s32 $0xFFFFD8F0  }
0xfb: {  	[tilespmem:s2], [sflag:$0x1] =	stream.linear.gather [spmem:s13], $0x2710, $0x38;
	[tilespmem:$0x1FDA0] =	vst v63  }
0xfc: {  	_ =	swait.ge [sflag:s4], $0x2710  }
0xfd: {  	[sflag:s4] =	ssyncset.done $0x0  }
0xfe: {  	s14 =	rddreg [dreg:$0x10];
	[sflag:s4] =	ssyncadd.s32 $0xFFFFD8F0  }
0xff: {  	[hbm4b:s14+s10] =	stream.linear.scatter [tilespmem:s2], [sflag:$0x1], $0x2710, $0x38;
	[tilespmem:$0x1FDA0] =	vst v63  }
0x100: {  	_ =	swait.ge [sflag:s4], $0x2710  }
0x101: {  	s14 =	sld [smem:$0x7FD]  }
0x102: {  	[sflag:s4] =	ssyncset.done $0x0  }
0x103: {  	[sflag:s4] =	ssyncadd.s32 $0xFFFFD8F0  }
0x104: {  	[tilespmem:s2], [sflag:$0x1] =	stream.linear.gather [spmem:s14], $0x2710, $0x38;
	[tilespmem:$0x1FDA0] =	vst v63  }
0x105: {  	_ =	swait.ge [sflag:s4], $0x2710  }
0x106: {  	[sflag:s4] =	ssyncset.done $0x0  }
0x107: {  	s15 =	rddreg [dreg:$0x11];
	[sflag:s4] =	ssyncadd.s32 $0xFFFFD8F0  }
0x108: {  	[hbm4b:s15+s10] =	stream.linear.scatter [tilespmem:s2], [sflag:$0x1], $0x2710, $0x38;
	[tilespmem:$0x1FDA0] =	vst v63  }
0x109: {  	_ =	swait.ge [sflag:s4], $0x2710  }
0x10a: {  	[sflag:s4] =	ssyncset.done $0x0  }
0x10b: {  	[sflag:s4] =	ssyncadd.s32 $0xFFFFD8F0  }
0x10c: {  	[tilespmem:s2], [sflag:$0x1] =	stream.linear.gather [spmem:s25], $0x2710, $0x38;
	[tilespmem:$0x1FDA0] =	vst v63  }
0x10d: {  	_ =	swait.ge [sflag:s4], $0x2710  }
0x10e: {  	[sflag:s4] =	ssyncset.done $0x0  }
0x10f: {  	s21 =	rddreg [dreg:$0x12];
	[sflag:s4] =	ssyncadd.s32 $0xFFFFD8F0  }
0x110: {  	[hbm4b:s21+s10] =	stream.linear.scatter [tilespmem:s2], [sflag:$0x1], $0x2710, $0x38;
	[tilespmem:$0x1FDA0] =	vst v63  }
0x111: {  	_ =	swait.ge [sflag:s4], $0x2710  }
0x112: {  	[sflag:s4] =	ssyncset.done $0x0  }
0x113: {  	[sflag:s4] =	ssyncadd.s32 $0xFFFFD8F0  }
0x114: {  	[tilespmem:s2], [sflag:$0x1] =	stream.linear.gather [spmem:s26], $0x2710, $0x38;
	[tilespmem:$0x1FDA0] =	vst v63  }
0x115: {  	_ =	swait.ge [sflag:s4], $0x2710  }
0x116: {  	[sflag:s4] =	ssyncset.done $0x0  }
0x117: {  	s23 =	rddreg [dreg:$0x13];
	[sflag:s4] =	ssyncadd.s32 $0xFFFFD8F0  }
0x118: {  	[hbm4b:s23+s10] =	stream.linear.scatter [tilespmem:s2], [sflag:$0x1], $0x2710, $0x38;
	[tilespmem:$0x1FDA0] =	vst v63  }
0x119: {  	_ =	swait.ge [sflag:s4], $0x2710  }
0x11a: {  	[sflag:s4] =	ssyncset.done $0x0  }
0x11b: {  	[sflag:s4] =	ssyncadd.s32 $0xFFFFD8F0  }
0x11c: {  	[tilespmem:s2], [sflag:$0x1] =	stream.linear.gather [spmem:s28], $0x2710, $0x38;
	[tilespmem:$0x1FDA0] =	vst v63  }
0x11d: {  	_ =	swait.ge [sflag:s4], $0x2710  }
0x11e: {  	[sflag:s4] =	ssyncset.done $0x0  }
0x11f: {  	s24 =	rddreg [dreg:$0x14];
	[sflag:s4] =	ssyncadd.s32 $0xFFFFD8F0  }
0x120: {  	[hbm4b:s24+s10] =	stream.linear.scatter [tilespmem:s2], [sflag:$0x1], $0x2710, $0x38;
	[tilespmem:$0x1FDA0] =	vst v63  }
0x121: {  	_ =	swait.ge [sflag:s4], $0x2710  }
0x122: {  	[sflag:s4] =	ssyncset.done $0x0  }
0x123: {  	[sflag:s4] =	ssyncadd.s32 $0xFFFFD8F0  }
0x124: {  	[tilespmem:s2], [sflag:$0x1] =	stream.linear.gather [spmem:s29], $0x2710, $0x38;
	[tilespmem:$0x1FDA0] =	vst v63  }
0x125: {  	_ =	swait.ge [sflag:s4], $0x2710  }
0x126: {  	[sflag:s4] =	ssyncset.done $0x0  }
0x127: {  	s15 =	rddreg [dreg:$0x15];
	[sflag:s4] =	ssyncadd.s32 $0xFFFFD8F0  }
0x128: {  	[hbm4b:s15+s10] =	stream.linear.scatter [tilespmem:s2], [sflag:$0x1], $0x2710, $0x38;
	[tilespmem:$0x1FDA0] =	vst v63  }
0x129: {  	_ =	swait.ge [sflag:s4], $0x2710  }
0x12a: {  	[sflag:s4] =	ssyncset.done $0x0  }
0x12b: {  	[sflag:s4] =	ssyncadd.s32 $0xFFFFD8F0  }
0x12c: {  	[tilespmem:s2], [sflag:$0x1] =	stream.linear.gather [spmem:s30], $0x2710, $0x38;
	[tilespmem:$0x1FDA0] =	vst v63  }
0x12d: {  	_ =	swait.ge [sflag:s4], $0x2710  }
0x12e: {  	[sflag:s4] =	ssyncset.done $0x0  }
0x12f: {  	s21 =	rddreg [dreg:$0x16];
	[sflag:s4] =	ssyncadd.s32 $0xFFFFD8F0  }
0x130: {  	[hbm4b:s21+s10] =	stream.linear.scatter [tilespmem:s2], [sflag:$0x1], $0x2710, $0x38;
	[tilespmem:$0x1FDA0] =	vst v63  }
0x131: {  	_ =	swait.ge [sflag:s4], $0x2710  }
0x132: {  	[sflag:s4] =	ssyncset.done $0x0  }
0x133: {  	[sflag:s4] =	ssyncadd.s32 $0xFFFFD8F0  }
0x134: {  	[tilespmem:s2], [sflag:$0x1] =	stream.linear.gather [spmem:s31], $0x2710, $0x38;
	[tilespmem:$0x1FDA0] =	vst v63  }
0x135: {  	_ =	swait.ge [sflag:s4], $0x2710  }
0x136: {  	[sflag:s4] =	ssyncset.done $0x0  }
0x137: {  	s23 =	rddreg [dreg:$0x18];
	[sflag:s4] =	ssyncadd.s32 $0xFFFFD8F0  }
0x138: {  	[hbm4b:s23+s10] =	stream.linear.scatter [tilespmem:s2], [sflag:$0x1], $0x2710, $0x38;
	[tilespmem:$0x1FDA0] =	vst v63  }
0x139: {  	_ =	swait.ge [sflag:s4], $0x2710  }
0x13a: {  	[sflag:s4] =	ssyncset.done $0x0  }
0x13b: {  	[sflag:s4] =	ssyncadd.s32 $0xFFFFD8F0  }
0x13c: {  	[tilespmem:s2], [sflag:$0x1] =	stream.linear.gather [spmem:s0], $0x2710, $0x38;
	[tilespmem:$0x1FDA0] =	vst v63  }
0x13d: {  	_ =	swait.ge [sflag:s4], $0x2710  }
0x13e: {  	[sflag:s4] =	ssyncset.done $0x0  }
0x13f: {  	s24 =	rddreg [dreg:$0x1a];
	[sflag:s4] =	ssyncadd.s32 $0xFFFFD8F0  }
0x140: {  	[hbm4b:s24+s10] =	stream.linear.scatter [tilespmem:s2], [sflag:$0x1], $0x2710, $0x38;
	[tilespmem:$0x1FDA0] =	vst v63  }
0x141: {  	_ =	swait.ge [sflag:s4], $0x2710  }
0x142: {  	[sflag:s4] =	ssyncset.done $0x0  }
0x143: {  	[sflag:s4] =	ssyncadd.s32 $0xFFFFD8F0  }
0x144: {  	[bflag:$0x0] =	sbarrier.arrive $0xFFFF  }
0x145: {  	s15 =	rddreg [dreg:$0x1b]  }
0x146: {  	[tilespmem:s2], [sflag:$0x1] =	stream.linear.gather [hbm4b:s15+s10], $0x2710, $0x38;
	[tilespmem:$0x1FDA0] =	vst v63  }
0x147: {  	_ =	swait.ge [sflag:s4], $0x2710  }
0x148: {  	[sflag:s4] =	ssyncset.done $0x0  }
0x149: {  	[sflag:s4] =	ssyncadd.s32 $0xFFFFD8F0  }
0x14a: {  	[spmem:s19] =	stream.linear.scatter [tilespmem:s2], [sflag:$0x1], $0x2710, $0x38;
	[tilespmem:$0x1FDA0] =	vst v63  }
0x14b: {  	_ =	swait.ge [sflag:s4], $0x2710  }
0x14c: {  	[sflag:s4] =	ssyncset.done $0x0  }
0x14d: {  	s21 =	rddreg [dreg:$0x1c];
	[sflag:s4] =	ssyncadd.s32 $0xFFFFD8F0  }
0x14e: {  	[tilespmem:s2], [sflag:$0x1] =	stream.linear.gather [hbm4b:s21+s10], $0x2710, $0x38;
	[tilespmem:$0x1FDA0] =	vst v63  }
0x14f: {  	_ =	swait.ge [sflag:s4], $0x2710  }
0x150: {  	[sflag:s4] =	ssyncset.done $0x0  }
0x151: {  	[sflag:s4] =	ssyncadd.s32 $0xFFFFD8F0  }
0x152: {  	[spmem:s13] =	stream.linear.scatter [tilespmem:s2], [sflag:$0x1], $0x2710, $0x38;
	[tilespmem:$0x1FDA0] =	vst v63  }
0x153: {  	_ =	swait.ge [sflag:s4], $0x2710  }
0x154: {  	[sflag:s4] =	ssyncset.done $0x0  }
0x155: {  	s23 =	rddreg [dreg:$0x1d];
	[sflag:s4] =	ssyncadd.s32 $0xFFFFD8F0  }
0x156: {  	[tilespmem:s2], [sflag:$0x1] =	stream.linear.gather [hbm4b:s23+s10], $0x2710, $0x38;
	[tilespmem:$0x1FDA0] =	vst v63  }
0x157: {  	_ =	swait.ge [sflag:s4], $0x2710  }
0x158: {  	[sflag:s4] =	ssyncset.done $0x0  }
0x159: {  	[sflag:s4] =	ssyncadd.s32 $0xFFFFD8F0  }
0x15a: {  	[spmem:s14] =	stream.linear.scatter [tilespmem:s2], [sflag:$0x1], $0x2710, $0x38;
	[tilespmem:$0x1FDA0] =	vst v63  }
0x15b: {  	_ =	swait.ge [sflag:s4], $0x2710  }
0x15c: {  	[sflag:s4] =	ssyncset.done $0x0  }
0x15d: {  	s24 =	rddreg [dreg:$0x1e];
	[sflag:s4] =	ssyncadd.s32 $0xFFFFD8F0  }
0x15e: {  	[tilespmem:s2], [sflag:$0x1] =	stream.linear.gather [hbm4b:s24+s10], $0x2710, $0x38;
	[tilespmem:$0x1FDA0] =	vst v63  }
0x15f: {  	_ =	swait.ge [sflag:s4], $0x2710  }
0x160: {  	[sflag:s4] =	ssyncset.done $0x0  }
0x161: {  	[sflag:s4] =	ssyncadd.s32 $0xFFFFD8F0  }
0x162: {  	[spmem:s25] =	stream.linear.scatter [tilespmem:s2], [sflag:$0x1], $0x2710, $0x38;
	[tilespmem:$0x1FDA0] =	vst v63  }
0x163: {  	_ =	swait.ge [sflag:s4], $0x2710  }
0x164: {  	[sflag:s4] =	ssyncset.done $0x0  }
0x165: {  	s13 =	rddreg [dreg:$0x1f];
	[sflag:s4] =	ssyncadd.s32 $0xFFFFD8F0  }
0x166: {  	[tilespmem:s2], [sflag:$0x1] =	stream.linear.gather [hbm4b:s13+s10], $0x2710, $0x38;
	[tilespmem:$0x1FDA0] =	vst v63  }
0x167: {  	_ =	swait.ge [sflag:s4], $0x2710  }
0x168: {  	[sflag:s4] =	ssyncset.done $0x0  }
0x169: {  	[sflag:s4] =	ssyncadd.s32 $0xFFFFD8F0  }
0x16a: {  	[spmem:s26] =	stream.linear.scatter [tilespmem:s2], [sflag:$0x1], $0x2710, $0x38;
	[tilespmem:$0x1FDA0] =	vst v63  }
0x16b: {  	_ =	swait.ge [sflag:s4], $0x2710  }
0x16c: {  	s14 =	sld [smem:$0x7EC]  }
0x16d: {  	[sflag:s4] =	ssyncset.done $0x0  }
0x16e: {  	[sflag:s4] =	ssyncadd.s32 $0xFFFFD8F0  }
0x16f: {  	[tilespmem:s2], [sflag:$0x1] =	stream.linear.gather [hbm4b:s14+s10], $0x2710, $0x38;
	[tilespmem:$0x1FDA0] =	vst v63  }
0x170: {  	_ =	swait.ge [sflag:s4], $0x2710  }
0x171: {  	[sflag:s4] =	ssyncset.done $0x0  }
0x172: {  	[sflag:s4] =	ssyncadd.s32 $0xFFFFD8F0  }
0x173: {  	[spmem:s28] =	stream.linear.scatter [tilespmem:s2], [sflag:$0x1], $0x2710, $0x38;
	[tilespmem:$0x1FDA0] =	vst v63  }
0x174: {  	_ =	swait.ge [sflag:s4], $0x2710  }
0x175: {  	s15 =	sld [smem:$0x7ED]  }
0x176: {  	[sflag:s4] =	ssyncset.done $0x0  }
0x177: {  	[sflag:s4] =	ssyncadd.s32 $0xFFFFD8F0  }
0x178: {  	[tilespmem:s2], [sflag:$0x1] =	stream.linear.gather [hbm4b:s15+s10], $0x2710, $0x38;
	[tilespmem:$0x1FDA0] =	vst v63  }
0x179: {  	_ =	swait.ge [sflag:s4], $0x2710  }
0x17a: {  	[sflag:s4] =	ssyncset.done $0x0  }
0x17b: {  	[sflag:s4] =	ssyncadd.s32 $0xFFFFD8F0  }
0x17c: {  	[spmem:s29] =	stream.linear.scatter [tilespmem:s2], [sflag:$0x1], $0x2710, $0x38;
	[tilespmem:$0x1FDA0] =	vst v63  }
0x17d: {  	_ =	swait.ge [sflag:s4], $0x2710  }
0x17e: {  	s21 =	sld [smem:$0x7EE]  }
0x17f: {  	[sflag:s4] =	ssyncset.done $0x0  }
0x180: {  	[sflag:s4] =	ssyncadd.s32 $0xFFFFD8F0  }
0x181: {  	[tilespmem:s2], [sflag:$0x1] =	stream.linear.gather [hbm4b:s21+s10], $0x2710, $0x38;
	[tilespmem:$0x1FDA0] =	vst v63  }
0x182: {  	_ =	swait.ge [sflag:s4], $0x2710  }
0x183: {  	[sflag:s4] =	ssyncset.done $0x0  }
0x184: {  	[sflag:s4] =	ssyncadd.s32 $0xFFFFD8F0  }
0x185: {  	[spmem:s30] =	stream.linear.scatter [tilespmem:s2], [sflag:$0x1], $0x2710, $0x38;
	[tilespmem:$0x1FDA0] =	vst v63  }
0x186: {  	_ =	swait.ge [sflag:s4], $0x2710  }
0x187: {  	s23 =	sld [smem:$0x7EF]  }
0x188: {  	[sflag:s4] =	ssyncset.done $0x0  }
0x189: {  	[sflag:s4] =	ssyncadd.s32 $0xFFFFD8F0  }
0x18a: {  	[tilespmem:s2], [sflag:$0x1] =	stream.linear.gather [hbm4b:s23+s10], $0x2710, $0x38;
	[tilespmem:$0x1FDA0] =	vst v63  }
0x18b: {  	_ =	swait.ge [sflag:s4], $0x2710  }
0x18c: {  	[sflag:s4] =	ssyncset.done $0x0  }
0x18d: {  	[sflag:s4] =	ssyncadd.s32 $0xFFFFD8F0  }
0x18e: {  	[spmem:s31] =	stream.linear.scatter [tilespmem:s2], [sflag:$0x1], $0x2710, $0x38;
	[tilespmem:$0x1FDA0] =	vst v63  }
0x18f: {  	_ =	swait.ge [sflag:s4], $0x2710  }
0x190: {  	s24 =	sld [smem:$0x7F0]  }
0x191: {  	[sflag:s4] =	ssyncset.done $0x0  }
0x192: {  	[sflag:s4] =	ssyncadd.s32 $0xFFFFD8F0  }
0x193: {  	[tilespmem:s2], [sflag:$0x1] =	stream.linear.gather [hbm4b:s24+s10], $0x2710, $0x38;
	[tilespmem:$0x1FDA0] =	vst v63  }
0x194: {  	_ =	swait.ge [sflag:s4], $0x2710  }
0x195: {  	[sflag:s4] =	ssyncset.done $0x0  }
0x196: {  	[sflag:s4] =	ssyncadd.s32 $0xFFFFD8F0  }
0x197: {  	[spmem:s0] =	stream.linear.scatter [tilespmem:s2], [sflag:$0x1], $0x2710, $0x38;
	[tilespmem:$0x1FDA0] =	vst v63  }
0x198: {  	_ =	swait.ge [sflag:s4], $0x2710  }
0x199: {  	[sflag:s4] =	ssyncset.done $0x0  }
0x19a: {  	[sflag:s4] =	ssyncadd.s32 $0xFFFFD8F0  }
0x19b: {  	s11 =	simm.s32 $0x0;
	[bflag:$0x0] =	sbarrier.arrive $0xFFFF  }
.LBB2_10:
0x19c: {  	s13 =	smul.u32 $0x2710, s11;
	_ =	sdelay $0x1  }
0x19d: {  	s13 =	sadd.s32 s22, s13  }
0x19e: {  	s13 =	sshrl.u32 s13, $0x3  }
0x19f: {  	s15 =	simm.s32 $0x18720;
	s14 =	sadd.s32 s3, s13  }
0x1a0: {  	[tilespmem:s15], [sflag:$0x1] =	stream.linear.gather [hbm4b:s14+s10], $0x2710, $0x38;
	[tilespmem:$0x1FDA0] =	vst v63  }
0x1a1: {  	_ =	swait.ge [sflag:s4], $0x2710  }
0x1a2: {  	[sflag:s4] =	ssyncset.done $0x0  }
0x1a3: {  	s23 =	sadd.s32 s16, s13;
	[sflag:s4] =	ssyncadd.s32 $0xFFFFD8F0  }
0x1a4: {  	[tilespmem:s2], [sflag:$0x1] =	stream.linear.gather [hbm4b:s23+s10], $0x2710, $0x38;
	[tilespmem:$0x1FDA0] =	vst v63  }
0x1a5: {  	_ =	swait.ge [sflag:s4], $0x2710  }
0x1a6: {  	[sflag:s4] =	ssyncset.done $0x0  }
0x1a7: {  	[sflag:s4] =	ssyncadd.s32 $0xFFFFD8F0  }
0x1a8: {  	v3 =	vld [tilespmem:s15+$0x0];
	_ =	sdelay $0x3  }
0x1a9: {  	s24 =	sand.u32 $0x70, s10  }
0x1aa: {  	s14 =	sor.u32 s20, s24;
	v3 =	vsub.s32 v3, v1  }
0x1ab: {  	v4 =	vor.u32 s14, v2;
	vm0 =	vlt.u32 v3, $0x186A00  }
0x1ac: {  	s14 =	simm.s32 $0x1D620;
	v3 =	vsel vm0, v3, v4  }
0x1ad: {  	s15 =	simm.s32 $0x18730;
	[tilespmem:s14+$0x0] =	vst v3  }
0x1ae: {  	s21 =	simm.s32 $0x10;
	s23 =	simm.s32 $0x20;
	v3 =	vld [tilespmem:s15+$0x0]  }
.LBB2_11:
0x1af: {  	p0 =	sne.s32 s23, $0x2700;
	_ =	sdelay $0x2  }
0x1b0: {  	s24 =	sand.u32 $0x70, s21;
	s21 =	smov.u32 s23  }
.Ltmp4:
0x1b1: {  	s24 =	sor.u32 s20, s24;
	v3 =	vsub.s32 v3, v1;
	(pc) =	sbr.rel @p0 .LBB2_11-.Ltmp4, $4  }
0x1b2: {  	v4 =	vor.u32 s24, v2;
	vm0 =	vlt.u32 v3, $0x186A00  }
0x1b3: {  	s14 =	sadd.s32 $0x10, s14;
	v3 =	vsel vm0, v3, v4  }
0x1b4: {  	s15 =	sadd.s32 $0x10, s15;
	[tilespmem:s14+$0x0] =	vst v3  }
0x1b5: {  	s23 =	sadd.s32 $0x10, s23;
	v3 =	vld [tilespmem:s15+$0x0]  }
0x1b6: {  	_ =	sdelay $0x2  }
0x1b7: {  	s15 =	sand.u32 $0x70, s21  }
0x1b8: {  	s15 =	sor.u32 s20, s15;
	v3 =	vsub.s32 v3, v1  }
0x1b9: {  	v4 =	vor.u32 s15, v2;
	vm0 =	vlt.u32 v3, $0x186A00  }
0x1ba: {  	s14 =	sadd.s32 $0x10, s14;
	v3 =	vsel vm0, v3, v4  }
0x1bb: {  	[tilespmem:s14+$0x0] =	vst v3;
	s14 =	simm.s32 $0x1D620  }
0x1bc: {  	[spmem:s12] =	stream.indirect.scatter.add.f32 [tilespmem:s2], [sflag:$0x1], $0x1, s14, s5, $0xb8;
	[tilespmem:$0x1FDA0] =	vst v63  }
0x1bd: {  	_ =	swait.ge [sflag:s4], $0x2710  }
0x1be: {  	s24 =	sadd.s32 s6, s13;
	[sflag:s4] =	ssyncset.done $0x0  }
0x1bf: {  	s21 =	simm.s32 $0x0;
	s23 =	simm.s32 $0x18720;
	[sflag:s4] =	ssyncadd.s32 $0xFFFFD8F0  }
0x1c0: {  	[tilespmem:s23], [sflag:$0x1] =	stream.linear.gather [hbm4b:s24+s21], $0x2710, $0x38;
	[tilespmem:$0x1FDA0] =	vst v63  }
0x1c1: {  	_ =	swait.ge [sflag:s4], $0x2710  }
0x1c2: {  	[sflag:s4] =	ssyncset.done $0x0  }
0x1c3: {  	s24 =	sadd.s32 s17, s13;
	[sflag:s4] =	ssyncadd.s32 $0xFFFFD8F0  }
0x1c4: {  	[tilespmem:s2], [sflag:$0x1] =	stream.linear.gather [hbm4b:s24+s21], $0x2710, $0x38;
	[tilespmem:$0x1FDA0] =	vst v63  }
0x1c5: {  	_ =	swait.ge [sflag:s4], $0x2710  }
0x1c6: {  	[sflag:s4] =	ssyncset.done $0x0  }
0x1c7: {  	[sflag:s4] =	ssyncadd.s32 $0xFFFFD8F0  }
0x1c8: {  	v3 =	vld [tilespmem:s23+$0x0];
	_ =	sdelay $0x3  }
0x1c9: {  	s24 =	sand.u32 $0x70, s21  }
0x1ca: {  	s15 =	sor.u32 s20, s24;
	v3 =	vsub.s32 v3, v1  }
0x1cb: {  	v4 =	vor.u32 s15, v2;
	vm15 =	vlt.u32 v3, $0x186A00  }
0x1cc: {  	v3 =	vsel vm15, v3, v4  }
0x1cd: {  	s15 =	simm.s32 $0x18730;
	[tilespmem:s14+$0x0] =	vst v3  }
0x1ce: {  	s21 =	simm.s32 $0x10;
	s23 =	simm.s32 $0x20;
	v3 =	vld [tilespmem:s15+$0x0]  }
.LBB2_13:
0x1cf: {  	p0 =	sne.s32 s23, $0x2700;
	_ =	sdelay $0x2  }
0x1d0: {  	s24 =	sand.u32 $0x70, s21;
	s21 =	smov.u32 s23  }
.Ltmp5:
0x1d1: {  	s24 =	sor.u32 s20, s24;
	v3 =	vsub.s32 v3, v1;
	(pc) =	sbr.rel @p0 .LBB2_13-.Ltmp5, $4  }
0x1d2: {  	v4 =	vor.u32 s24, v2;
	vm0 =	vlt.u32 v3, $0x186A00  }
0x1d3: {  	s14 =	sadd.s32 $0x10, s14;
	v3 =	vsel vm0, v3, v4  }
0x1d4: {  	s15 =	sadd.s32 $0x10, s15;
	[tilespmem:s14+$0x0] =	vst v3  }
0x1d5: {  	s23 =	sadd.s32 $0x10, s23;
	v3 =	vld [tilespmem:s15+$0x0]  }
0x1d6: {  	_ =	sdelay $0x2  }
0x1d7: {  	s15 =	sand.u32 $0x70, s21  }
0x1d8: {  	s15 =	sor.u32 s20, s15;
	v3 =	vsub.s32 v3, v1  }
0x1d9: {  	v4 =	vor.u32 s15, v2;
	vm0 =	vlt.u32 v3, $0x186A00  }
0x1da: {  	s14 =	sadd.s32 $0x10, s14;
	v3 =	vsel vm0, v3, v4  }
0x1db: {  	[tilespmem:s14+$0x0] =	vst v3;
	s14 =	simm.s32 $0x1D620  }
0x1dc: {  	[spmem:s12] =	stream.indirect.scatter.add.f32 [tilespmem:s2], [sflag:$0x1], $0x1, s14, s5, $0xb8;
	[tilespmem:$0x1FDA0] =	vst v63  }
0x1dd: {  	_ =	swait.ge [sflag:s4], $0x2710  }
0x1de: {  	s21 =	sadd.s32 s9, s13;
	[sflag:s4] =	ssyncset.done $0x0  }
0x1df: {  	s24 =	simm.s32 $0x0;
	s23 =	simm.s32 $0x18720;
	[sflag:s4] =	ssyncadd.s32 $0xFFFFD8F0  }
0x1e0: {  	[tilespmem:s23], [sflag:$0x1] =	stream.linear.gather [hbm4b:s21+s24], $0x2710, $0x38;
	[tilespmem:$0x1FDA0] =	vst v63  }
0x1e1: {  	_ =	swait.ge [sflag:s4], $0x2710  }
0x1e2: {  	[sflag:s4] =	ssyncset.done $0x0  }
0x1e3: {  	s15 =	sadd.s32 s18, s13;
	[sflag:s4] =	ssyncadd.s32 $0xFFFFD8F0  }
0x1e4: {  	[tilespmem:s2], [sflag:$0x1] =	stream.linear.gather [hbm4b:s15+s24], $0x2710, $0x38;
	[tilespmem:$0x1FDA0] =	vst v63  }
0x1e5: {  	_ =	swait.ge [sflag:s4], $0x2710  }
0x1e6: {  	[sflag:s4] =	ssyncset.done $0x0  }
0x1e7: {  	[sflag:s4] =	ssyncadd.s32 $0xFFFFD8F0  }
0x1e8: {  	v3 =	vld [tilespmem:s23+$0x0];
	_ =	sdelay $0x3  }
0x1e9: {  	s24 =	sand.u32 $0x70, s24  }
0x1ea: {  	s13 =	sor.u32 s20, s24;
	v3 =	vsub.s32 v3, v1  }
0x1eb: {  	v4 =	vor.u32 s13, v2;
	vm15 =	vlt.u32 v3, $0x186A00  }
0x1ec: {  	v3 =	vsel vm15, v3, v4  }
0x1ed: {  	s13 =	simm.s32 $0x18730;
	[tilespmem:s14+$0x0] =	vst v3  }
0x1ee: {  	s21 =	simm.s32 $0x20;
	s15 =	simm.s32 $0x10;
	v3 =	vld [tilespmem:s13+$0x0]  }
.LBB2_15:
0x1ef: {  	p0 =	sne.s32 s21, $0x2700;
	_ =	sdelay $0x2  }
0x1f0: {  	s23 =	sand.u32 $0x70, s15;
	s15 =	smov.u32 s21  }
.Ltmp6:
0x1f1: {  	s23 =	sor.u32 s20, s23;
	v3 =	vsub.s32 v3, v1;
	(pc) =	sbr.rel @p0 .LBB2_15-.Ltmp6, $4  }
0x1f2: {  	v4 =	vor.u32 s23, v2;
	vm0 =	vlt.u32 v3, $0x186A00  }
0x1f3: {  	s14 =	sadd.s32 $0x10, s14;
	v3 =	vsel vm0, v3, v4  }
0x1f4: {  	s13 =	sadd.s32 $0x10, s13;
	[tilespmem:s14+$0x0] =	vst v3  }
0x1f5: {  	s21 =	sadd.s32 $0x10, s21;
	v3 =	vld [tilespmem:s13+$0x0]  }
0x1f6: {  	_ =	sdelay $0x2  }
0x1f7: {  	s13 =	sand.u32 $0x70, s15  }
0x1f8: {  	s13 =	sor.u32 s20, s13;
	v3 =	vsub.s32 v3, v1  }
0x1f9: {  	s11 =	sadd.s32 $0x1, s11;
	v4 =	vor.u32 s13, v2;
	vm0 =	vlt.u32 v3, $0x186A00  }
0x1fa: {  	s24 =	sadd.s32 $0x10, s14;
	p0 =	sne.s32 s11, $0x28;
	v3 =	vsel vm0, v3, v4  }
.Ltmp7:
0x1fb: {  	[tilespmem:s24+$0x0] =	vst v3;
	(pc) =	sbr.rel @p0 .LBB2_10-.Ltmp7, $4  }
0x1fc: {  	[spmem:s12] =	stream.indirect.scatter.add.f32 [tilespmem:s2], [sflag:$0x1], $0x1, s7, s5, $0xb8;
	[tilespmem:$0x1FDA0] =	vst v63  }
0x1fd: {  	_ =	swait.ge [sflag:s4], $0x2710  }
0x1fe: {  	[sflag:s4] =	ssyncset.done $0x0  }
0x1ff: {  	[sflag:s4] =	ssyncadd.s32 $0xFFFFD8F0  }
0x200: {  	[bflag:$0x0] =	sbarrier.arrive $0xFFFF  }
0x201: {  	[tilespmem:s2], [sflag:$0x1] =	stream.linear.gather [spmem:s19], $0x2710, $0x38;
	[tilespmem:$0x1FDA0] =	vst v63  }
0x202: {  	_ =	swait.ge [sflag:s4], $0x2710  }
0x203: {  	s10 =	sld [smem:$0x7F1]  }
0x204: {  	[sflag:s4] =	ssyncset.done $0x0  }
0x205: {  	[sflag:s4] =	ssyncadd.s32 $0xFFFFD8F0  }
0x206: {  	[hbm4b:s10+s1] =	stream.linear.scatter [tilespmem:s2], [sflag:$0x1], $0x2710, $0x38;
	[tilespmem:$0x1FDA0] =	vst v63  }
0x207: {  	_ =	swait.ge [sflag:s4], $0x2710  }
0x208: {  	s11 =	sld [smem:$0x7FC]  }
0x209: {  	[sflag:s4] =	ssyncset.done $0x0  }
0x20a: {  	[sflag:s4] =	ssyncadd.s32 $0xFFFFD8F0  }
0x20b: {  	[tilespmem:s2], [sflag:$0x1] =	stream.linear.gather [spmem:s11], $0x2710, $0x38;
	[tilespmem:$0x1FDA0] =	vst v63  }
0x20c: {  	_ =	swait.ge [sflag:s4], $0x2710  }
0x20d: {  	s14 =	sld [smem:$0x7F2]  }
0x20e: {  	[sflag:s4] =	ssyncset.done $0x0  }
0x20f: {  	[sflag:s4] =	ssyncadd.s32 $0xFFFFD8F0  }
0x210: {  	[hbm4b:s14+s1] =	stream.linear.scatter [tilespmem:s2], [sflag:$0x1], $0x2710, $0x38;
	[tilespmem:$0x1FDA0] =	vst v63  }
0x211: {  	_ =	swait.ge [sflag:s4], $0x2710  }
0x212: {  	s13 =	sld [smem:$0x7FD]  }
0x213: {  	[sflag:s4] =	ssyncset.done $0x0  }
0x214: {  	[sflag:s4] =	ssyncadd.s32 $0xFFFFD8F0  }
0x215: {  	[tilespmem:s2], [sflag:$0x1] =	stream.linear.gather [spmem:s13], $0x2710, $0x38;
	[tilespmem:$0x1FDA0] =	vst v63  }
0x216: {  	_ =	swait.ge [sflag:s4], $0x2710  }
0x217: {  	s15 =	sld [smem:$0x7F3]  }
0x218: {  	[sflag:s4] =	ssyncset.done $0x0  }
0x219: {  	[sflag:s4] =	ssyncadd.s32 $0xFFFFD8F0  }
0x21a: {  	[hbm4b:s15+s1] =	stream.linear.scatter [tilespmem:s2], [sflag:$0x1], $0x2710, $0x38;
	[tilespmem:$0x1FDA0] =	vst v63  }
0x21b: {  	_ =	swait.ge [sflag:s4], $0x2710  }
0x21c: {  	[sflag:s4] =	ssyncset.done $0x0  }
0x21d: {  	[sflag:s4] =	ssyncadd.s32 $0xFFFFD8F0  }
0x21e: {  	[tilespmem:s2], [sflag:$0x1] =	stream.linear.gather [spmem:s25], $0x2710, $0x38;
	[tilespmem:$0x1FDA0] =	vst v63  }
0x21f: {  	_ =	swait.ge [sflag:s4], $0x2710  }
0x220: {  	s21 =	sld [smem:$0x7F4]  }
0x221: {  	[sflag:s4] =	ssyncset.done $0x0  }
0x222: {  	[sflag:s4] =	ssyncadd.s32 $0xFFFFD8F0  }
0x223: {  	[hbm4b:s21+s1] =	stream.linear.scatter [tilespmem:s2], [sflag:$0x1], $0x2710, $0x38;
	[tilespmem:$0x1FDA0] =	vst v63  }
0x224: {  	_ =	swait.ge [sflag:s4], $0x2710  }
0x225: {  	[sflag:s4] =	ssyncset.done $0x0  }
0x226: {  	[sflag:s4] =	ssyncadd.s32 $0xFFFFD8F0  }
0x227: {  	[tilespmem:s2], [sflag:$0x1] =	stream.linear.gather [spmem:s26], $0x2710, $0x38;
	[tilespmem:$0x1FDA0] =	vst v63  }
0x228: {  	_ =	swait.ge [sflag:s4], $0x2710  }
0x229: {  	s23 =	sld [smem:$0x7F5]  }
0x22a: {  	[sflag:s4] =	ssyncset.done $0x0  }
0x22b: {  	[sflag:s4] =	ssyncadd.s32 $0xFFFFD8F0  }
0x22c: {  	[hbm4b:s23+s1] =	stream.linear.scatter [tilespmem:s2], [sflag:$0x1], $0x2710, $0x38;
	[tilespmem:$0x1FDA0] =	vst v63  }
0x22d: {  	_ =	swait.ge [sflag:s4], $0x2710  }
0x22e: {  	[sflag:s4] =	ssyncset.done $0x0  }
0x22f: {  	[sflag:s4] =	ssyncadd.s32 $0xFFFFD8F0  }
0x230: {  	[tilespmem:s2], [sflag:$0x1] =	stream.linear.gather [spmem:s28], $0x2710, $0x38;
	[tilespmem:$0x1FDA0] =	vst v63  }
0x231: {  	_ =	swait.ge [sflag:s4], $0x2710  }
0x232: {  	s24 =	sld [smem:$0x7F6]  }
0x233: {  	[sflag:s4] =	ssyncset.done $0x0  }
0x234: {  	[sflag:s4] =	ssyncadd.s32 $0xFFFFD8F0  }
0x235: {  	[hbm4b:s24+s1] =	stream.linear.scatter [tilespmem:s2], [sflag:$0x1], $0x2710, $0x38;
	[tilespmem:$0x1FDA0] =	vst v63  }
0x236: {  	_ =	swait.ge [sflag:s4], $0x2710  }
0x237: {  	[sflag:s4] =	ssyncset.done $0x0  }
0x238: {  	[sflag:s4] =	ssyncadd.s32 $0xFFFFD8F0  }
0x239: {  	[tilespmem:s2], [sflag:$0x1] =	stream.linear.gather [spmem:s29], $0x2710, $0x38;
	[tilespmem:$0x1FDA0] =	vst v63  }
0x23a: {  	_ =	swait.ge [sflag:s4], $0x2710  }
0x23b: {  	s14 =	sld [smem:$0x7F7]  }
0x23c: {  	[sflag:s4] =	ssyncset.done $0x0  }
0x23d: {  	[sflag:s4] =	ssyncadd.s32 $0xFFFFD8F0  }
0x23e: {  	[hbm4b:s14+s1] =	stream.linear.scatter [tilespmem:s2], [sflag:$0x1], $0x2710, $0x38;
	[tilespmem:$0x1FDA0] =	vst v63  }
0x23f: {  	_ =	swait.ge [sflag:s4], $0x2710  }
0x240: {  	[sflag:s4] =	ssyncset.done $0x0  }
0x241: {  	[sflag:s4] =	ssyncadd.s32 $0xFFFFD8F0  }
0x242: {  	[tilespmem:s2], [sflag:$0x1] =	stream.linear.gather [spmem:s30], $0x2710, $0x38;
	[tilespmem:$0x1FDA0] =	vst v63  }
0x243: {  	_ =	swait.ge [sflag:s4], $0x2710  }
0x244: {  	s15 =	sld [smem:$0x7F8]  }
0x245: {  	[sflag:s4] =	ssyncset.done $0x0  }
0x246: {  	[sflag:s4] =	ssyncadd.s32 $0xFFFFD8F0  }
0x247: {  	[hbm4b:s15+s1] =	stream.linear.scatter [tilespmem:s2], [sflag:$0x1], $0x2710, $0x38;
	[tilespmem:$0x1FDA0] =	vst v63  }
0x248: {  	_ =	swait.ge [sflag:s4], $0x2710  }
0x249: {  	[sflag:s4] =	ssyncset.done $0x0  }
0x24a: {  	[sflag:s4] =	ssyncadd.s32 $0xFFFFD8F0  }
0x24b: {  	[tilespmem:s2], [sflag:$0x1] =	stream.linear.gather [spmem:s31], $0x2710, $0x38;
	[tilespmem:$0x1FDA0] =	vst v63  }
0x24c: {  	_ =	swait.ge [sflag:s4], $0x2710  }
0x24d: {  	s21 =	sld [smem:$0x7F9]  }
0x24e: {  	[sflag:s4] =	ssyncset.done $0x0  }
0x24f: {  	[sflag:s4] =	ssyncadd.s32 $0xFFFFD8F0  }
0x250: {  	[hbm4b:s21+s1] =	stream.linear.scatter [tilespmem:s2], [sflag:$0x1], $0x2710, $0x38;
	[tilespmem:$0x1FDA0] =	vst v63  }
0x251: {  	_ =	swait.ge [sflag:s4], $0x2710  }
0x252: {  	[sflag:s4] =	ssyncset.done $0x0  }
0x253: {  	[sflag:s4] =	ssyncadd.s32 $0xFFFFD8F0  }
0x254: {  	[tilespmem:s2], [sflag:$0x1] =	stream.linear.gather [spmem:s0], $0x2710, $0x38;
	[tilespmem:$0x1FDA0] =	vst v63  }
0x255: {  	_ =	swait.ge [sflag:s4], $0x2710  }
0x256: {  	s23 =	sld [smem:$0x7FA]  }
0x257: {  	[sflag:s4] =	ssyncset.done $0x0  }
0x258: {  	[sflag:s4] =	ssyncadd.s32 $0xFFFFD8F0  }
0x259: {  	[hbm4b:s23+s1] =	stream.linear.scatter [tilespmem:s2], [sflag:$0x1], $0x2710, $0x38;
	[tilespmem:$0x1FDA0] =	vst v63  }
0x25a: {  	_ =	swait.ge [sflag:s4], $0x2710  }
0x25b: {  	s24 =	sld [smem:$0x7FB];
	_ =	sdelay $0x1  }
0x25c: {  	s8 =	sadd.s32 $0x1, s8  }
0x25d: {  	p0 =	sne.s32 s8, s24  }
.Ltmp8:
0x25e: {  	_ = 	snop;
	(pc) =	sbr.rel @p0 .LBB2_1-.Ltmp8, $3  }
0x25f: {  	[sflag:s4] =	ssyncset.done $0x0  }
0x260: {  	[sflag:s4] =	ssyncadd.s32 $0xFFFFD8F0  }
0x261: {  	[bflag:$0x0] =	sbarrier.arrive $0xFFFF;
	_ =	sdelay $0x1  }
0x262: {  	_ =	sfence.sel $0x180000  }
0x263: {  	[bflag:$0x0] =	sbarrier.arrive $0xFFFF  }
0x264: {  	_ =	strace $0x9000004A  }
0x265: {  	s0 =	stileid.u32;
	[bflag:$0x2] =	sbarrier.arrive $0xFFFF  }
0x266: {  	p0 =	sne.s32 s0, $0x0;
	s0 =	rddreg [dreg:$0x6]  }
0x267: {  	s0 =	sadd.s32 @!p0 $0x100000, s0  }
0x268: {  	[sflag:s0] =	ssyncadd.tile.s32 @!p0 $0x1;
	_ =	shalt  }
.Lfunc_end2:
_tile_overlayer_lowered:
.L_overlay_start_2:
0x269: {  	(tag) =	ssettag $0x2  }
0x26a: {  	s0 =	rddreg [dreg:$0x0];
	s2 =	stileid.u32  }
0x26b: {  	s1 =	rddreg [dreg:$0x1];
	p0 =	sne.s32 s2, $0x0  }
0x26c: {  	s3 =	rddreg [dreg:$0x2];
	[bflag:$0x3] =	sbarrier.arrive $0xFFFF;
	s2 =	simm.s32 @!p0 $0x1C01  }
0x26d: {  	[timem:s3], [sflag:s2] =	dma.local @!p0 [hbm:s0], s1  }
0x26e: {  	s0 =	simm.s32 @!p0 $0x1  }
0x26f: {  	_ =	swait.ge @!p0 [sflag:s0], s1  }
0x270: {  	s1 =	ssub.s32 @!p0 $0x0, s1;
	[sflag:s0] =	ssyncset.done @!p0 $0x0  }
0x271: {  	[sflag:s0] =	ssyncadd.s32 @!p0 s1  }
0x272: {  	[bflag:$0x3] =	sbarrier.arrive $0xFFFF  }
0x273: {  	_ =	shalt  }

</sc_bundles>
